<compile_context>
chip_gen: v7x
topology: tpu7x:2x2x1
jax: 0.10.2.dev20260603
libtpu: 0.0.44.dev20260713+nightly
codegen_flags: <defaults>
</compile_context>

<pallas_src>
import functools

import jax
import jax.numpy as jnp
from jax import lax
from jax.experimental import pallas as pl
from jax.experimental.pallas import tpu as pltpu
from jax.experimental.pallas import tpu_sc as plsc

_NS = 16
_CHUNK = 128
_BLK = 512
_TBLK = 3136


def _ceil_to(x, m):
    return (x + m - 1) // m * m



_NSLOT = 3


def _make_spmm(n2, nup, d, nch):
    rows_pt = nup // _NS
    mesh = plsc.VectorSubcoreMesh(core_axis_name="c", subcore_axis_name="s")

    @functools.partial(
        pl.kernel,
        mesh=mesh,
        out_type=jax.ShapeDtypeStruct((n2, d), jnp.float32),
        scratch_types=[
            pltpu.VMEM_SHARED((nup, d), jnp.float32),
        ] + [pltpu.VMEM((2, _CHUNK), jnp.int32)] * _NSLOT
          + [pltpu.VMEM((_CHUNK, d), jnp.float32)] * _NSLOT
          + [pltpu.SemaphoreType.DMA] * (3 * _NSLOT),
        compiler_params=pltpu.CompilerParams(use_tc_tiling_on_sc=False),
    )
    def spmm(xp, cidx, out, acc, *bufs):
        c = lax.axis_index("c")
        s = lax.axis_index("s")
        r0 = s * rows_pt
        base = c * nup + r0
        cbuf = bufs[0:_NSLOT]
        rbuf = bufs[_NSLOT:2 * _NSLOT]
        si = bufs[2 * _NSLOT:3 * _NSLOT]
        sg = bufs[3 * _NSLOT:4 * _NSLOT]
        ss = bufs[4 * _NSLOT:5 * _NSLOT]

        def start_i(k, b):
            pltpu.async_copy(cidx.at[c, s, k], cbuf[b], si[b])

        def wait_i(k, b):
            pltpu.make_async_copy(cidx.at[c, s, k], cbuf[b], si[b]).wait()

        def start_g(b):
            pltpu.async_copy(xp.at[cbuf[b].at[0]], rbuf[b], sg[b])

        def wait_g(b):
            pltpu.make_async_copy(xp.at[cbuf[b].at[0]], rbuf[b], sg[b]).wait()

        def start_s(b):
            pltpu.async_copy(rbuf[b], acc.at[cbuf[b].at[1]], ss[b], add=True)

        def wait_s(b):
            pltpu.make_async_copy(rbuf[b], acc.at[cbuf[b].at[1]], ss[b]).wait()

        start_i(0, 0)
        start_i(1, 1)
        pltpu.sync_copy(xp.at[pl.ds(base, rows_pt)], acc.at[pl.ds(r0, rows_pt)])
        plsc.subcore_barrier()
        wait_i(0, 0)
        start_g(0)

        def steady(k, j):
            j1 = (j + 1) % _NSLOT
            j2 = (j + 2) % _NSLOT
            wait_i(k + 1, j1)
            start_g(j1)
            wait_s(j2)
            start_i(k + 2, j2)
            wait_g(j)
            start_s(j)

        wait_i(1, 1)
        start_g(1)
        start_i(2, 2)
        wait_g(0)
        start_s(0)

        def trip(q, carry):
            for j in range(_NSLOT):
                k = 1 + q * _NSLOT + j
                steady(k, (1 + j) % _NSLOT)
            return carry

        lax.fori_loop(0, (nch - _NSLOT) // _NSLOT, trip, 0)

        wait_i(nch - 1, 2)
        start_g(2)
        wait_s(0)
        wait_g(1)
        start_s(1)
        wait_s(1)
        wait_g(2)
        start_s(2)
        wait_s(2)

        plsc.subcore_barrier()
        pltpu.sync_copy(acc.at[pl.ds(r0, rows_pt)], out.at[pl.ds(base, rows_pt)])

    return spmm


_DEGW = 16


def _make_deg(nup, nch):
    rows_pt = nup // _NS
    mesh = plsc.VectorSubcoreMesh(core_axis_name="c", subcore_axis_name="s")

    @functools.partial(
        pl.kernel,
        mesh=mesh,
        out_type=jax.ShapeDtypeStruct((2, nup, _DEGW), jnp.float32),
        scratch_types=[
            pltpu.VMEM_SHARED((nup, _DEGW), jnp.float32),
            pltpu.VMEM((_CHUNK, _DEGW), jnp.float32),
        ] + [pltpu.VMEM((_CHUNK,), jnp.int32)] * 3
          + [pltpu.SemaphoreType.DMA] * 6,
        compiler_params=pltpu.CompilerParams(use_tc_tiling_on_sc=False),
    )
    def deg(ones, sidx, out, acc, onesb, *bufs):
        c = lax.axis_index("c")
        s = lax.axis_index("s")
        r0 = s * rows_pt
        ibuf = bufs[0:3]
        si = bufs[3:6]
        ss = bufs[6:9]

        def start_i(k, b):
            pltpu.async_copy(sidx.at[c, s, k], ibuf[b], si[b])

        def wait_i(k, b):
            pltpu.make_async_copy(sidx.at[c, s, k], ibuf[b], si[b]).wait()

        def start_s(b):
            pltpu.async_copy(onesb, acc.at[ibuf[b]], ss[b], add=True)

        def wait_s(b):
            pltpu.make_async_copy(onesb, acc.at[ibuf[b]], ss[b]).wait()

        start_i(0, 0)
        start_i(1, 1)
        pltpu.sync_copy(ones.at[pl.ds(0, _CHUNK)], onesb)
        pltpu.sync_copy(ones.at[pl.ds(r0, rows_pt)], acc.at[pl.ds(r0, rows_pt)])
        plsc.subcore_barrier()

        wait_i(0, 0)
        start_s(0)
        start_i(2, 2)

        def steady(k, j):
            j2 = (j + 2) % 3
            wait_i(k, j)
            start_s(j)
            wait_s(j2)
            start_i(k + 2, j2)

        def trip(q, carry):
            for j in range(3):
                k = 1 + q * 3 + j
                steady(k, (1 + j) % 3)
            return carry

        lax.fori_loop(0, (nch - 3) // 3, trip, 0)

        wait_i(nch - 2, 1)
        start_s(1)
        wait_s(0)
        wait_i(nch - 1, 2)
        start_s(2)
        wait_s(1)
        wait_s(2)

        plsc.subcore_barrier()
        pltpu.sync_copy(acc.at[pl.ds(r0, rows_pt)],
                        out.at[c, pl.ds(r0, rows_pt)])

    return deg



def _pre_body(deg_ref, x_ref, dinv_ref, xp_ref):
    dinv = lax.rsqrt(jnp.maximum(deg_ref[...], 1.0))
    dinv_ref[...] = dinv
    xp_ref[...] = x_ref[...] * dinv


def _layer_xn(acc_ref, x_ref, dinv_ref, wg_ref, bg_ref, wb_ref, bb_ref):
    dinv = dinv_ref[...]
    g = acc_ref[...] * dinv
    x = x_ref[...]
    h1 = jnp.dot(g, wg_ref[...],
                 preferred_element_type=jnp.float32) + bg_ref[...]
    s_e = jnp.where(h1 >= 0, h1, 0.2 * h1)
    h2 = jnp.dot(x * g, wb_ref[...],
                 preferred_element_type=jnp.float32) + bb_ref[...]
    b_e = jnp.where(h2 >= 0, h2, 0.2 * h2)
    xn = s_e + b_e
    nrm = jnp.sqrt(jnp.sum(xn * xn, axis=1, keepdims=True))
    xn = xn / jnp.maximum(nrm, 1e-12)
    return xn, dinv


def _dense_body(acc_ref, x_ref, dinv_ref, mean_ref, wg_ref, bg_ref,
                wb_ref, bb_ref, xn_ref, xpn_ref, mout_ref):
    xn, dinv = _layer_xn(acc_ref, x_ref, dinv_ref, wg_ref, bg_ref,
                         wb_ref, bb_ref)
    xn_ref[...] = xn
    xpn_ref[...] = xn * dinv
    mout_ref[...] = mean_ref[...] + xn


def _dense_last_body(scale, acc_ref, x_ref, dinv_ref, mean_ref, wg_ref,
                     bg_ref, wb_ref, bb_ref, mout_ref):
    xn, _ = _layer_xn(acc_ref, x_ref, dinv_ref, wg_ref, bg_ref,
                      wb_ref, bb_ref)
    mout_ref[...] = (mean_ref[...] + xn) * scale


def _row_spec(d):
    return pl.BlockSpec((_TBLK, d), lambda i: (i, 0))


def _full_spec(shape):
    return pl.BlockSpec(shape, lambda i: (0,) * len(shape))


def _pre_call(deg, x0, n2, d):
    grid = (n2 // _TBLK,)
    return pl.pallas_call(
        _pre_body,
        grid=grid,
        in_specs=[_row_spec(1), _row_spec(d)],
        out_specs=[_row_spec(1), _row_spec(d)],
        out_shape=[jax.ShapeDtypeStruct((n2, 1), jnp.float32),
                   jax.ShapeDtypeStruct((n2, d), jnp.float32)],
    )(deg, x0)


def _dense_call(accv, x, dinv, mean, wgt, bg, wbt, bb, n2, d):
    grid = (n2 // _TBLK,)
    return pl.pallas_call(
        _dense_body,
        grid=grid,
        in_specs=[_row_spec(d), _row_spec(d), _row_spec(1), _row_spec(d),
                  _full_spec((d, d)), _full_spec((1, d)),
                  _full_spec((d, d)), _full_spec((1, d))],
        out_specs=[_row_spec(d), _row_spec(d), _row_spec(d)],
        out_shape=[jax.ShapeDtypeStruct((n2, d), jnp.float32),
                   jax.ShapeDtypeStruct((n2, d), jnp.float32),
                   jax.ShapeDtypeStruct((n2, d), jnp.float32)],
    )(accv, x, dinv, mean, wgt, bg, wbt, bb)


def _dense_last_call(accv, x, dinv, mean, wgt, bg, wbt, bb, n2, d, scale):
    grid = (n2 // _TBLK,)
    return pl.pallas_call(
        functools.partial(_dense_last_body, scale),
        grid=grid,
        in_specs=[_row_spec(d), _row_spec(d), _row_spec(1), _row_spec(d),
                  _full_spec((d, d)), _full_spec((1, d)),
                  _full_spec((d, d)), _full_spec((1, d))],
        out_specs=[_row_spec(d)],
        out_shape=[jax.ShapeDtypeStruct((n2, d), jnp.float32)],
    )(accv, x, dinv, mean, wgt, bg, wbt, bb)



def kernel(edge_index, u_emb, i_emb, W_gc, b_gc, W_bi, b_bi):
    nu = u_emb.shape[0]
    ni = i_emb.shape[0]
    d = u_emb.shape[1]
    e = edge_index.shape[1]
    layers = W_gc.shape[0]

    nup = _ceil_to(max(nu, ni), _BLK)
    n2 = 2 * nup
    ept = _ceil_to(-(-e // _NS), _CHUNK * _NSLOT)
    nch = ept // _CHUNK

    src = edge_index[0].astype(jnp.int32)
    dst = edge_index[1].astype(jnp.int32)

    npadrows = nup - max(nu, ni)

    def _laid(idx, scatter_pad):
        if scatter_pad:
            pad = max(nu, ni) + (jnp.arange(_NS * ept, dtype=jnp.int32)
                                 % npadrows)
        else:
            pad = jnp.zeros((_NS * ept,), jnp.int32)
        pad = pad.reshape(_NS, ept)
        if e % _NS == 0:
            p = pad.at[:, :e // _NS].set(idx.reshape(_NS, e // _NS))
        else:
            p = pad.reshape(-1).at[:e].set(idx).reshape(_NS, ept)
        return p.reshape(_NS, nch, _CHUNK)

    cidx = jnp.stack([
        jnp.stack([_laid(nup + dst, False), _laid(src, True)], axis=2),
        jnp.stack([_laid(src, False), _laid(dst, True)], axis=2),
    ])

    def _laid_pair(a, b, scatter_pad):
        return jnp.stack([_laid(a, scatter_pad), _laid(b, scatter_pad)])

    x0 = jnp.zeros((n2, d), jnp.float32)
    x0 = lax.dynamic_update_slice(x0, u_emb.astype(jnp.float32), (0, 0))
    x0 = lax.dynamic_update_slice(x0, i_emb.astype(jnp.float32), (nup, 0))

    spmm = _make_spmm(n2, nup, d, nch)
    degk = _make_deg(nup, nch)

    sidx = _laid_pair(src, dst, True)
    deg = degk(jnp.ones((nup, _DEGW), jnp.float32), sidx)
    deg = deg.reshape(n2, _DEGW)[:, :1]
    dinv, xp = _pre_call(deg, x0, n2, d)

    x = x0
    mean = x0
    for l in range(layers - 1):
        accv = spmm(xp, cidx)
        x, xp, mean = _dense_call(
            accv, x, dinv, mean,
            W_gc[l].T, b_gc[l][None, :], W_bi[l].T, b_bi[l][None, :],
            n2, d)

    l = layers - 1
    accv = spmm(xp, cidx)
    (embs,) = _dense_last_call(
        accv, x, dinv, mean,
        W_gc[l].T, b_gc[l][None, :], W_bi[l].T, b_bi[l][None, :],
        n2, d, 1.0 / (layers + 1))
    return embs[:nu], embs[nup:nup + ni]

# --- scband reference (transcript-rebuilt; emitter-appended) ---
"""Pipeline reference for scband-ngcf-69123203662125 (READ-ONLY COPY).

The authoritative reference and input builder live on the scoring server;
editing this copy changes nothing except your own understanding.
"""

import jax, jax.numpy as jnp
import numpy as np

NUM_USERS = 25000
NUM_ITEMS = 25000
EMB_DIM = 64
NUM_LAYERS = 3
N = NUM_USERS + NUM_ITEMS
E = 800000


def _xavier(key, shape):
    fan_in, fan_out = shape[-2], shape[-1]
    limit = float(np.sqrt(6.0 / (fan_in + fan_out)))
    return jax.random.uniform(key, shape, minval=-limit, maxval=limit, dtype=jnp.float32)


def setup_inputs(seed: int = 0) -> dict:
    key = jax.random.key(seed)
    ks = jax.random.split(key, 7)
    edge_index = jax.random.randint(ks[0], (2, E), 0, NUM_USERS)
    u_emb = _xavier(ks[1], (NUM_USERS, EMB_DIM))
    i_emb = _xavier(ks[2], (NUM_ITEMS, EMB_DIM))
    W_gc = _xavier(ks[3], (NUM_LAYERS, EMB_DIM, EMB_DIM))
    b_gc = jnp.zeros((NUM_LAYERS, EMB_DIM), dtype=jnp.float32)
    W_bi = _xavier(ks[4], (NUM_LAYERS, EMB_DIM, EMB_DIM))
    b_bi = jnp.zeros((NUM_LAYERS, EMB_DIM), dtype=jnp.float32)
    return {"edge_index": edge_index, "u_emb": u_emb, "i_emb": i_emb,
            "W_gc": W_gc, "b_gc": b_gc, "W_bi": W_bi, "b_bi": b_bi}


def reference(edge_index, u_emb, i_emb, W_gc, b_gc, W_bi, b_bi):
    # Bipartite GCN smoothing: A_hat = D^{-1/2} (A + I) D^{-1/2} over user+item nodes
    src = edge_index[0]
    dst = edge_index[1] + NUM_USERS
    loops = jnp.arange(N, dtype=src.dtype)
    rows = jnp.concatenate([src, dst, loops])
    cols = jnp.concatenate([dst, src, loops])
    deg = jnp.bincount(rows, length=N).astype(jnp.float32)
    dinv = jax.lax.rsqrt(jnp.maximum(deg, 1.0))
    norm = dinv[rows] * dinv[cols]

    def smoothing_with_GCN(X):
        msgs = jnp.take(X, cols, axis=0) * norm[:, None]
        return jax.ops.segment_sum(msgs, rows, num_segments=N)

    all_embs = jnp.concatenate([u_emb, i_emb], axis=0)
    embs_list = [all_embs]
    for l in range(NUM_LAYERS):
        g_embs = smoothing_with_GCN(all_embs)
        sum_embs = jax.nn.leaky_relu(g_embs @ W_gc[l].T + b_gc[l], negative_slope=0.2)
        bi_embs = all_embs * g_embs
        bi_embs = jax.nn.leaky_relu(bi_embs @ W_bi[l].T + b_bi[l], negative_slope=0.2)
        all_embs = sum_embs + bi_embs
        # dropout skipped (eval mode)
        nrm = jnp.linalg.norm(all_embs, axis=1, keepdims=True)
        all_embs = all_embs / jnp.maximum(nrm, 1e-12)
        embs_list.append(all_embs)
    embs = jnp.mean(jnp.stack(embs_list, axis=1), axis=1)
    return embs[:NUM_USERS], embs[NUM_USERS:]

if __name__ == "__main__":
    import jax
    _d = setup_inputs()
    print(jax.jit(kernel)(*tuple(_d.values())))

</pallas_src>

<mosaic_0001>
#map = affine_map<(d0, d1) -> (0, 0)>
#map1 = affine_map<(d0, d1) -> (0, 0, 0, 0)>
#map2 = affine_map<(d0, d1) -> (0, 0, 0)>
module attributes {stable_mosaic.version = 14 : i64} {
  func.func @deg(%arg0: i32, %arg1: i32, %arg2: memref<25088x16xf32, #tpu.memory_space<hbm>>, %arg3: memref<2x16x393x128xi32, #tpu.memory_space<hbm>>, %arg4: memref<2x25088x16xf32, #tpu.memory_space<hbm>>, %arg5: memref<25088x16xf32, #tpu.memory_space<vmem_shared>>, %arg6: memref<128x16xf32, #tpu.memory_space<vmem>>, %arg7: memref<128xi32, #tpu.memory_space<vmem>>, %arg8: memref<128xi32, #tpu.memory_space<vmem>>, %arg9: memref<128xi32, #tpu.memory_space<vmem>>, %arg10: memref<!tpu.dma_semaphore, #tpu.memory_space<semaphore_mem>>, %arg11: memref<!tpu.dma_semaphore, #tpu.memory_space<semaphore_mem>>, %arg12: memref<!tpu.dma_semaphore, #tpu.memory_space<semaphore_mem>>, %arg13: memref<!tpu.dma_semaphore, #tpu.memory_space<semaphore_mem>>, %arg14: memref<!tpu.dma_semaphore, #tpu.memory_space<semaphore_mem>>, %arg15: memref<!tpu.dma_semaphore, #tpu.memory_space<semaphore_mem>>) attributes {dimension_semantics = [#tpu.dimension_semantics<core_parallel>, #tpu.dimension_semantics<subcore_parallel>], iteration_bounds = array<i64: 2, 16>, scalar_prefetch = 0 : i64, scratch_operands = 11 : i64, tpu.core_type = #tpu.core_type<sc_vector_subcore>, window_params = [{transform_indices = #map}, {transform_indices = #map1}, {transform_indices = #map2}]} {
    %mul3A = arith.constant 1568 : i32
    %mul3A_0 = arith.muli %arg1, %mul3A : i32
    %dma_start3A = arith.constant 0 : i32
    %dma_start3A_1 = arith.constant 0 : i32
    %dma_start3A_2 = tpu.memref_slice %arg3[%arg0, %arg1, %dma_start3A, %dma_start3A_1] : memref<2x16x393x128xi32, #tpu.memory_space<hbm>> -> memref<1x1x1x128xi32, #tpu.memory_space<hbm>>
    %dma_start3A_3 = tpu.memref_squeeze %dma_start3A_2 : memref<1x1x1x128xi32, #tpu.memory_space<hbm>> -> memref<128xi32, #tpu.memory_space<hbm>>
    %dma_start3A_4 = arith.constant 0 : i32
    %dma_start3A_5 = tpu.memref_slice %arg3[%arg0, %arg1, %dma_start3A, %dma_start3A_4] : memref<2x16x393x128xi32, #tpu.memory_space<hbm>> -> memref<1x1x1x128xi32, #tpu.memory_space<hbm>>
    %dma_start3A_6 = tpu.memref_squeeze %dma_start3A_5 : memref<1x1x1x128xi32, #tpu.memory_space<hbm>> -> memref<128xi32, #tpu.memory_space<hbm>>
    tpu.enqueue_dma source(%dma_start3A_6 : memref<128xi32, #tpu.memory_space<hbm>>) target(%arg7 : memref<128xi32, #tpu.memory_space<vmem>>) target_semaphore(%arg10 : memref<!tpu.dma_semaphore, #tpu.memory_space<semaphore_mem>>)
    %dma_start3A_7 = arith.constant 1 : i32
    %dma_start3A_8 = arith.constant 0 : i32
    %dma_start3A_9 = tpu.memref_slice %arg3[%arg0, %arg1, %dma_start3A_7, %dma_start3A_8] : memref<2x16x393x128xi32, #tpu.memory_space<hbm>> -> memref<1x1x1x128xi32, #tpu.memory_space<hbm>>
    %dma_start3A_10 = tpu.memref_squeeze %dma_start3A_9 : memref<1x1x1x128xi32, #tpu.memory_space<hbm>> -> memref<128xi32, #tpu.memory_space<hbm>>
    %dma_start3A_11 = arith.constant 0 : i32
    %dma_start3A_12 = tpu.memref_slice %arg3[%arg0, %arg1, %dma_start3A_7, %dma_start3A_11] : memref<2x16x393x128xi32, #tpu.memory_space<hbm>> -> memref<1x1x1x128xi32, #tpu.memory_space<hbm>>
    %dma_start3A_13 = tpu.memref_squeeze %dma_start3A_12 : memref<1x1x1x128xi32, #tpu.memory_space<hbm>> -> memref<128xi32, #tpu.memory_space<hbm>>
    tpu.enqueue_dma source(%dma_start3A_13 : memref<128xi32, #tpu.memory_space<hbm>>) target(%arg8 : memref<128xi32, #tpu.memory_space<vmem>>) target_semaphore(%arg11 : memref<!tpu.dma_semaphore, #tpu.memory_space<semaphore_mem>>)
    "tpu.region"() ({
      %run_scoped3A = tpu.sem_alloc : memref<!tpu.dma_semaphore, #tpu.memory_space<semaphore_mem>>
      %dma_start3A_65 = arith.constant 0 : i32
      %dma_start3A_66 = arith.constant 0 : i32
      %dma_start3A_67 = tpu.memref_slice %arg2[%dma_start3A_65, %dma_start3A_66] : memref<25088x16xf32, #tpu.memory_space<hbm>> -> memref<128x16xf32, #tpu.memory_space<hbm>>
      %dma_start3A_68 = arith.constant 0 : i32
      %dma_start3A_69 = arith.constant 0 : i32
      %dma_start3A_70 = tpu.memref_slice %arg2[%dma_start3A_68, %dma_start3A_69] : memref<25088x16xf32, #tpu.memory_space<hbm>> -> memref<128x16xf32, #tpu.memory_space<hbm>>
      tpu.enqueue_dma source(%dma_start3A_70 : memref<128x16xf32, #tpu.memory_space<hbm>>) target(%arg6 : memref<128x16xf32, #tpu.memory_space<vmem>>) target_semaphore(%run_scoped3A : memref<!tpu.dma_semaphore, #tpu.memory_space<semaphore_mem>>)
      %dma_wait3A_71 = arith.constant 0 : i32
      %dma_wait3A_72 = arith.constant 0 : i32
      %dma_wait3A_73 = tpu.memref_slice %arg2[%dma_wait3A_71, %dma_wait3A_72] : memref<25088x16xf32, #tpu.memory_space<hbm>> -> memref<128x16xf32, #tpu.memory_space<hbm>>
      %dma_wait3A_74 = arith.constant 0 : i32
      %dma_wait3A_75 = arith.constant 0 : i32
      %dma_wait3A_76 = tpu.memref_slice %arg2[%dma_wait3A_74, %dma_wait3A_75] : memref<25088x16xf32, #tpu.memory_space<hbm>> -> memref<128x16xf32, #tpu.memory_space<hbm>>
      tpu.wait_dma2 semaphore(%run_scoped3A : memref<!tpu.dma_semaphore, #tpu.memory_space<semaphore_mem>>) src(%dma_wait3A_76 : memref<128x16xf32, #tpu.memory_space<hbm>>) dst(%arg6 : memref<128x16xf32, #tpu.memory_space<vmem>>)
      tpu.yield
    }) : () -> ()
    "tpu.region"() ({
      %run_scoped3A = tpu.sem_alloc : memref<!tpu.dma_semaphore, #tpu.memory_space<semaphore_mem>>
      %dma_start3A_65 = arith.constant 0 : i32
      %dma_start3A_66 = tpu.memref_slice %arg5[%mul3A_0, %dma_start3A_65] : memref<25088x16xf32, #tpu.memory_space<vmem_shared>> -> memref<1568x16xf32, #tpu.memory_space<vmem_shared>>
      %dma_start3A_67 = arith.constant 0 : i32
      %dma_start3A_68 = tpu.memref_slice %arg2[%mul3A_0, %dma_start3A_67] : memref<25088x16xf32, #tpu.memory_space<hbm>> -> memref<1568x16xf32, #tpu.memory_space<hbm>>
      tpu.enqueue_dma source(%dma_start3A_68 : memref<1568x16xf32, #tpu.memory_space<hbm>>) target(%dma_start3A_66 : memref<1568x16xf32, #tpu.memory_space<vmem_shared>>) target_semaphore(%run_scoped3A : memref<!tpu.dma_semaphore, #tpu.memory_space<semaphore_mem>>)
      %dma_wait3A_69 = arith.constant 0 : i32
      %dma_wait3A_70 = tpu.memref_slice %arg5[%mul3A_0, %dma_wait3A_69] : memref<25088x16xf32, #tpu.memory_space<vmem_shared>> -> memref<1568x16xf32, #tpu.memory_space<vmem_shared>>
      %dma_wait3A_71 = arith.constant 0 : i32
      %dma_wait3A_72 = tpu.memref_slice %arg2[%mul3A_0, %dma_wait3A_71] : memref<25088x16xf32, #tpu.memory_space<hbm>> -> memref<1568x16xf32, #tpu.memory_space<hbm>>
      tpu.wait_dma2 semaphore(%run_scoped3A : memref<!tpu.dma_semaphore, #tpu.memory_space<semaphore_mem>>) src(%dma_wait3A_72 : memref<1568x16xf32, #tpu.memory_space<hbm>>) dst(%dma_wait3A_70 : memref<1568x16xf32, #tpu.memory_space<vmem_shared>>)
      tpu.yield
    }) : () -> ()
    %barrier3A = arith.constant 0 : index
    tpu.barrier barrier_id(%barrier3A)
    %dma_wait3A = arith.constant 0 : i32
    %dma_wait3A_14 = arith.constant 0 : i32
    %dma_wait3A_15 = tpu.memref_slice %arg3[%arg0, %arg1, %dma_wait3A, %dma_wait3A_14] : memref<2x16x393x128xi32, #tpu.memory_space<hbm>> -> memref<1x1x1x128xi32, #tpu.memory_space<hbm>>
    %dma_wait3A_16 = tpu.memref_squeeze %dma_wait3A_15 : memref<1x1x1x128xi32, #tpu.memory_space<hbm>> -> memref<128xi32, #tpu.memory_space<hbm>>
    %dma_wait3A_17 = arith.constant 0 : i32
    %dma_wait3A_18 = tpu.memref_slice %arg3[%arg0, %arg1, %dma_wait3A, %dma_wait3A_17] : memref<2x16x393x128xi32, #tpu.memory_space<hbm>> -> memref<1x1x1x128xi32, #tpu.memory_space<hbm>>
    %dma_wait3A_19 = tpu.memref_squeeze %dma_wait3A_18 : memref<1x1x1x128xi32, #tpu.memory_space<hbm>> -> memref<128xi32, #tpu.memory_space<hbm>>
    tpu.wait_dma2 semaphore(%arg10 : memref<!tpu.dma_semaphore, #tpu.memory_space<semaphore_mem>>) src(%dma_wait3A_19 : memref<128xi32, #tpu.memory_space<hbm>>) dst(%arg7 : memref<128xi32, #tpu.memory_space<vmem>>)
    %dma_start3A_20 = arith.constant 0 : i32
    %dma_start3A_21 = arith.constant 0 : i32
    %dma_start3A_22 = tpu.memref_slice %arg5[%dma_start3A_20, %dma_start3A_21] : memref<25088x16xf32, #tpu.memory_space<vmem_shared>> -> memref<25088x16xf32, #tpu.memory_space<vmem_shared>>
    tpu.enqueue_indirect_dma source(%arg6 : memref<128x16xf32, #tpu.memory_space<vmem>>) target(%dma_start3A_22 : memref<25088x16xf32, #tpu.memory_space<vmem_shared>>) offsets(%arg7 : memref<128xi32, #tpu.memory_space<vmem>>) semaphore(%arg13 : memref<!tpu.dma_semaphore, #tpu.memory_space<semaphore_mem>>) {add = true}
    %dma_start3A_23 = arith.constant 2 : i32
    %dma_start3A_24 = arith.constant 0 : i32
    %dma_start3A_25 = tpu.memref_slice %arg3[%arg0, %arg1, %dma_start3A_23, %dma_start3A_24] : memref<2x16x393x128xi32, #tpu.memory_space<hbm>> -> memref<1x1x1x128xi32, #tpu.memory_space<hbm>>
    %dma_start3A_26 = tpu.memref_squeeze %dma_start3A_25 : memref<1x1x1x128xi32, #tpu.memory_space<hbm>> -> memref<128xi32, #tpu.memory_space<hbm>>
    %dma_start3A_27 = arith.constant 0 : i32
    %dma_start3A_28 = tpu.memref_slice %arg3[%arg0, %arg1, %dma_start3A_23, %dma_start3A_27] : memref<2x16x393x128xi32, #tpu.memory_space<hbm>> -> memref<1x1x1x128xi32, #tpu.memory_space<hbm>>
    %dma_start3A_29 = tpu.memref_squeeze %dma_start3A_28 : memref<1x1x1x128xi32, #tpu.memory_space<hbm>> -> memref<128xi32, #tpu.memory_space<hbm>>
    tpu.enqueue_dma source(%dma_start3A_29 : memref<128xi32, #tpu.memory_space<hbm>>) target(%arg9 : memref<128xi32, #tpu.memory_space<vmem>>) target_semaphore(%arg12 : memref<!tpu.dma_semaphore, #tpu.memory_space<semaphore_mem>>)
    %scan3A = arith.constant 0 : i32
    %scan3A_30 = arith.constant 0 : i32
    %scan3A_31 = arith.constant 130 : i32
    %scan3A_32 = arith.addi %scan3A_30, %scan3A_31 : i32
    %scan3A_33 = arith.constant 1 : i32
    scf.for %scan3A_65 = %scan3A_30 to %scan3A_32 step %scan3A_33  : i32 {
      %mul3A_66 = arith.constant 3 : i32
      %mul3A_67 = arith.muli %scan3A_65, %mul3A_66 : i32
      %add3A = arith.constant 1 : i32
      %add3A_68 = arith.addi %add3A, %mul3A_67 : i32
      %add3A_69 = arith.constant 0 : i32
      %add3A_70 = arith.addi %add3A_68, %add3A_69 : i32
      %dma_wait3A_71 = arith.constant 0 : i32
      %dma_wait3A_72 = tpu.memref_slice %arg3[%arg0, %arg1, %add3A_70, %dma_wait3A_71] : memref<2x16x393x128xi32, #tpu.memory_space<hbm>> -> memref<1x1x1x128xi32, #tpu.memory_space<hbm>>
      %dma_wait3A_73 = tpu.memref_squeeze %dma_wait3A_72 : memref<1x1x1x128xi32, #tpu.memory_space<hbm>> -> memref<128xi32, #tpu.memory_space<hbm>>
      %dma_wait3A_74 = arith.constant 0 : i32
      %dma_wait3A_75 = tpu.memref_slice %arg3[%arg0, %arg1, %add3A_70, %dma_wait3A_74] : memref<2x16x393x128xi32, #tpu.memory_space<hbm>> -> memref<1x1x1x128xi32, #tpu.memory_space<hbm>>
      %dma_wait3A_76 = tpu.memref_squeeze %dma_wait3A_75 : memref<1x1x1x128xi32, #tpu.memory_space<hbm>> -> memref<128xi32, #tpu.memory_space<hbm>>
      tpu.wait_dma2 semaphore(%arg11 : memref<!tpu.dma_semaphore, #tpu.memory_space<semaphore_mem>>) src(%dma_wait3A_76 : memref<128xi32, #tpu.memory_space<hbm>>) dst(%arg8 : memref<128xi32, #tpu.memory_space<vmem>>)
      %dma_start3A_77 = arith.constant 0 : i32
      %dma_start3A_78 = arith.constant 0 : i32
      %dma_start3A_79 = tpu.memref_slice %arg5[%dma_start3A_77, %dma_start3A_78] : memref<25088x16xf32, #tpu.memory_space<vmem_shared>> -> memref<25088x16xf32, #tpu.memory_space<vmem_shared>>
      tpu.enqueue_indirect_dma source(%arg6 : memref<128x16xf32, #tpu.memory_space<vmem>>) target(%dma_start3A_79 : memref<25088x16xf32, #tpu.memory_space<vmem_shared>>) offsets(%arg8 : memref<128xi32, #tpu.memory_space<vmem>>) semaphore(%arg14 : memref<!tpu.dma_semaphore, #tpu.memory_space<semaphore_mem>>) {add = true}
      %dma_wait3A_80 = arith.constant 0 : i32
      %dma_wait3A_81 = arith.constant 0 : i32
      %dma_wait3A_82 = tpu.memref_slice %arg5[%dma_wait3A_80, %dma_wait3A_81] : memref<25088x16xf32, #tpu.memory_space<vmem_shared>> -> memref<25088x16xf32, #tpu.memory_space<vmem_shared>>
      tpu.wait_indirect_dma semaphore(%arg13 : memref<!tpu.dma_semaphore, #tpu.memory_space<semaphore_mem>>) src(%arg6 : memref<128x16xf32, #tpu.memory_space<vmem>>) dst(%dma_wait3A_82 : memref<25088x16xf32, #tpu.memory_space<vmem_shared>>)
      %add3A_83 = arith.constant 2 : i32
      %add3A_84 = arith.addi %add3A_70, %add3A_83 : i32
      %dma_start3A_85 = arith.constant 0 : i32
      %dma_start3A_86 = tpu.memref_slice %arg3[%arg0, %arg1, %add3A_84, %dma_start3A_85] : memref<2x16x393x128xi32, #tpu.memory_space<hbm>> -> memref<1x1x1x128xi32, #tpu.memory_space<hbm>>
      %dma_start3A_87 = tpu.memref_squeeze %dma_start3A_86 : memref<1x1x1x128xi32, #tpu.memory_space<hbm>> -> memref<128xi32, #tpu.memory_space<hbm>>
      %dma_start3A_88 = arith.constant 0 : i32
      %dma_start3A_89 = tpu.memref_slice %arg3[%arg0, %arg1, %add3A_84, %dma_start3A_88] : memref<2x16x393x128xi32, #tpu.memory_space<hbm>> -> memref<1x1x1x128xi32, #tpu.memory_space<hbm>>
      %dma_start3A_90 = tpu.memref_squeeze %dma_start3A_89 : memref<1x1x1x128xi32, #tpu.memory_space<hbm>> -> memref<128xi32, #tpu.memory_space<hbm>>
      tpu.enqueue_dma source(%dma_start3A_90 : memref<128xi32, #tpu.memory_space<hbm>>) target(%arg7 : memref<128xi32, #tpu.memory_space<vmem>>) target_semaphore(%arg10 : memref<!tpu.dma_semaphore, #tpu.memory_space<semaphore_mem>>)
      %mul3A_91 = arith.constant 3 : i32
      %mul3A_92 = arith.muli %scan3A_65, %mul3A_91 : i32
      %add3A_93 = arith.constant 1 : i32
      %add3A_94 = arith.addi %add3A_93, %mul3A_92 : i32
      %add3A_95 = arith.constant 1 : i32
      %add3A_96 = arith.addi %add3A_94, %add3A_95 : i32
      %dma_wait3A_97 = arith.constant 0 : i32
      %dma_wait3A_98 = tpu.memref_slice %arg3[%arg0, %arg1, %add3A_96, %dma_wait3A_97] : memref<2x16x393x128xi32, #tpu.memory_space<hbm>> -> memref<1x1x1x128xi32, #tpu.memory_space<hbm>>
      %dma_wait3A_99 = tpu.memref_squeeze %dma_wait3A_98 : memref<1x1x1x128xi32, #tpu.memory_space<hbm>> -> memref<128xi32, #tpu.memory_space<hbm>>
      %dma_wait3A_100 = arith.constant 0 : i32
      %dma_wait3A_101 = tpu.memref_slice %arg3[%arg0, %arg1, %add3A_96, %dma_wait3A_100] : memref<2x16x393x128xi32, #tpu.memory_space<hbm>> -> memref<1x1x1x128xi32, #tpu.memory_space<hbm>>
      %dma_wait3A_102 = tpu.memref_squeeze %dma_wait3A_101 : memref<1x1x1x128xi32, #tpu.memory_space<hbm>> -> memref<128xi32, #tpu.memory_space<hbm>>
      tpu.wait_dma2 semaphore(%arg12 : memref<!tpu.dma_semaphore, #tpu.memory_space<semaphore_mem>>) src(%dma_wait3A_102 : memref<128xi32, #tpu.memory_space<hbm>>) dst(%arg9 : memref<128xi32, #tpu.memory_space<vmem>>)
      %dma_start3A_103 = arith.constant 0 : i32
      %dma_start3A_104 = arith.constant 0 : i32
      %dma_start3A_105 = tpu.memref_slice %arg5[%dma_start3A_103, %dma_start3A_104] : memref<25088x16xf32, #tpu.memory_space<vmem_shared>> -> memref<25088x16xf32, #tpu.memory_space<vmem_shared>>
      tpu.enqueue_indirect_dma source(%arg6 : memref<128x16xf32, #tpu.memory_space<vmem>>) target(%dma_start3A_105 : memref<25088x16xf32, #tpu.memory_space<vmem_shared>>) offsets(%arg9 : memref<128xi32, #tpu.memory_space<vmem>>) semaphore(%arg15 : memref<!tpu.dma_semaphore, #tpu.memory_space<semaphore_mem>>) {add = true}
      %dma_wait3A_106 = arith.constant 0 : i32
      %dma_wait3A_107 = arith.constant 0 : i32
      %dma_wait3A_108 = tpu.memref_slice %arg5[%dma_wait3A_106, %dma_wait3A_107] : memref<25088x16xf32, #tpu.memory_space<vmem_shared>> -> memref<25088x16xf32, #tpu.memory_space<vmem_shared>>
      tpu.wait_indirect_dma semaphore(%arg14 : memref<!tpu.dma_semaphore, #tpu.memory_space<semaphore_mem>>) src(%arg6 : memref<128x16xf32, #tpu.memory_space<vmem>>) dst(%dma_wait3A_108 : memref<25088x16xf32, #tpu.memory_space<vmem_shared>>)
      %add3A_109 = arith.constant 2 : i32
      %add3A_110 = arith.addi %add3A_96, %add3A_109 : i32
      %dma_start3A_111 = arith.constant 0 : i32
      %dma_start3A_112 = tpu.memref_slice %arg3[%arg0, %arg1, %add3A_110, %dma_start3A_111] : memref<2x16x393x128xi32, #tpu.memory_space<hbm>> -> memref<1x1x1x128xi32, #tpu.memory_space<hbm>>
      %dma_start3A_113 = tpu.memref_squeeze %dma_start3A_112 : memref<1x1x1x128xi32, #tpu.memory_space<hbm>> -> memref<128xi32, #tpu.memory_space<hbm>>
      %dma_start3A_114 = arith.constant 0 : i32
      %dma_start3A_115 = tpu.memref_slice %arg3[%arg0, %arg1, %add3A_110, %dma_start3A_114] : memref<2x16x393x128xi32, #tpu.memory_space<hbm>> -> memref<1x1x1x128xi32, #tpu.memory_space<hbm>>
      %dma_start3A_116 = tpu.memref_squeeze %dma_start3A_115 : memref<1x1x1x128xi32, #tpu.memory_space<hbm>> -> memref<128xi32, #tpu.memory_space<hbm>>
      tpu.enqueue_dma source(%dma_start3A_116 : memref<128xi32, #tpu.memory_space<hbm>>) target(%arg8 : memref<128xi32, #tpu.memory_space<vmem>>) target_semaphore(%arg11 : memref<!tpu.dma_semaphore, #tpu.memory_space<semaphore_mem>>)
      %mul3A_117 = arith.constant 3 : i32
      %mul3A_118 = arith.muli %scan3A_65, %mul3A_117 : i32
      %add3A_119 = arith.constant 1 : i32
      %add3A_120 = arith.addi %add3A_119, %mul3A_118 : i32
      %add3A_121 = arith.constant 2 : i32
      %add3A_122 = arith.addi %add3A_120, %add3A_121 : i32
      %dma_wait3A_123 = arith.constant 0 : i32
      %dma_wait3A_124 = tpu.memref_slice %arg3[%arg0, %arg1, %add3A_122, %dma_wait3A_123] : memref<2x16x393x128xi32, #tpu.memory_space<hbm>> -> memref<1x1x1x128xi32, #tpu.memory_space<hbm>>
      %dma_wait3A_125 = tpu.memref_squeeze %dma_wait3A_124 : memref<1x1x1x128xi32, #tpu.memory_space<hbm>> -> memref<128xi32, #tpu.memory_space<hbm>>
      %dma_wait3A_126 = arith.constant 0 : i32
      %dma_wait3A_127 = tpu.memref_slice %arg3[%arg0, %arg1, %add3A_122, %dma_wait3A_126] : memref<2x16x393x128xi32, #tpu.memory_space<hbm>> -> memref<1x1x1x128xi32, #tpu.memory_space<hbm>>
      %dma_wait3A_128 = tpu.memref_squeeze %dma_wait3A_127 : memref<1x1x1x128xi32, #tpu.memory_space<hbm>> -> memref<128xi32, #tpu.memory_space<hbm>>
      tpu.wait_dma2 semaphore(%arg10 : memref<!tpu.dma_semaphore, #tpu.memory_space<semaphore_mem>>) src(%dma_wait3A_128 : memref<128xi32, #tpu.memory_space<hbm>>) dst(%arg7 : memref<128xi32, #tpu.memory_space<vmem>>)
      %dma_start3A_129 = arith.constant 0 : i32
      %dma_start3A_130 = arith.constant 0 : i32
      %dma_start3A_131 = tpu.memref_slice %arg5[%dma_start3A_129, %dma_start3A_130] : memref<25088x16xf32, #tpu.memory_space<vmem_shared>> -> memref<25088x16xf32, #tpu.memory_space<vmem_shared>>
      tpu.enqueue_indirect_dma source(%arg6 : memref<128x16xf32, #tpu.memory_space<vmem>>) target(%dma_start3A_131 : memref<25088x16xf32, #tpu.memory_space<vmem_shared>>) offsets(%arg7 : memref<128xi32, #tpu.memory_space<vmem>>) semaphore(%arg13 : memref<!tpu.dma_semaphore, #tpu.memory_space<semaphore_mem>>) {add = true}
      %dma_wait3A_132 = arith.constant 0 : i32
      %dma_wait3A_133 = arith.constant 0 : i32
      %dma_wait3A_134 = tpu.memref_slice %arg5[%dma_wait3A_132, %dma_wait3A_133] : memref<25088x16xf32, #tpu.memory_space<vmem_shared>> -> memref<25088x16xf32, #tpu.memory_space<vmem_shared>>
      tpu.wait_indirect_dma semaphore(%arg15 : memref<!tpu.dma_semaphore, #tpu.memory_space<semaphore_mem>>) src(%arg6 : memref<128x16xf32, #tpu.memory_space<vmem>>) dst(%dma_wait3A_134 : memref<25088x16xf32, #tpu.memory_space<vmem_shared>>)
      %add3A_135 = arith.constant 2 : i32
      %add3A_136 = arith.addi %add3A_122, %add3A_135 : i32
      %dma_start3A_137 = arith.constant 0 : i32
      %dma_start3A_138 = tpu.memref_slice %arg3[%arg0, %arg1, %add3A_136, %dma_start3A_137] : memref<2x16x393x128xi32, #tpu.memory_space<hbm>> -> memref<1x1x1x128xi32, #tpu.memory_space<hbm>>
      %dma_start3A_139 = tpu.memref_squeeze %dma_start3A_138 : memref<1x1x1x128xi32, #tpu.memory_space<hbm>> -> memref<128xi32, #tpu.memory_space<hbm>>
      %dma_start3A_140 = arith.constant 0 : i32
      %dma_start3A_141 = tpu.memref_slice %arg3[%arg0, %arg1, %add3A_136, %dma_start3A_140] : memref<2x16x393x128xi32, #tpu.memory_space<hbm>> -> memref<1x1x1x128xi32, #tpu.memory_space<hbm>>
      %dma_start3A_142 = tpu.memref_squeeze %dma_start3A_141 : memref<1x1x1x128xi32, #tpu.memory_space<hbm>> -> memref<128xi32, #tpu.memory_space<hbm>>
      tpu.enqueue_dma source(%dma_start3A_142 : memref<128xi32, #tpu.memory_space<hbm>>) target(%arg9 : memref<128xi32, #tpu.memory_space<vmem>>) target_semaphore(%arg12 : memref<!tpu.dma_semaphore, #tpu.memory_space<semaphore_mem>>)
    }
    %scan3A_34 = arith.constant 130 : i32
    %dma_wait3A_35 = arith.constant 391 : i32
    %dma_wait3A_36 = arith.constant 0 : i32
    %dma_wait3A_37 = tpu.memref_slice %arg3[%arg0, %arg1, %dma_wait3A_35, %dma_wait3A_36] : memref<2x16x393x128xi32, #tpu.memory_space<hbm>> -> memref<1x1x1x128xi32, #tpu.memory_space<hbm>>
    %dma_wait3A_38 = tpu.memref_squeeze %dma_wait3A_37 : memref<1x1x1x128xi32, #tpu.memory_space<hbm>> -> memref<128xi32, #tpu.memory_space<hbm>>
    %dma_wait3A_39 = arith.constant 0 : i32
    %dma_wait3A_40 = tpu.memref_slice %arg3[%arg0, %arg1, %dma_wait3A_35, %dma_wait3A_39] : memref<2x16x393x128xi32, #tpu.memory_space<hbm>> -> memref<1x1x1x128xi32, #tpu.memory_space<hbm>>
    %dma_wait3A_41 = tpu.memref_squeeze %dma_wait3A_40 : memref<1x1x1x128xi32, #tpu.memory_space<hbm>> -> memref<128xi32, #tpu.memory_space<hbm>>
    tpu.wait_dma2 semaphore(%arg11 : memref<!tpu.dma_semaphore, #tpu.memory_space<semaphore_mem>>) src(%dma_wait3A_41 : memref<128xi32, #tpu.memory_space<hbm>>) dst(%arg8 : memref<128xi32, #tpu.memory_space<vmem>>)
    %dma_start3A_42 = arith.constant 0 : i32
    %dma_start3A_43 = arith.constant 0 : i32
    %dma_start3A_44 = tpu.memref_slice %arg5[%dma_start3A_42, %dma_start3A_43] : memref<25088x16xf32, #tpu.memory_space<vmem_shared>> -> memref<25088x16xf32, #tpu.memory_space<vmem_shared>>
    tpu.enqueue_indirect_dma source(%arg6 : memref<128x16xf32, #tpu.memory_space<vmem>>) target(%dma_start3A_44 : memref<25088x16xf32, #tpu.memory_space<vmem_shared>>) offsets(%arg8 : memref<128xi32, #tpu.memory_space<vmem>>) semaphore(%arg14 : memref<!tpu.dma_semaphore, #tpu.memory_space<semaphore_mem>>) {add = true}
    %dma_wait3A_45 = arith.constant 0 : i32
    %dma_wait3A_46 = arith.constant 0 : i32
    %dma_wait3A_47 = tpu.memref_slice %arg5[%dma_wait3A_45, %dma_wait3A_46] : memref<25088x16xf32, #tpu.memory_space<vmem_shared>> -> memref<25088x16xf32, #tpu.memory_space<vmem_shared>>
    tpu.wait_indirect_dma semaphore(%arg13 : memref<!tpu.dma_semaphore, #tpu.memory_space<semaphore_mem>>) src(%arg6 : memref<128x16xf32, #tpu.memory_space<vmem>>) dst(%dma_wait3A_47 : memref<25088x16xf32, #tpu.memory_space<vmem_shared>>)
    %dma_wait3A_48 = arith.constant 392 : i32
    %dma_wait3A_49 = arith.constant 0 : i32
    %dma_wait3A_50 = tpu.memref_slice %arg3[%arg0, %arg1, %dma_wait3A_48, %dma_wait3A_49] : memref<2x16x393x128xi32, #tpu.memory_space<hbm>> -> memref<1x1x1x128xi32, #tpu.memory_space<hbm>>
    %dma_wait3A_51 = tpu.memref_squeeze %dma_wait3A_50 : memref<1x1x1x128xi32, #tpu.memory_space<hbm>> -> memref<128xi32, #tpu.memory_space<hbm>>
    %dma_wait3A_52 = arith.constant 0 : i32
    %dma_wait3A_53 = tpu.memref_slice %arg3[%arg0, %arg1, %dma_wait3A_48, %dma_wait3A_52] : memref<2x16x393x128xi32, #tpu.memory_space<hbm>> -> memref<1x1x1x128xi32, #tpu.memory_space<hbm>>
    %dma_wait3A_54 = tpu.memref_squeeze %dma_wait3A_53 : memref<1x1x1x128xi32, #tpu.memory_space<hbm>> -> memref<128xi32, #tpu.memory_space<hbm>>
    tpu.wait_dma2 semaphore(%arg12 : memref<!tpu.dma_semaphore, #tpu.memory_space<semaphore_mem>>) src(%dma_wait3A_54 : memref<128xi32, #tpu.memory_space<hbm>>) dst(%arg9 : memref<128xi32, #tpu.memory_space<vmem>>)
    %dma_start3A_55 = arith.constant 0 : i32
    %dma_start3A_56 = arith.constant 0 : i32
    %dma_start3A_57 = tpu.memref_slice %arg5[%dma_start3A_55, %dma_start3A_56] : memref<25088x16xf32, #tpu.memory_space<vmem_shared>> -> memref<25088x16xf32, #tpu.memory_space<vmem_shared>>
    tpu.enqueue_indirect_dma source(%arg6 : memref<128x16xf32, #tpu.memory_space<vmem>>) target(%dma_start3A_57 : memref<25088x16xf32, #tpu.memory_space<vmem_shared>>) offsets(%arg9 : memref<128xi32, #tpu.memory_space<vmem>>) semaphore(%arg15 : memref<!tpu.dma_semaphore, #tpu.memory_space<semaphore_mem>>) {add = true}
    %dma_wait3A_58 = arith.constant 0 : i32
    %dma_wait3A_59 = arith.constant 0 : i32
    %dma_wait3A_60 = tpu.memref_slice %arg5[%dma_wait3A_58, %dma_wait3A_59] : memref<25088x16xf32, #tpu.memory_space<vmem_shared>> -> memref<25088x16xf32, #tpu.memory_space<vmem_shared>>
    tpu.wait_indirect_dma semaphore(%arg14 : memref<!tpu.dma_semaphore, #tpu.memory_space<semaphore_mem>>) src(%arg6 : memref<128x16xf32, #tpu.memory_space<vmem>>) dst(%dma_wait3A_60 : memref<25088x16xf32, #tpu.memory_space<vmem_shared>>)
    %dma_wait3A_61 = arith.constant 0 : i32
    %dma_wait3A_62 = arith.constant 0 : i32
    %dma_wait3A_63 = tpu.memref_slice %arg5[%dma_wait3A_61, %dma_wait3A_62] : memref<25088x16xf32, #tpu.memory_space<vmem_shared>> -> memref<25088x16xf32, #tpu.memory_space<vmem_shared>>
    tpu.wait_indirect_dma semaphore(%arg15 : memref<!tpu.dma_semaphore, #tpu.memory_space<semaphore_mem>>) src(%arg6 : memref<128x16xf32, #tpu.memory_space<vmem>>) dst(%dma_wait3A_63 : memref<25088x16xf32, #tpu.memory_space<vmem_shared>>)
    %barrier3A_64 = arith.constant 0 : index
    tpu.barrier barrier_id(%barrier3A_64)
    "tpu.region"() ({
      %run_scoped3A = tpu.sem_alloc : memref<!tpu.dma_semaphore, #tpu.memory_space<semaphore_mem>>
      %dma_start3A_65 = arith.constant 0 : i32
      %dma_start3A_66 = tpu.memref_slice %arg4[%arg0, %mul3A_0, %dma_start3A_65] : memref<2x25088x16xf32, #tpu.memory_space<hbm>> -> memref<1x1568x16xf32, #tpu.memory_space<hbm>>
      %dma_start3A_67 = tpu.memref_squeeze %dma_start3A_66 : memref<1x1568x16xf32, #tpu.memory_space<hbm>> -> memref<1568x16xf32, #tpu.memory_space<hbm>>
      %dma_start3A_68 = arith.constant 0 : i32
      %dma_start3A_69 = tpu.memref_slice %arg5[%mul3A_0, %dma_start3A_68] : memref<25088x16xf32, #tpu.memory_space<vmem_shared>> -> memref<1568x16xf32, #tpu.memory_space<vmem_shared>>
      tpu.enqueue_dma source(%dma_start3A_69 : memref<1568x16xf32, #tpu.memory_space<vmem_shared>>) target(%dma_start3A_67 : memref<1568x16xf32, #tpu.memory_space<hbm>>) target_semaphore(%run_scoped3A : memref<!tpu.dma_semaphore, #tpu.memory_space<semaphore_mem>>)
      %dma_wait3A_70 = arith.constant 0 : i32
      %dma_wait3A_71 = tpu.memref_slice %arg4[%arg0, %mul3A_0, %dma_wait3A_70] : memref<2x25088x16xf32, #tpu.memory_space<hbm>> -> memref<1x1568x16xf32, #tpu.memory_space<hbm>>
      %dma_wait3A_72 = tpu.memref_squeeze %dma_wait3A_71 : memref<1x1568x16xf32, #tpu.memory_space<hbm>> -> memref<1568x16xf32, #tpu.memory_space<hbm>>
      %dma_wait3A_73 = arith.constant 0 : i32
      %dma_wait3A_74 = tpu.memref_slice %arg5[%mul3A_0, %dma_wait3A_73] : memref<25088x16xf32, #tpu.memory_space<vmem_shared>> -> memref<1568x16xf32, #tpu.memory_space<vmem_shared>>
      tpu.wait_dma2 semaphore(%run_scoped3A : memref<!tpu.dma_semaphore, #tpu.memory_space<semaphore_mem>>) src(%dma_wait3A_74 : memref<1568x16xf32, #tpu.memory_space<vmem_shared>>) dst(%dma_wait3A_72 : memref<1568x16xf32, #tpu.memory_space<hbm>>)
      tpu.yield
    }) : () -> ()
    return
  }
}

#map = affine_map<(d0, d1) -> (0, 0)>
#map1 = affine_map<(d0, d1) -> (0, 0, 0, 0, 0)>
module attributes {stable_mosaic.version = 14 : i64} {
  func.func @spmm(%arg0: i32, %arg1: i32, %arg2: memref<50176x64xf32, #tpu.memory_space<hbm>>, %arg3: memref<2x16x393x2x128xi32, #tpu.memory_space<hbm>>, %arg4: memref<50176x64xf32, #tpu.memory_space<hbm>>, %arg5: memref<25088x64xf32, #tpu.memory_space<vmem_shared>>, %arg6: memref<2x128xi32, #tpu.memory_space<vmem>>, %arg7: memref<2x128xi32, #tpu.memory_space<vmem>>, %arg8: memref<2x128xi32, #tpu.memory_space<vmem>>, %arg9: memref<128x64xf32, #tpu.memory_space<vmem>>, %arg10: memref<128x64xf32, #tpu.memory_space<vmem>>, %arg11: memref<128x64xf32, #tpu.memory_space<vmem>>, %arg12: memref<!tpu.dma_semaphore, #tpu.memory_space<semaphore_mem>>, %arg13: memref<!tpu.dma_semaphore, #tpu.memory_space<semaphore_mem>>, %arg14: memref<!tpu.dma_semaphore, #tpu.memory_space<semaphore_mem>>, %arg15: memref<!tpu.dma_semaphore, #tpu.memory_space<semaphore_mem>>, %arg16: memref<!tpu.dma_semaphore, #tpu.memory_space<semaphore_mem>>, %arg17: memref<!tpu.dma_semaphore, #tpu.memory_space<semaphore_mem>>, %arg18: memref<!tpu.dma_semaphore, #tpu.memory_space<semaphore_mem>>, %arg19: memref<!tpu.dma_semaphore, #tpu.memory_space<semaphore_mem>>, %arg20: memref<!tpu.dma_semaphore, #tpu.memory_space<semaphore_mem>>) attributes {dimension_semantics = [#tpu.dimension_semantics<core_parallel>, #tpu.dimension_semantics<subcore_parallel>], iteration_bounds = array<i64: 2, 16>, scalar_prefetch = 0 : i64, scratch_operands = 16 : i64, tpu.core_type = #tpu.core_type<sc_vector_subcore>, window_params = [{transform_indices = #map}, {transform_indices = #map1}, {transform_indices = #map}]} {
    %mul3A = arith.constant 1568 : i32
    %mul3A_0 = arith.muli %arg1, %mul3A : i32
    %mul3A_1 = arith.constant 25088 : i32
    %mul3A_2 = arith.muli %arg0, %mul3A_1 : i32
    %add3A = arith.addi %mul3A_2, %mul3A_0 : i32
    %dma_start3A = arith.constant 0 : i32
    %dma_start3A_3 = arith.constant 0 : i32
    %dma_start3A_4 = arith.constant 0 : i32
    %dma_start3A_5 = tpu.memref_slice %arg3[%arg0, %arg1, %dma_start3A, %dma_start3A_3, %dma_start3A_4] : memref<2x16x393x2x128xi32, #tpu.memory_space<hbm>> -> memref<1x1x1x2x128xi32, #tpu.memory_space<hbm>>
    %dma_start3A_6 = tpu.memref_squeeze %dma_start3A_5 : memref<1x1x1x2x128xi32, #tpu.memory_space<hbm>> -> memref<2x128xi32, #tpu.memory_space<hbm>>
    %dma_start3A_7 = arith.constant 0 : i32
    %dma_start3A_8 = arith.constant 0 : i32
    %dma_start3A_9 = tpu.memref_slice %arg3[%arg0, %arg1, %dma_start3A, %dma_start3A_7, %dma_start3A_8] : memref<2x16x393x2x128xi32, #tpu.memory_space<hbm>> -> memref<1x1x1x2x128xi32, #tpu.memory_space<hbm>>
    %dma_start3A_10 = tpu.memref_squeeze %dma_start3A_9 : memref<1x1x1x2x128xi32, #tpu.memory_space<hbm>> -> memref<2x128xi32, #tpu.memory_space<hbm>>
    tpu.enqueue_dma source(%dma_start3A_10 : memref<2x128xi32, #tpu.memory_space<hbm>>) target(%arg6 : memref<2x128xi32, #tpu.memory_space<vmem>>) target_semaphore(%arg12 : memref<!tpu.dma_semaphore, #tpu.memory_space<semaphore_mem>>)
    %dma_start3A_11 = arith.constant 1 : i32
    %dma_start3A_12 = arith.constant 0 : i32
    %dma_start3A_13 = arith.constant 0 : i32
    %dma_start3A_14 = tpu.memref_slice %arg3[%arg0, %arg1, %dma_start3A_11, %dma_start3A_12, %dma_start3A_13] : memref<2x16x393x2x128xi32, #tpu.memory_space<hbm>> -> memref<1x1x1x2x128xi32, #tpu.memory_space<hbm>>
    %dma_start3A_15 = tpu.memref_squeeze %dma_start3A_14 : memref<1x1x1x2x128xi32, #tpu.memory_space<hbm>> -> memref<2x128xi32, #tpu.memory_space<hbm>>
    %dma_start3A_16 = arith.constant 0 : i32
    %dma_start3A_17 = arith.constant 0 : i32
    %dma_start3A_18 = tpu.memref_slice %arg3[%arg0, %arg1, %dma_start3A_11, %dma_start3A_16, %dma_start3A_17] : memref<2x16x393x2x128xi32, #tpu.memory_space<hbm>> -> memref<1x1x1x2x128xi32, #tpu.memory_space<hbm>>
    %dma_start3A_19 = tpu.memref_squeeze %dma_start3A_18 : memref<1x1x1x2x128xi32, #tpu.memory_space<hbm>> -> memref<2x128xi32, #tpu.memory_space<hbm>>
    tpu.enqueue_dma source(%dma_start3A_19 : memref<2x128xi32, #tpu.memory_space<hbm>>) target(%arg7 : memref<2x128xi32, #tpu.memory_space<vmem>>) target_semaphore(%arg13 : memref<!tpu.dma_semaphore, #tpu.memory_space<semaphore_mem>>)
    "tpu.region"() ({
      %run_scoped3A = tpu.sem_alloc : memref<!tpu.dma_semaphore, #tpu.memory_space<semaphore_mem>>
      %dma_start3A_145 = arith.constant 0 : i32
      %dma_start3A_146 = tpu.memref_slice %arg5[%mul3A_0, %dma_start3A_145] : memref<25088x64xf32, #tpu.memory_space<vmem_shared>> -> memref<1568x64xf32, #tpu.memory_space<vmem_shared>>
      %dma_start3A_147 = arith.constant 0 : i32
      %dma_start3A_148 = tpu.memref_slice %arg2[%add3A, %dma_start3A_147] : memref<50176x64xf32, #tpu.memory_space<hbm>> -> memref<1568x64xf32, #tpu.memory_space<hbm>>
      tpu.enqueue_dma source(%dma_start3A_148 : memref<1568x64xf32, #tpu.memory_space<hbm>>) target(%dma_start3A_146 : memref<1568x64xf32, #tpu.memory_space<vmem_shared>>) target_semaphore(%run_scoped3A : memref<!tpu.dma_semaphore, #tpu.memory_space<semaphore_mem>>)
      %dma_wait3A_149 = arith.constant 0 : i32
      %dma_wait3A_150 = tpu.memref_slice %arg5[%mul3A_0, %dma_wait3A_149] : memref<25088x64xf32, #tpu.memory_space<vmem_shared>> -> memref<1568x64xf32, #tpu.memory_space<vmem_shared>>
      %dma_wait3A_151 = arith.constant 0 : i32
      %dma_wait3A_152 = tpu.memref_slice %arg2[%add3A, %dma_wait3A_151] : memref<50176x64xf32, #tpu.memory_space<hbm>> -> memref<1568x64xf32, #tpu.memory_space<hbm>>
      tpu.wait_dma2 semaphore(%run_scoped3A : memref<!tpu.dma_semaphore, #tpu.memory_space<semaphore_mem>>) src(%dma_wait3A_152 : memref<1568x64xf32, #tpu.memory_space<hbm>>) dst(%dma_wait3A_150 : memref<1568x64xf32, #tpu.memory_space<vmem_shared>>)
      tpu.yield
    }) : () -> ()
    %barrier3A = arith.constant 0 : index
    tpu.barrier barrier_id(%barrier3A)
    %dma_wait3A = arith.constant 0 : i32
    %dma_wait3A_20 = arith.constant 0 : i32
    %dma_wait3A_21 = arith.constant 0 : i32
    %dma_wait3A_22 = tpu.memref_slice %arg3[%arg0, %arg1, %dma_wait3A, %dma_wait3A_20, %dma_wait3A_21] : memref<2x16x393x2x128xi32, #tpu.memory_space<hbm>> -> memref<1x1x1x2x128xi32, #tpu.memory_space<hbm>>
    %dma_wait3A_23 = tpu.memref_squeeze %dma_wait3A_22 : memref<1x1x1x2x128xi32, #tpu.memory_space<hbm>> -> memref<2x128xi32, #tpu.memory_space<hbm>>
    %dma_wait3A_24 = arith.constant 0 : i32
    %dma_wait3A_25 = arith.constant 0 : i32
    %dma_wait3A_26 = tpu.memref_slice %arg3[%arg0, %arg1, %dma_wait3A, %dma_wait3A_24, %dma_wait3A_25] : memref<2x16x393x2x128xi32, #tpu.memory_space<hbm>> -> memref<1x1x1x2x128xi32, #tpu.memory_space<hbm>>
    %dma_wait3A_27 = tpu.memref_squeeze %dma_wait3A_26 : memref<1x1x1x2x128xi32, #tpu.memory_space<hbm>> -> memref<2x128xi32, #tpu.memory_space<hbm>>
    tpu.wait_dma2 semaphore(%arg12 : memref<!tpu.dma_semaphore, #tpu.memory_space<semaphore_mem>>) src(%dma_wait3A_27 : memref<2x128xi32, #tpu.memory_space<hbm>>) dst(%arg6 : memref<2x128xi32, #tpu.memory_space<vmem>>)
    %dma_start3A_28 = arith.constant 0 : i32
    %dma_start3A_29 = arith.constant 0 : i32
    %dma_start3A_30 = tpu.memref_slice %arg6[%dma_start3A_28, %dma_start3A_29] : memref<2x128xi32, #tpu.memory_space<vmem>> -> memref<1x128xi32, #tpu.memory_space<vmem>>
    %dma_start3A_31 = tpu.memref_squeeze %dma_start3A_30 : memref<1x128xi32, #tpu.memory_space<vmem>> -> memref<128xi32, #tpu.memory_space<vmem>>
    %dma_start3A_32 = arith.constant 0 : i32
    %dma_start3A_33 = arith.constant 0 : i32
    %dma_start3A_34 = tpu.memref_slice %arg2[%dma_start3A_32, %dma_start3A_33] : memref<50176x64xf32, #tpu.memory_space<hbm>> -> memref<50176x64xf32, #tpu.memory_space<hbm>>
    tpu.enqueue_indirect_dma source(%dma_start3A_34 : memref<50176x64xf32, #tpu.memory_space<hbm>>) target(%arg9 : memref<128x64xf32, #tpu.memory_space<vmem>>) offsets(%dma_start3A_31 : memref<128xi32, #tpu.memory_space<vmem>>) semaphore(%arg15 : memref<!tpu.dma_semaphore, #tpu.memory_space<semaphore_mem>>)
    %dma_wait3A_35 = arith.constant 1 : i32
    %dma_wait3A_36 = arith.constant 0 : i32
    %dma_wait3A_37 = arith.constant 0 : i32
    %dma_wait3A_38 = tpu.memref_slice %arg3[%arg0, %arg1, %dma_wait3A_35, %dma_wait3A_36, %dma_wait3A_37] : memref<2x16x393x2x128xi32, #tpu.memory_space<hbm>> -> memref<1x1x1x2x128xi32, #tpu.memory_space<hbm>>
    %dma_wait3A_39 = tpu.memref_squeeze %dma_wait3A_38 : memref<1x1x1x2x128xi32, #tpu.memory_space<hbm>> -> memref<2x128xi32, #tpu.memory_space<hbm>>
    %dma_wait3A_40 = arith.constant 0 : i32
    %dma_wait3A_41 = arith.constant 0 : i32
    %dma_wait3A_42 = tpu.memref_slice %arg3[%arg0, %arg1, %dma_wait3A_35, %dma_wait3A_40, %dma_wait3A_41] : memref<2x16x393x2x128xi32, #tpu.memory_space<hbm>> -> memref<1x1x1x2x128xi32, #tpu.memory_space<hbm>>
    %dma_wait3A_43 = tpu.memref_squeeze %dma_wait3A_42 : memref<1x1x1x2x128xi32, #tpu.memory_space<hbm>> -> memref<2x128xi32, #tpu.memory_space<hbm>>
    tpu.wait_dma2 semaphore(%arg13 : memref<!tpu.dma_semaphore, #tpu.memory_space<semaphore_mem>>) src(%dma_wait3A_43 : memref<2x128xi32, #tpu.memory_space<hbm>>) dst(%arg7 : memref<2x128xi32, #tpu.memory_space<vmem>>)
    %dma_start3A_44 = arith.constant 0 : i32
    %dma_start3A_45 = arith.constant 0 : i32
    %dma_start3A_46 = tpu.memref_slice %arg7[%dma_start3A_44, %dma_start3A_45] : memref<2x128xi32, #tpu.memory_space<vmem>> -> memref<1x128xi32, #tpu.memory_space<vmem>>
    %dma_start3A_47 = tpu.memref_squeeze %dma_start3A_46 : memref<1x128xi32, #tpu.memory_space<vmem>> -> memref<128xi32, #tpu.memory_space<vmem>>
    %dma_start3A_48 = arith.constant 0 : i32
    %dma_start3A_49 = arith.constant 0 : i32
    %dma_start3A_50 = tpu.memref_slice %arg2[%dma_start3A_48, %dma_start3A_49] : memref<50176x64xf32, #tpu.memory_space<hbm>> -> memref<50176x64xf32, #tpu.memory_space<hbm>>
    tpu.enqueue_indirect_dma source(%dma_start3A_50 : memref<50176x64xf32, #tpu.memory_space<hbm>>) target(%arg10 : memref<128x64xf32, #tpu.memory_space<vmem>>) offsets(%dma_start3A_47 : memref<128xi32, #tpu.memory_space<vmem>>) semaphore(%arg16 : memref<!tpu.dma_semaphore, #tpu.memory_space<semaphore_mem>>)
    %dma_start3A_51 = arith.constant 2 : i32
    %dma_start3A_52 = arith.constant 0 : i32
    %dma_start3A_53 = arith.constant 0 : i32
    %dma_start3A_54 = tpu.memref_slice %arg3[%arg0, %arg1, %dma_start3A_51, %dma_start3A_52, %dma_start3A_53] : memref<2x16x393x2x128xi32, #tpu.memory_space<hbm>> -> memref<1x1x1x2x128xi32, #tpu.memory_space<hbm>>
    %dma_start3A_55 = tpu.memref_squeeze %dma_start3A_54 : memref<1x1x1x2x128xi32, #tpu.memory_space<hbm>> -> memref<2x128xi32, #tpu.memory_space<hbm>>
    %dma_start3A_56 = arith.constant 0 : i32
    %dma_start3A_57 = arith.constant 0 : i32
    %dma_start3A_58 = tpu.memref_slice %arg3[%arg0, %arg1, %dma_start3A_51, %dma_start3A_56, %dma_start3A_57] : memref<2x16x393x2x128xi32, #tpu.memory_space<hbm>> -> memref<1x1x1x2x128xi32, #tpu.memory_space<hbm>>
    %dma_start3A_59 = tpu.memref_squeeze %dma_start3A_58 : memref<1x1x1x2x128xi32, #tpu.memory_space<hbm>> -> memref<2x128xi32, #tpu.memory_space<hbm>>
    tpu.enqueue_dma source(%dma_start3A_59 : memref<2x128xi32, #tpu.memory_space<hbm>>) target(%arg8 : memref<2x128xi32, #tpu.memory_space<vmem>>) target_semaphore(%arg14 : memref<!tpu.dma_semaphore, #tpu.memory_space<semaphore_mem>>)
    %dma_wait3A_60 = arith.constant 0 : i32
    %dma_wait3A_61 = arith.constant 0 : i32
    %dma_wait3A_62 = tpu.memref_slice %arg6[%dma_wait3A_60, %dma_wait3A_61] : memref<2x128xi32, #tpu.memory_space<vmem>> -> memref<1x128xi32, #tpu.memory_space<vmem>>
    %dma_wait3A_63 = tpu.memref_squeeze %dma_wait3A_62 : memref<1x128xi32, #tpu.memory_space<vmem>> -> memref<128xi32, #tpu.memory_space<vmem>>
    %dma_wait3A_64 = arith.constant 0 : i32
    %dma_wait3A_65 = arith.constant 0 : i32
    %dma_wait3A_66 = tpu.memref_slice %arg2[%dma_wait3A_64, %dma_wait3A_65] : memref<50176x64xf32, #tpu.memory_space<hbm>> -> memref<50176x64xf32, #tpu.memory_space<hbm>>
    tpu.wait_indirect_dma semaphore(%arg15 : memref<!tpu.dma_semaphore, #tpu.memory_space<semaphore_mem>>) src(%dma_wait3A_66 : memref<50176x64xf32, #tpu.memory_space<hbm>>) dst(%arg9 : memref<128x64xf32, #tpu.memory_space<vmem>>)
    %dma_start3A_67 = arith.constant 1 : i32
    %dma_start3A_68 = arith.constant 0 : i32
    %dma_start3A_69 = tpu.memref_slice %arg6[%dma_start3A_67, %dma_start3A_68] : memref<2x128xi32, #tpu.memory_space<vmem>> -> memref<1x128xi32, #tpu.memory_space<vmem>>
    %dma_start3A_70 = tpu.memref_squeeze %dma_start3A_69 : memref<1x128xi32, #tpu.memory_space<vmem>> -> memref<128xi32, #tpu.memory_space<vmem>>
    %dma_start3A_71 = arith.constant 0 : i32
    %dma_start3A_72 = arith.constant 0 : i32
    %dma_start3A_73 = tpu.memref_slice %arg5[%dma_start3A_71, %dma_start3A_72] : memref<25088x64xf32, #tpu.memory_space<vmem_shared>> -> memref<25088x64xf32, #tpu.memory_space<vmem_shared>>
    tpu.enqueue_indirect_dma source(%arg9 : memref<128x64xf32, #tpu.memory_space<vmem>>) target(%dma_start3A_73 : memref<25088x64xf32, #tpu.memory_space<vmem_shared>>) offsets(%dma_start3A_70 : memref<128xi32, #tpu.memory_space<vmem>>) semaphore(%arg18 : memref<!tpu.dma_semaphore, #tpu.memory_space<semaphore_mem>>) {add = true}
    %scan3A = arith.constant 0 : i32
    %scan3A_74 = arith.constant 0 : i32
    %scan3A_75 = arith.constant 130 : i32
    %scan3A_76 = arith.addi %scan3A_74, %scan3A_75 : i32
    %scan3A_77 = arith.constant 1 : i32
    scf.for %scan3A_145 = %scan3A_74 to %scan3A_76 step %scan3A_77  : i32 {
      %mul3A_146 = arith.constant 3 : i32
      %mul3A_147 = arith.muli %scan3A_145, %mul3A_146 : i32
      %add3A_148 = arith.constant 1 : i32
      %add3A_149 = arith.addi %add3A_148, %mul3A_147 : i32
      %add3A_150 = arith.constant 0 : i32
      %add3A_151 = arith.addi %add3A_149, %add3A_150 : i32
      %add3A_152 = arith.constant 1 : i32
      %add3A_153 = arith.addi %add3A_151, %add3A_152 : i32
      %dma_wait3A_154 = arith.constant 0 : i32
      %dma_wait3A_155 = arith.constant 0 : i32
      %dma_wait3A_156 = tpu.memref_slice %arg3[%arg0, %arg1, %add3A_153, %dma_wait3A_154, %dma_wait3A_155] : memref<2x16x393x2x128xi32, #tpu.memory_space<hbm>> -> memref<1x1x1x2x128xi32, #tpu.memory_space<hbm>>
      %dma_wait3A_157 = tpu.memref_squeeze %dma_wait3A_156 : memref<1x1x1x2x128xi32, #tpu.memory_space<hbm>> -> memref<2x128xi32, #tpu.memory_space<hbm>>
      %dma_wait3A_158 = arith.constant 0 : i32
      %dma_wait3A_159 = arith.constant 0 : i32
      %dma_wait3A_160 = tpu.memref_slice %arg3[%arg0, %arg1, %add3A_153, %dma_wait3A_158, %dma_wait3A_159] : memref<2x16x393x2x128xi32, #tpu.memory_space<hbm>> -> memref<1x1x1x2x128xi32, #tpu.memory_space<hbm>>
      %dma_wait3A_161 = tpu.memref_squeeze %dma_wait3A_160 : memref<1x1x1x2x128xi32, #tpu.memory_space<hbm>> -> memref<2x128xi32, #tpu.memory_space<hbm>>
      tpu.wait_dma2 semaphore(%arg14 : memref<!tpu.dma_semaphore, #tpu.memory_space<semaphore_mem>>) src(%dma_wait3A_161 : memref<2x128xi32, #tpu.memory_space<hbm>>) dst(%arg8 : memref<2x128xi32, #tpu.memory_space<vmem>>)
      %dma_start3A_162 = arith.constant 0 : i32
      %dma_start3A_163 = arith.constant 0 : i32
      %dma_start3A_164 = tpu.memref_slice %arg8[%dma_start3A_162, %dma_start3A_163] : memref<2x128xi32, #tpu.memory_space<vmem>> -> memref<1x128xi32, #tpu.memory_space<vmem>>
      %dma_start3A_165 = tpu.memref_squeeze %dma_start3A_164 : memref<1x128xi32, #tpu.memory_space<vmem>> -> memref<128xi32, #tpu.memory_space<vmem>>
      %dma_start3A_166 = arith.constant 0 : i32
      %dma_start3A_167 = arith.constant 0 : i32
      %dma_start3A_168 = tpu.memref_slice %arg2[%dma_start3A_166, %dma_start3A_167] : memref<50176x64xf32, #tpu.memory_space<hbm>> -> memref<50176x64xf32, #tpu.memory_space<hbm>>
      tpu.enqueue_indirect_dma source(%dma_start3A_168 : memref<50176x64xf32, #tpu.memory_space<hbm>>) target(%arg11 : memref<128x64xf32, #tpu.memory_space<vmem>>) offsets(%dma_start3A_165 : memref<128xi32, #tpu.memory_space<vmem>>) semaphore(%arg17 : memref<!tpu.dma_semaphore, #tpu.memory_space<semaphore_mem>>)
      %dma_wait3A_169 = arith.constant 1 : i32
      %dma_wait3A_170 = arith.constant 0 : i32
      %dma_wait3A_171 = tpu.memref_slice %arg6[%dma_wait3A_169, %dma_wait3A_170] : memref<2x128xi32, #tpu.memory_space<vmem>> -> memref<1x128xi32, #tpu.memory_space<vmem>>
      %dma_wait3A_172 = tpu.memref_squeeze %dma_wait3A_171 : memref<1x128xi32, #tpu.memory_space<vmem>> -> memref<128xi32, #tpu.memory_space<vmem>>
      %dma_wait3A_173 = arith.constant 0 : i32
      %dma_wait3A_174 = arith.constant 0 : i32
      %dma_wait3A_175 = tpu.memref_slice %arg5[%dma_wait3A_173, %dma_wait3A_174] : memref<25088x64xf32, #tpu.memory_space<vmem_shared>> -> memref<25088x64xf32, #tpu.memory_space<vmem_shared>>
      tpu.wait_indirect_dma semaphore(%arg18 : memref<!tpu.dma_semaphore, #tpu.memory_space<semaphore_mem>>) src(%arg9 : memref<128x64xf32, #tpu.memory_space<vmem>>) dst(%dma_wait3A_175 : memref<25088x64xf32, #tpu.memory_space<vmem_shared>>)
      %add3A_176 = arith.constant 2 : i32
      %add3A_177 = arith.addi %add3A_151, %add3A_176 : i32
      %dma_start3A_178 = arith.constant 0 : i32
      %dma_start3A_179 = arith.constant 0 : i32
      %dma_start3A_180 = tpu.memref_slice %arg3[%arg0, %arg1, %add3A_177, %dma_start3A_178, %dma_start3A_179] : memref<2x16x393x2x128xi32, #tpu.memory_space<hbm>> -> memref<1x1x1x2x128xi32, #tpu.memory_space<hbm>>
      %dma_start3A_181 = tpu.memref_squeeze %dma_start3A_180 : memref<1x1x1x2x128xi32, #tpu.memory_space<hbm>> -> memref<2x128xi32, #tpu.memory_space<hbm>>
      %dma_start3A_182 = arith.constant 0 : i32
      %dma_start3A_183 = arith.constant 0 : i32
      %dma_start3A_184 = tpu.memref_slice %arg3[%arg0, %arg1, %add3A_177, %dma_start3A_182, %dma_start3A_183] : memref<2x16x393x2x128xi32, #tpu.memory_space<hbm>> -> memref<1x1x1x2x128xi32, #tpu.memory_space<hbm>>
      %dma_start3A_185 = tpu.memref_squeeze %dma_start3A_184 : memref<1x1x1x2x128xi32, #tpu.memory_space<hbm>> -> memref<2x128xi32, #tpu.memory_space<hbm>>
      tpu.enqueue_dma source(%dma_start3A_185 : memref<2x128xi32, #tpu.memory_space<hbm>>) target(%arg6 : memref<2x128xi32, #tpu.memory_space<vmem>>) target_semaphore(%arg12 : memref<!tpu.dma_semaphore, #tpu.memory_space<semaphore_mem>>)
      %dma_wait3A_186 = arith.constant 0 : i32
      %dma_wait3A_187 = arith.constant 0 : i32
      %dma_wait3A_188 = tpu.memref_slice %arg7[%dma_wait3A_186, %dma_wait3A_187] : memref<2x128xi32, #tpu.memory_space<vmem>> -> memref<1x128xi32, #tpu.memory_space<vmem>>
      %dma_wait3A_189 = tpu.memref_squeeze %dma_wait3A_188 : memref<1x128xi32, #tpu.memory_space<vmem>> -> memref<128xi32, #tpu.memory_space<vmem>>
      %dma_wait3A_190 = arith.constant 0 : i32
      %dma_wait3A_191 = arith.constant 0 : i32
      %dma_wait3A_192 = tpu.memref_slice %arg2[%dma_wait3A_190, %dma_wait3A_191] : memref<50176x64xf32, #tpu.memory_space<hbm>> -> memref<50176x64xf32, #tpu.memory_space<hbm>>
      tpu.wait_indirect_dma semaphore(%arg16 : memref<!tpu.dma_semaphore, #tpu.memory_space<semaphore_mem>>) src(%dma_wait3A_192 : memref<50176x64xf32, #tpu.memory_space<hbm>>) dst(%arg10 : memref<128x64xf32, #tpu.memory_space<vmem>>)
      %dma_start3A_193 = arith.constant 1 : i32
      %dma_start3A_194 = arith.constant 0 : i32
      %dma_start3A_195 = tpu.memref_slice %arg7[%dma_start3A_193, %dma_start3A_194] : memref<2x128xi32, #tpu.memory_space<vmem>> -> memref<1x128xi32, #tpu.memory_space<vmem>>
      %dma_start3A_196 = tpu.memref_squeeze %dma_start3A_195 : memref<1x128xi32, #tpu.memory_space<vmem>> -> memref<128xi32, #tpu.memory_space<vmem>>
      %dma_start3A_197 = arith.constant 0 : i32
      %dma_start3A_198 = arith.constant 0 : i32
      %dma_start3A_199 = tpu.memref_slice %arg5[%dma_start3A_197, %dma_start3A_198] : memref<25088x64xf32, #tpu.memory_space<vmem_shared>> -> memref<25088x64xf32, #tpu.memory_space<vmem_shared>>
      tpu.enqueue_indirect_dma source(%arg10 : memref<128x64xf32, #tpu.memory_space<vmem>>) target(%dma_start3A_199 : memref<25088x64xf32, #tpu.memory_space<vmem_shared>>) offsets(%dma_start3A_196 : memref<128xi32, #tpu.memory_space<vmem>>) semaphore(%arg19 : memref<!tpu.dma_semaphore, #tpu.memory_space<semaphore_mem>>) {add = true}
      %mul3A_200 = arith.constant 3 : i32
      %mul3A_201 = arith.muli %scan3A_145, %mul3A_200 : i32
      %add3A_202 = arith.constant 1 : i32
      %add3A_203 = arith.addi %add3A_202, %mul3A_201 : i32
      %add3A_204 = arith.constant 1 : i32
      %add3A_205 = arith.addi %add3A_203, %add3A_204 : i32
      %add3A_206 = arith.constant 1 : i32
      %add3A_207 = arith.addi %add3A_205, %add3A_206 : i32
      %dma_wait3A_208 = arith.constant 0 : i32
      %dma_wait3A_209 = arith.constant 0 : i32
      %dma_wait3A_210 = tpu.memref_slice %arg3[%arg0, %arg1, %add3A_207, %dma_wait3A_208, %dma_wait3A_209] : memref<2x16x393x2x128xi32, #tpu.memory_space<hbm>> -> memref<1x1x1x2x128xi32, #tpu.memory_space<hbm>>
      %dma_wait3A_211 = tpu.memref_squeeze %dma_wait3A_210 : memref<1x1x1x2x128xi32, #tpu.memory_space<hbm>> -> memref<2x128xi32, #tpu.memory_space<hbm>>
      %dma_wait3A_212 = arith.constant 0 : i32
      %dma_wait3A_213 = arith.constant 0 : i32
      %dma_wait3A_214 = tpu.memref_slice %arg3[%arg0, %arg1, %add3A_207, %dma_wait3A_212, %dma_wait3A_213] : memref<2x16x393x2x128xi32, #tpu.memory_space<hbm>> -> memref<1x1x1x2x128xi32, #tpu.memory_space<hbm>>
      %dma_wait3A_215 = tpu.memref_squeeze %dma_wait3A_214 : memref<1x1x1x2x128xi32, #tpu.memory_space<hbm>> -> memref<2x128xi32, #tpu.memory_space<hbm>>
      tpu.wait_dma2 semaphore(%arg12 : memref<!tpu.dma_semaphore, #tpu.memory_space<semaphore_mem>>) src(%dma_wait3A_215 : memref<2x128xi32, #tpu.memory_space<hbm>>) dst(%arg6 : memref<2x128xi32, #tpu.memory_space<vmem>>)
      %dma_start3A_216 = arith.constant 0 : i32
      %dma_start3A_217 = arith.constant 0 : i32
      %dma_start3A_218 = tpu.memref_slice %arg6[%dma_start3A_216, %dma_start3A_217] : memref<2x128xi32, #tpu.memory_space<vmem>> -> memref<1x128xi32, #tpu.memory_space<vmem>>
      %dma_start3A_219 = tpu.memref_squeeze %dma_start3A_218 : memref<1x128xi32, #tpu.memory_space<vmem>> -> memref<128xi32, #tpu.memory_space<vmem>>
      %dma_start3A_220 = arith.constant 0 : i32
      %dma_start3A_221 = arith.constant 0 : i32
      %dma_start3A_222 = tpu.memref_slice %arg2[%dma_start3A_220, %dma_start3A_221] : memref<50176x64xf32, #tpu.memory_space<hbm>> -> memref<50176x64xf32, #tpu.memory_space<hbm>>
      tpu.enqueue_indirect_dma source(%dma_start3A_222 : memref<50176x64xf32, #tpu.memory_space<hbm>>) target(%arg9 : memref<128x64xf32, #tpu.memory_space<vmem>>) offsets(%dma_start3A_219 : memref<128xi32, #tpu.memory_space<vmem>>) semaphore(%arg15 : memref<!tpu.dma_semaphore, #tpu.memory_space<semaphore_mem>>)
      %dma_wait3A_223 = arith.constant 1 : i32
      %dma_wait3A_224 = arith.constant 0 : i32
      %dma_wait3A_225 = tpu.memref_slice %arg7[%dma_wait3A_223, %dma_wait3A_224] : memref<2x128xi32, #tpu.memory_space<vmem>> -> memref<1x128xi32, #tpu.memory_space<vmem>>
      %dma_wait3A_226 = tpu.memref_squeeze %dma_wait3A_225 : memref<1x128xi32, #tpu.memory_space<vmem>> -> memref<128xi32, #tpu.memory_space<vmem>>
      %dma_wait3A_227 = arith.constant 0 : i32
      %dma_wait3A_228 = arith.constant 0 : i32
      %dma_wait3A_229 = tpu.memref_slice %arg5[%dma_wait3A_227, %dma_wait3A_228] : memref<25088x64xf32, #tpu.memory_space<vmem_shared>> -> memref<25088x64xf32, #tpu.memory_space<vmem_shared>>
      tpu.wait_indirect_dma semaphore(%arg19 : memref<!tpu.dma_semaphore, #tpu.memory_space<semaphore_mem>>) src(%arg10 : memref<128x64xf32, #tpu.memory_space<vmem>>) dst(%dma_wait3A_229 : memref<25088x64xf32, #tpu.memory_space<vmem_shared>>)
      %add3A_230 = arith.constant 2 : i32
      %add3A_231 = arith.addi %add3A_205, %add3A_230 : i32
      %dma_start3A_232 = arith.constant 0 : i32
      %dma_start3A_233 = arith.constant 0 : i32
      %dma_start3A_234 = tpu.memref_slice %arg3[%arg0, %arg1, %add3A_231, %dma_start3A_232, %dma_start3A_233] : memref<2x16x393x2x128xi32, #tpu.memory_space<hbm>> -> memref<1x1x1x2x128xi32, #tpu.memory_space<hbm>>
      %dma_start3A_235 = tpu.memref_squeeze %dma_start3A_234 : memref<1x1x1x2x128xi32, #tpu.memory_space<hbm>> -> memref<2x128xi32, #tpu.memory_space<hbm>>
      %dma_start3A_236 = arith.constant 0 : i32
      %dma_start3A_237 = arith.constant 0 : i32
      %dma_start3A_238 = tpu.memref_slice %arg3[%arg0, %arg1, %add3A_231, %dma_start3A_236, %dma_start3A_237] : memref<2x16x393x2x128xi32, #tpu.memory_space<hbm>> -> memref<1x1x1x2x128xi32, #tpu.memory_space<hbm>>
      %dma_start3A_239 = tpu.memref_squeeze %dma_start3A_238 : memref<1x1x1x2x128xi32, #tpu.memory_space<hbm>> -> memref<2x128xi32, #tpu.memory_space<hbm>>
      tpu.enqueue_dma source(%dma_start3A_239 : memref<2x128xi32, #tpu.memory_space<hbm>>) target(%arg7 : memref<2x128xi32, #tpu.memory_space<vmem>>) target_semaphore(%arg13 : memref<!tpu.dma_semaphore, #tpu.memory_space<semaphore_mem>>)
      %dma_wait3A_240 = arith.constant 0 : i32
      %dma_wait3A_241 = arith.constant 0 : i32
      %dma_wait3A_242 = tpu.memref_slice %arg8[%dma_wait3A_240, %dma_wait3A_241] : memref<2x128xi32, #tpu.memory_space<vmem>> -> memref<1x128xi32, #tpu.memory_space<vmem>>
      %dma_wait3A_243 = tpu.memref_squeeze %dma_wait3A_242 : memref<1x128xi32, #tpu.memory_space<vmem>> -> memref<128xi32, #tpu.memory_space<vmem>>
      %dma_wait3A_244 = arith.constant 0 : i32
      %dma_wait3A_245 = arith.constant 0 : i32
      %dma_wait3A_246 = tpu.memref_slice %arg2[%dma_wait3A_244, %dma_wait3A_245] : memref<50176x64xf32, #tpu.memory_space<hbm>> -> memref<50176x64xf32, #tpu.memory_space<hbm>>
      tpu.wait_indirect_dma semaphore(%arg17 : memref<!tpu.dma_semaphore, #tpu.memory_space<semaphore_mem>>) src(%dma_wait3A_246 : memref<50176x64xf32, #tpu.memory_space<hbm>>) dst(%arg11 : memref<128x64xf32, #tpu.memory_space<vmem>>)
      %dma_start3A_247 = arith.constant 1 : i32
      %dma_start3A_248 = arith.constant 0 : i32
      %dma_start3A_249 = tpu.memref_slice %arg8[%dma_start3A_247, %dma_start3A_248] : memref<2x128xi32, #tpu.memory_space<vmem>> -> memref<1x128xi32, #tpu.memory_space<vmem>>
      %dma_start3A_250 = tpu.memref_squeeze %dma_start3A_249 : memref<1x128xi32, #tpu.memory_space<vmem>> -> memref<128xi32, #tpu.memory_space<vmem>>
      %dma_start3A_251 = arith.constant 0 : i32
      %dma_start3A_252 = arith.constant 0 : i32
      %dma_start3A_253 = tpu.memref_slice %arg5[%dma_start3A_251, %dma_start3A_252] : memref<25088x64xf32, #tpu.memory_space<vmem_shared>> -> memref<25088x64xf32, #tpu.memory_space<vmem_shared>>
      tpu.enqueue_indirect_dma source(%arg11 : memref<128x64xf32, #tpu.memory_space<vmem>>) target(%dma_start3A_253 : memref<25088x64xf32, #tpu.memory_space<vmem_shared>>) offsets(%dma_start3A_250 : memref<128xi32, #tpu.memory_space<vmem>>) semaphore(%arg20 : memref<!tpu.dma_semaphore, #tpu.memory_space<semaphore_mem>>) {add = true}
      %mul3A_254 = arith.constant 3 : i32
      %mul3A_255 = arith.muli %scan3A_145, %mul3A_254 : i32
      %add3A_256 = arith.constant 1 : i32
      %add3A_257 = arith.addi %add3A_256, %mul3A_255 : i32
      %add3A_258 = arith.constant 2 : i32
      %add3A_259 = arith.addi %add3A_257, %add3A_258 : i32
      %add3A_260 = arith.constant 1 : i32
      %add3A_261 = arith.addi %add3A_259, %add3A_260 : i32
      %dma_wait3A_262 = arith.constant 0 : i32
      %dma_wait3A_263 = arith.constant 0 : i32
      %dma_wait3A_264 = tpu.memref_slice %arg3[%arg0, %arg1, %add3A_261, %dma_wait3A_262, %dma_wait3A_263] : memref<2x16x393x2x128xi32, #tpu.memory_space<hbm>> -> memref<1x1x1x2x128xi32, #tpu.memory_space<hbm>>
      %dma_wait3A_265 = tpu.memref_squeeze %dma_wait3A_264 : memref<1x1x1x2x128xi32, #tpu.memory_space<hbm>> -> memref<2x128xi32, #tpu.memory_space<hbm>>
      %dma_wait3A_266 = arith.constant 0 : i32
      %dma_wait3A_267 = arith.constant 0 : i32
      %dma_wait3A_268 = tpu.memref_slice %arg3[%arg0, %arg1, %add3A_261, %dma_wait3A_266, %dma_wait3A_267] : memref<2x16x393x2x128xi32, #tpu.memory_space<hbm>> -> memref<1x1x1x2x128xi32, #tpu.memory_space<hbm>>
      %dma_wait3A_269 = tpu.memref_squeeze %dma_wait3A_268 : memref<1x1x1x2x128xi32, #tpu.memory_space<hbm>> -> memref<2x128xi32, #tpu.memory_space<hbm>>
      tpu.wait_dma2 semaphore(%arg13 : memref<!tpu.dma_semaphore, #tpu.memory_space<semaphore_mem>>) src(%dma_wait3A_269 : memref<2x128xi32, #tpu.memory_space<hbm>>) dst(%arg7 : memref<2x128xi32, #tpu.memory_space<vmem>>)
      %dma_start3A_270 = arith.constant 0 : i32
      %dma_start3A_271 = arith.constant 0 : i32
      %dma_start3A_272 = tpu.memref_slice %arg7[%dma_start3A_270, %dma_start3A_271] : memref<2x128xi32, #tpu.memory_space<vmem>> -> memref<1x128xi32, #tpu.memory_space<vmem>>
      %dma_start3A_273 = tpu.memref_squeeze %dma_start3A_272 : memref<1x128xi32, #tpu.memory_space<vmem>> -> memref<128xi32, #tpu.memory_space<vmem>>
      %dma_start3A_274 = arith.constant 0 : i32
      %dma_start3A_275 = arith.constant 0 : i32
      %dma_start3A_276 = tpu.memref_slice %arg2[%dma_start3A_274, %dma_start3A_275] : memref<50176x64xf32, #tpu.memory_space<hbm>> -> memref<50176x64xf32, #tpu.memory_space<hbm>>
      tpu.enqueue_indirect_dma source(%dma_start3A_276 : memref<50176x64xf32, #tpu.memory_space<hbm>>) target(%arg10 : memref<128x64xf32, #tpu.memory_space<vmem>>) offsets(%dma_start3A_273 : memref<128xi32, #tpu.memory_space<vmem>>) semaphore(%arg16 : memref<!tpu.dma_semaphore, #tpu.memory_space<semaphore_mem>>)
      %dma_wait3A_277 = arith.constant 1 : i32
      %dma_wait3A_278 = arith.constant 0 : i32
      %dma_wait3A_279 = tpu.memref_slice %arg8[%dma_wait3A_277, %dma_wait3A_278] : memref<2x128xi32, #tpu.memory_space<vmem>> -> memref<1x128xi32, #tpu.memory_space<vmem>>
      %dma_wait3A_280 = tpu.memref_squeeze %dma_wait3A_279 : memref<1x128xi32, #tpu.memory_space<vmem>> -> memref<128xi32, #tpu.memory_space<vmem>>
      %dma_wait3A_281 = arith.constant 0 : i32
      %dma_wait3A_282 = arith.constant 0 : i32
      %dma_wait3A_283 = tpu.memref_slice %arg5[%dma_wait3A_281, %dma_wait3A_282] : memref<25088x64xf32, #tpu.memory_space<vmem_shared>> -> memref<25088x64xf32, #tpu.memory_space<vmem_shared>>
      tpu.wait_indirect_dma semaphore(%arg20 : memref<!tpu.dma_semaphore, #tpu.memory_space<semaphore_mem>>) src(%arg11 : memref<128x64xf32, #tpu.memory_space<vmem>>) dst(%dma_wait3A_283 : memref<25088x64xf32, #tpu.memory_space<vmem_shared>>)
      %add3A_284 = arith.constant 2 : i32
      %add3A_285 = arith.addi %add3A_259, %add3A_284 : i32
      %dma_start3A_286 = arith.constant 0 : i32
      %dma_start3A_287 = arith.constant 0 : i32
      %dma_start3A_288 = tpu.memref_slice %arg3[%arg0, %arg1, %add3A_285, %dma_start3A_286, %dma_start3A_287] : memref<2x16x393x2x128xi32, #tpu.memory_space<hbm>> -> memref<1x1x1x2x128xi32, #tpu.memory_space<hbm>>
      %dma_start3A_289 = tpu.memref_squeeze %dma_start3A_288 : memref<1x1x1x2x128xi32, #tpu.memory_space<hbm>> -> memref<2x128xi32, #tpu.memory_space<hbm>>
      %dma_start3A_290 = arith.constant 0 : i32
      %dma_start3A_291 = arith.constant 0 : i32
      %dma_start3A_292 = tpu.memref_slice %arg3[%arg0, %arg1, %add3A_285, %dma_start3A_290, %dma_start3A_291] : memref<2x16x393x2x128xi32, #tpu.memory_space<hbm>> -> memref<1x1x1x2x128xi32, #tpu.memory_space<hbm>>
      %dma_start3A_293 = tpu.memref_squeeze %dma_start3A_292 : memref<1x1x1x2x128xi32, #tpu.memory_space<hbm>> -> memref<2x128xi32, #tpu.memory_space<hbm>>
      tpu.enqueue_dma source(%dma_start3A_293 : memref<2x128xi32, #tpu.memory_space<hbm>>) target(%arg8 : memref<2x128xi32, #tpu.memory_space<vmem>>) target_semaphore(%arg14 : memref<!tpu.dma_semaphore, #tpu.memory_space<semaphore_mem>>)
      %dma_wait3A_294 = arith.constant 0 : i32
      %dma_wait3A_295 = arith.constant 0 : i32
      %dma_wait3A_296 = tpu.memref_slice %arg6[%dma_wait3A_294, %dma_wait3A_295] : memref<2x128xi32, #tpu.memory_space<vmem>> -> memref<1x128xi32, #tpu.memory_space<vmem>>
      %dma_wait3A_297 = tpu.memref_squeeze %dma_wait3A_296 : memref<1x128xi32, #tpu.memory_space<vmem>> -> memref<128xi32, #tpu.memory_space<vmem>>
      %dma_wait3A_298 = arith.constant 0 : i32
      %dma_wait3A_299 = arith.constant 0 : i32
      %dma_wait3A_300 = tpu.memref_slice %arg2[%dma_wait3A_298, %dma_wait3A_299] : memref<50176x64xf32, #tpu.memory_space<hbm>> -> memref<50176x64xf32, #tpu.memory_space<hbm>>
      tpu.wait_indirect_dma semaphore(%arg15 : memref<!tpu.dma_semaphore, #tpu.memory_space<semaphore_mem>>) src(%dma_wait3A_300 : memref<50176x64xf32, #tpu.memory_space<hbm>>) dst(%arg9 : memref<128x64xf32, #tpu.memory_space<vmem>>)
      %dma_start3A_301 = arith.constant 1 : i32
      %dma_start3A_302 = arith.constant 0 : i32
      %dma_start3A_303 = tpu.memref_slice %arg6[%dma_start3A_301, %dma_start3A_302] : memref<2x128xi32, #tpu.memory_space<vmem>> -> memref<1x128xi32, #tpu.memory_space<vmem>>
      %dma_start3A_304 = tpu.memref_squeeze %dma_start3A_303 : memref<1x128xi32, #tpu.memory_space<vmem>> -> memref<128xi32, #tpu.memory_space<vmem>>
      %dma_start3A_305 = arith.constant 0 : i32
      %dma_start3A_306 = arith.constant 0 : i32
      %dma_start3A_307 = tpu.memref_slice %arg5[%dma_start3A_305, %dma_start3A_306] : memref<25088x64xf32, #tpu.memory_space<vmem_shared>> -> memref<25088x64xf32, #tpu.memory_space<vmem_shared>>
      tpu.enqueue_indirect_dma source(%arg9 : memref<128x64xf32, #tpu.memory_space<vmem>>) target(%dma_start3A_307 : memref<25088x64xf32, #tpu.memory_space<vmem_shared>>) offsets(%dma_start3A_304 : memref<128xi32, #tpu.memory_space<vmem>>) semaphore(%arg18 : memref<!tpu.dma_semaphore, #tpu.memory_space<semaphore_mem>>) {add = true}
    }
    %scan3A_78 = arith.constant 130 : i32
    %dma_wait3A_79 = arith.constant 392 : i32
    %dma_wait3A_80 = arith.constant 0 : i32
    %dma_wait3A_81 = arith.constant 0 : i32
    %dma_wait3A_82 = tpu.memref_slice %arg3[%arg0, %arg1, %dma_wait3A_79, %dma_wait3A_80, %dma_wait3A_81] : memref<2x16x393x2x128xi32, #tpu.memory_space<hbm>> -> memref<1x1x1x2x128xi32, #tpu.memory_space<hbm>>
    %dma_wait3A_83 = tpu.memref_squeeze %dma_wait3A_82 : memref<1x1x1x2x128xi32, #tpu.memory_space<hbm>> -> memref<2x128xi32, #tpu.memory_space<hbm>>
    %dma_wait3A_84 = arith.constant 0 : i32
    %dma_wait3A_85 = arith.constant 0 : i32
    %dma_wait3A_86 = tpu.memref_slice %arg3[%arg0, %arg1, %dma_wait3A_79, %dma_wait3A_84, %dma_wait3A_85] : memref<2x16x393x2x128xi32, #tpu.memory_space<hbm>> -> memref<1x1x1x2x128xi32, #tpu.memory_space<hbm>>
    %dma_wait3A_87 = tpu.memref_squeeze %dma_wait3A_86 : memref<1x1x1x2x128xi32, #tpu.memory_space<hbm>> -> memref<2x128xi32, #tpu.memory_space<hbm>>
    tpu.wait_dma2 semaphore(%arg14 : memref<!tpu.dma_semaphore, #tpu.memory_space<semaphore_mem>>) src(%dma_wait3A_87 : memref<2x128xi32, #tpu.memory_space<hbm>>) dst(%arg8 : memref<2x128xi32, #tpu.memory_space<vmem>>)
    %dma_start3A_88 = arith.constant 0 : i32
    %dma_start3A_89 = arith.constant 0 : i32
    %dma_start3A_90 = tpu.memref_slice %arg8[%dma_start3A_88, %dma_start3A_89] : memref<2x128xi32, #tpu.memory_space<vmem>> -> memref<1x128xi32, #tpu.memory_space<vmem>>
    %dma_start3A_91 = tpu.memref_squeeze %dma_start3A_90 : memref<1x128xi32, #tpu.memory_space<vmem>> -> memref<128xi32, #tpu.memory_space<vmem>>
    %dma_start3A_92 = arith.constant 0 : i32
    %dma_start3A_93 = arith.constant 0 : i32
    %dma_start3A_94 = tpu.memref_slice %arg2[%dma_start3A_92, %dma_start3A_93] : memref<50176x64xf32, #tpu.memory_space<hbm>> -> memref<50176x64xf32, #tpu.memory_space<hbm>>
    tpu.enqueue_indirect_dma source(%dma_start3A_94 : memref<50176x64xf32, #tpu.memory_space<hbm>>) target(%arg11 : memref<128x64xf32, #tpu.memory_space<vmem>>) offsets(%dma_start3A_91 : memref<128xi32, #tpu.memory_space<vmem>>) semaphore(%arg17 : memref<!tpu.dma_semaphore, #tpu.memory_space<semaphore_mem>>)
    %dma_wait3A_95 = arith.constant 1 : i32
    %dma_wait3A_96 = arith.constant 0 : i32
    %dma_wait3A_97 = tpu.memref_slice %arg6[%dma_wait3A_95, %dma_wait3A_96] : memref<2x128xi32, #tpu.memory_space<vmem>> -> memref<1x128xi32, #tpu.memory_space<vmem>>
    %dma_wait3A_98 = tpu.memref_squeeze %dma_wait3A_97 : memref<1x128xi32, #tpu.memory_space<vmem>> -> memref<128xi32, #tpu.memory_space<vmem>>
    %dma_wait3A_99 = arith.constant 0 : i32
    %dma_wait3A_100 = arith.constant 0 : i32
    %dma_wait3A_101 = tpu.memref_slice %arg5[%dma_wait3A_99, %dma_wait3A_100] : memref<25088x64xf32, #tpu.memory_space<vmem_shared>> -> memref<25088x64xf32, #tpu.memory_space<vmem_shared>>
    tpu.wait_indirect_dma semaphore(%arg18 : memref<!tpu.dma_semaphore, #tpu.memory_space<semaphore_mem>>) src(%arg9 : memref<128x64xf32, #tpu.memory_space<vmem>>) dst(%dma_wait3A_101 : memref<25088x64xf32, #tpu.memory_space<vmem_shared>>)
    %dma_wait3A_102 = arith.constant 0 : i32
    %dma_wait3A_103 = arith.constant 0 : i32
    %dma_wait3A_104 = tpu.memref_slice %arg7[%dma_wait3A_102, %dma_wait3A_103] : memref<2x128xi32, #tpu.memory_space<vmem>> -> memref<1x128xi32, #tpu.memory_space<vmem>>
    %dma_wait3A_105 = tpu.memref_squeeze %dma_wait3A_104 : memref<1x128xi32, #tpu.memory_space<vmem>> -> memref<128xi32, #tpu.memory_space<vmem>>
    %dma_wait3A_106 = arith.constant 0 : i32
    %dma_wait3A_107 = arith.constant 0 : i32
    %dma_wait3A_108 = tpu.memref_slice %arg2[%dma_wait3A_106, %dma_wait3A_107] : memref<50176x64xf32, #tpu.memory_space<hbm>> -> memref<50176x64xf32, #tpu.memory_space<hbm>>
    tpu.wait_indirect_dma semaphore(%arg16 : memref<!tpu.dma_semaphore, #tpu.memory_space<semaphore_mem>>) src(%dma_wait3A_108 : memref<50176x64xf32, #tpu.memory_space<hbm>>) dst(%arg10 : memref<128x64xf32, #tpu.memory_space<vmem>>)
    %dma_start3A_109 = arith.constant 1 : i32
    %dma_start3A_110 = arith.constant 0 : i32
    %dma_start3A_111 = tpu.memref_slice %arg7[%dma_start3A_109, %dma_start3A_110] : memref<2x128xi32, #tpu.memory_space<vmem>> -> memref<1x128xi32, #tpu.memory_space<vmem>>
    %dma_start3A_112 = tpu.memref_squeeze %dma_start3A_111 : memref<1x128xi32, #tpu.memory_space<vmem>> -> memref<128xi32, #tpu.memory_space<vmem>>
    %dma_start3A_113 = arith.constant 0 : i32
    %dma_start3A_114 = arith.constant 0 : i32
    %dma_start3A_115 = tpu.memref_slice %arg5[%dma_start3A_113, %dma_start3A_114] : memref<25088x64xf32, #tpu.memory_space<vmem_shared>> -> memref<25088x64xf32, #tpu.memory_space<vmem_shared>>
    tpu.enqueue_indirect_dma source(%arg10 : memref<128x64xf32, #tpu.memory_space<vmem>>) target(%dma_start3A_115 : memref<25088x64xf32, #tpu.memory_space<vmem_shared>>) offsets(%dma_start3A_112 : memref<128xi32, #tpu.memory_space<vmem>>) semaphore(%arg19 : memref<!tpu.dma_semaphore, #tpu.memory_space<semaphore_mem>>) {add = true}
    %dma_wait3A_116 = arith.constant 1 : i32
    %dma_wait3A_117 = arith.constant 0 : i32
    %dma_wait3A_118 = tpu.memref_slice %arg7[%dma_wait3A_116, %dma_wait3A_117] : memref<2x128xi32, #tpu.memory_space<vmem>> -> memref<1x128xi32, #tpu.memory_space<vmem>>
    %dma_wait3A_119 = tpu.memref_squeeze %dma_wait3A_118 : memref<1x128xi32, #tpu.memory_space<vmem>> -> memref<128xi32, #tpu.memory_space<vmem>>
    %dma_wait3A_120 = arith.constant 0 : i32
    %dma_wait3A_121 = arith.constant 0 : i32
    %dma_wait3A_122 = tpu.memref_slice %arg5[%dma_wait3A_120, %dma_wait3A_121] : memref<25088x64xf32, #tpu.memory_space<vmem_shared>> -> memref<25088x64xf32, #tpu.memory_space<vmem_shared>>
    tpu.wait_indirect_dma semaphore(%arg19 : memref<!tpu.dma_semaphore, #tpu.memory_space<semaphore_mem>>) src(%arg10 : memref<128x64xf32, #tpu.memory_space<vmem>>) dst(%dma_wait3A_122 : memref<25088x64xf32, #tpu.memory_space<vmem_shared>>)
    %dma_wait3A_123 = arith.constant 0 : i32
    %dma_wait3A_124 = arith.constant 0 : i32
    %dma_wait3A_125 = tpu.memref_slice %arg8[%dma_wait3A_123, %dma_wait3A_124] : memref<2x128xi32, #tpu.memory_space<vmem>> -> memref<1x128xi32, #tpu.memory_space<vmem>>
    %dma_wait3A_126 = tpu.memref_squeeze %dma_wait3A_125 : memref<1x128xi32, #tpu.memory_space<vmem>> -> memref<128xi32, #tpu.memory_space<vmem>>
    %dma_wait3A_127 = arith.constant 0 : i32
    %dma_wait3A_128 = arith.constant 0 : i32
    %dma_wait3A_129 = tpu.memref_slice %arg2[%dma_wait3A_127, %dma_wait3A_128] : memref<50176x64xf32, #tpu.memory_space<hbm>> -> memref<50176x64xf32, #tpu.memory_space<hbm>>
    tpu.wait_indirect_dma semaphore(%arg17 : memref<!tpu.dma_semaphore, #tpu.memory_space<semaphore_mem>>) src(%dma_wait3A_129 : memref<50176x64xf32, #tpu.memory_space<hbm>>) dst(%arg11 : memref<128x64xf32, #tpu.memory_space<vmem>>)
    %dma_start3A_130 = arith.constant 1 : i32
    %dma_start3A_131 = arith.constant 0 : i32
    %dma_start3A_132 = tpu.memref_slice %arg8[%dma_start3A_130, %dma_start3A_131] : memref<2x128xi32, #tpu.memory_space<vmem>> -> memref<1x128xi32, #tpu.memory_space<vmem>>
    %dma_start3A_133 = tpu.memref_squeeze %dma_start3A_132 : memref<1x128xi32, #tpu.memory_space<vmem>> -> memref<128xi32, #tpu.memory_space<vmem>>
    %dma_start3A_134 = arith.constant 0 : i32
    %dma_start3A_135 = arith.constant 0 : i32
    %dma_start3A_136 = tpu.memref_slice %arg5[%dma_start3A_134, %dma_start3A_135] : memref<25088x64xf32, #tpu.memory_space<vmem_shared>> -> memref<25088x64xf32, #tpu.memory_space<vmem_shared>>
    tpu.enqueue_indirect_dma source(%arg11 : memref<128x64xf32, #tpu.memory_space<vmem>>) target(%dma_start3A_136 : memref<25088x64xf32, #tpu.memory_space<vmem_shared>>) offsets(%dma_start3A_133 : memref<128xi32, #tpu.memory_space<vmem>>) semaphore(%arg20 : memref<!tpu.dma_semaphore, #tpu.memory_space<semaphore_mem>>) {add = true}
    %dma_wait3A_137 = arith.constant 1 : i32
    %dma_wait3A_138 = arith.constant 0 : i32
    %dma_wait3A_139 = tpu.memref_slice %arg8[%dma_wait3A_137, %dma_wait3A_138] : memref<2x128xi32, #tpu.memory_space<vmem>> -> memref<1x128xi32, #tpu.memory_space<vmem>>
    %dma_wait3A_140 = tpu.memref_squeeze %dma_wait3A_139 : memref<1x128xi32, #tpu.memory_space<vmem>> -> memref<128xi32, #tpu.memory_space<vmem>>
    %dma_wait3A_141 = arith.constant 0 : i32
    %dma_wait3A_142 = arith.constant 0 : i32
    %dma_wait3A_143 = tpu.memref_slice %arg5[%dma_wait3A_141, %dma_wait3A_142] : memref<25088x64xf32, #tpu.memory_space<vmem_shared>> -> memref<25088x64xf32, #tpu.memory_space<vmem_shared>>
    tpu.wait_indirect_dma semaphore(%arg20 : memref<!tpu.dma_semaphore, #tpu.memory_space<semaphore_mem>>) src(%arg11 : memref<128x64xf32, #tpu.memory_space<vmem>>) dst(%dma_wait3A_143 : memref<25088x64xf32, #tpu.memory_space<vmem_shared>>)
    %barrier3A_144 = arith.constant 0 : index
    tpu.barrier barrier_id(%barrier3A_144)
    "tpu.region"() ({
      %run_scoped3A = tpu.sem_alloc : memref<!tpu.dma_semaphore, #tpu.memory_space<semaphore_mem>>
      %dma_start3A_145 = arith.constant 0 : i32
      %dma_start3A_146 = tpu.memref_slice %arg4[%add3A, %dma_start3A_145] : memref<50176x64xf32, #tpu.memory_space<hbm>> -> memref<1568x64xf32, #tpu.memory_space<hbm>>
      %dma_start3A_147 = arith.constant 0 : i32
      %dma_start3A_148 = tpu.memref_slice %arg5[%mul3A_0, %dma_start3A_147] : memref<25088x64xf32, #tpu.memory_space<vmem_shared>> -> memref<1568x64xf32, #tpu.memory_space<vmem_shared>>
      tpu.enqueue_dma source(%dma_start3A_148 : memref<1568x64xf32, #tpu.memory_space<vmem_shared>>) target(%dma_start3A_146 : memref<1568x64xf32, #tpu.memory_space<hbm>>) target_semaphore(%run_scoped3A : memref<!tpu.dma_semaphore, #tpu.memory_space<semaphore_mem>>)
      %dma_wait3A_149 = arith.constant 0 : i32
      %dma_wait3A_150 = tpu.memref_slice %arg4[%add3A, %dma_wait3A_149] : memref<50176x64xf32, #tpu.memory_space<hbm>> -> memref<1568x64xf32, #tpu.memory_space<hbm>>
      %dma_wait3A_151 = arith.constant 0 : i32
      %dma_wait3A_152 = tpu.memref_slice %arg5[%mul3A_0, %dma_wait3A_151] : memref<25088x64xf32, #tpu.memory_space<vmem_shared>> -> memref<1568x64xf32, #tpu.memory_space<vmem_shared>>
      tpu.wait_dma2 semaphore(%run_scoped3A : memref<!tpu.dma_semaphore, #tpu.memory_space<semaphore_mem>>) src(%dma_wait3A_152 : memref<1568x64xf32, #tpu.memory_space<vmem_shared>>) dst(%dma_wait3A_150 : memref<1568x64xf32, #tpu.memory_space<hbm>>)
      tpu.yield
    }) : () -> ()
    return
  }
}

#map = affine_map<(d0, d1) -> (0, 0)>
#map1 = affine_map<(d0, d1) -> (0, 0, 0, 0, 0)>
module attributes {stable_mosaic.version = 14 : i64} {
  func.func @spmm(%arg0: i32, %arg1: i32, %arg2: memref<50176x64xf32, #tpu.memory_space<hbm>>, %arg3: memref<2x16x393x2x128xi32, #tpu.memory_space<hbm>>, %arg4: memref<50176x64xf32, #tpu.memory_space<hbm>>, %arg5: memref<25088x64xf32, #tpu.memory_space<vmem_shared>>, %arg6: memref<2x128xi32, #tpu.memory_space<vmem>>, %arg7: memref<2x128xi32, #tpu.memory_space<vmem>>, %arg8: memref<2x128xi32, #tpu.memory_space<vmem>>, %arg9: memref<128x64xf32, #tpu.memory_space<vmem>>, %arg10: memref<128x64xf32, #tpu.memory_space<vmem>>, %arg11: memref<128x64xf32, #tpu.memory_space<vmem>>, %arg12: memref<!tpu.dma_semaphore, #tpu.memory_space<semaphore_mem>>, %arg13: memref<!tpu.dma_semaphore, #tpu.memory_space<semaphore_mem>>, %arg14: memref<!tpu.dma_semaphore, #tpu.memory_space<semaphore_mem>>, %arg15: memref<!tpu.dma_semaphore, #tpu.memory_space<semaphore_mem>>, %arg16: memref<!tpu.dma_semaphore, #tpu.memory_space<semaphore_mem>>, %arg17: memref<!tpu.dma_semaphore, #tpu.memory_space<semaphore_mem>>, %arg18: memref<!tpu.dma_semaphore, #tpu.memory_space<semaphore_mem>>, %arg19: memref<!tpu.dma_semaphore, #tpu.memory_space<semaphore_mem>>, %arg20: memref<!tpu.dma_semaphore, #tpu.memory_space<semaphore_mem>>) attributes {dimension_semantics = [#tpu.dimension_semantics<core_parallel>, #tpu.dimension_semantics<subcore_parallel>], iteration_bounds = array<i64: 2, 16>, scalar_prefetch = 0 : i64, scratch_operands = 16 : i64, tpu.core_type = #tpu.core_type<sc_vector_subcore>, window_params = [{transform_indices = #map}, {transform_indices = #map1}, {transform_indices = #map}]} {
    %mul3A = arith.constant 1568 : i32
    %mul3A_0 = arith.muli %arg1, %mul3A : i32
    %mul3A_1 = arith.constant 25088 : i32
    %mul3A_2 = arith.muli %arg0, %mul3A_1 : i32
    %add3A = arith.addi %mul3A_2, %mul3A_0 : i32
    %dma_start3A = arith.constant 0 : i32
    %dma_start3A_3 = arith.constant 0 : i32
    %dma_start3A_4 = arith.constant 0 : i32
    %dma_start3A_5 = tpu.memref_slice %arg3[%arg0, %arg1, %dma_start3A, %dma_start3A_3, %dma_start3A_4] : memref<2x16x393x2x128xi32, #tpu.memory_space<hbm>> -> memref<1x1x1x2x128xi32, #tpu.memory_space<hbm>>
    %dma_start3A_6 = tpu.memref_squeeze %dma_start3A_5 : memref<1x1x1x2x128xi32, #tpu.memory_space<hbm>> -> memref<2x128xi32, #tpu.memory_space<hbm>>
    %dma_start3A_7 = arith.constant 0 : i32
    %dma_start3A_8 = arith.constant 0 : i32
    %dma_start3A_9 = tpu.memref_slice %arg3[%arg0, %arg1, %dma_start3A, %dma_start3A_7, %dma_start3A_8] : memref<2x16x393x2x128xi32, #tpu.memory_space<hbm>> -> memref<1x1x1x2x128xi32, #tpu.memory_space<hbm>>
    %dma_start3A_10 = tpu.memref_squeeze %dma_start3A_9 : memref<1x1x1x2x128xi32, #tpu.memory_space<hbm>> -> memref<2x128xi32, #tpu.memory_space<hbm>>
    tpu.enqueue_dma source(%dma_start3A_10 : memref<2x128xi32, #tpu.memory_space<hbm>>) target(%arg6 : memref<2x128xi32, #tpu.memory_space<vmem>>) target_semaphore(%arg12 : memref<!tpu.dma_semaphore, #tpu.memory_space<semaphore_mem>>)
    %dma_start3A_11 = arith.constant 1 : i32
    %dma_start3A_12 = arith.constant 0 : i32
    %dma_start3A_13 = arith.constant 0 : i32
    %dma_start3A_14 = tpu.memref_slice %arg3[%arg0, %arg1, %dma_start3A_11, %dma_start3A_12, %dma_start3A_13] : memref<2x16x393x2x128xi32, #tpu.memory_space<hbm>> -> memref<1x1x1x2x128xi32, #tpu.memory_space<hbm>>
    %dma_start3A_15 = tpu.memref_squeeze %dma_start3A_14 : memref<1x1x1x2x128xi32, #tpu.memory_space<hbm>> -> memref<2x128xi32, #tpu.memory_space<hbm>>
    %dma_start3A_16 = arith.constant 0 : i32
    %dma_start3A_17 = arith.constant 0 : i32
    %dma_start3A_18 = tpu.memref_slice %arg3[%arg0, %arg1, %dma_start3A_11, %dma_start3A_16, %dma_start3A_17] : memref<2x16x393x2x128xi32, #tpu.memory_space<hbm>> -> memref<1x1x1x2x128xi32, #tpu.memory_space<hbm>>
    %dma_start3A_19 = tpu.memref_squeeze %dma_start3A_18 : memref<1x1x1x2x128xi32, #tpu.memory_space<hbm>> -> memref<2x128xi32, #tpu.memory_space<hbm>>
    tpu.enqueue_dma source(%dma_start3A_19 : memref<2x128xi32, #tpu.memory_space<hbm>>) target(%arg7 : memref<2x128xi32, #tpu.memory_space<vmem>>) target_semaphore(%arg13 : memref<!tpu.dma_semaphore, #tpu.memory_space<semaphore_mem>>)
    "tpu.region"() ({
      %run_scoped3A = tpu.sem_alloc : memref<!tpu.dma_semaphore, #tpu.memory_space<semaphore_mem>>
      %dma_start3A_145 = arith.constant 0 : i32
      %dma_start3A_146 = tpu.memref_slice %arg5[%mul3A_0, %dma_start3A_145] : memref<25088x64xf32, #tpu.memory_space<vmem_shared>> -> memref<1568x64xf32, #tpu.memory_space<vmem_shared>>
      %dma_start3A_147 = arith.constant 0 : i32
      %dma_start3A_148 = tpu.memref_slice %arg2[%add3A, %dma_start3A_147] : memref<50176x64xf32, #tpu.memory_space<hbm>> -> memref<1568x64xf32, #tpu.memory_space<hbm>>
      tpu.enqueue_dma source(%dma_start3A_148 : memref<1568x64xf32, #tpu.memory_space<hbm>>) target(%dma_start3A_146 : memref<1568x64xf32, #tpu.memory_space<vmem_shared>>) target_semaphore(%run_scoped3A : memref<!tpu.dma_semaphore, #tpu.memory_space<semaphore_mem>>)
      %dma_wait3A_149 = arith.constant 0 : i32
      %dma_wait3A_150 = tpu.memref_slice %arg5[%mul3A_0, %dma_wait3A_149] : memref<25088x64xf32, #tpu.memory_space<vmem_shared>> -> memref<1568x64xf32, #tpu.memory_space<vmem_shared>>
      %dma_wait3A_151 = arith.constant 0 : i32
      %dma_wait3A_152 = tpu.memref_slice %arg2[%add3A, %dma_wait3A_151] : memref<50176x64xf32, #tpu.memory_space<hbm>> -> memref<1568x64xf32, #tpu.memory_space<hbm>>
      tpu.wait_dma2 semaphore(%run_scoped3A : memref<!tpu.dma_semaphore, #tpu.memory_space<semaphore_mem>>) src(%dma_wait3A_152 : memref<1568x64xf32, #tpu.memory_space<hbm>>) dst(%dma_wait3A_150 : memref<1568x64xf32, #tpu.memory_space<vmem_shared>>)
      tpu.yield
    }) : () -> ()
    %barrier3A = arith.constant 0 : index
    tpu.barrier barrier_id(%barrier3A)
    %dma_wait3A = arith.constant 0 : i32
    %dma_wait3A_20 = arith.constant 0 : i32
    %dma_wait3A_21 = arith.constant 0 : i32
    %dma_wait3A_22 = tpu.memref_slice %arg3[%arg0, %arg1, %dma_wait3A, %dma_wait3A_20, %dma_wait3A_21] : memref<2x16x393x2x128xi32, #tpu.memory_space<hbm>> -> memref<1x1x1x2x128xi32, #tpu.memory_space<hbm>>
    %dma_wait3A_23 = tpu.memref_squeeze %dma_wait3A_22 : memref<1x1x1x2x128xi32, #tpu.memory_space<hbm>> -> memref<2x128xi32, #tpu.memory_space<hbm>>
    %dma_wait3A_24 = arith.constant 0 : i32
    %dma_wait3A_25 = arith.constant 0 : i32
    %dma_wait3A_26 = tpu.memref_slice %arg3[%arg0, %arg1, %dma_wait3A, %dma_wait3A_24, %dma_wait3A_25] : memref<2x16x393x2x128xi32, #tpu.memory_space<hbm>> -> memref<1x1x1x2x128xi32, #tpu.memory_space<hbm>>
    %dma_wait3A_27 = tpu.memref_squeeze %dma_wait3A_26 : memref<1x1x1x2x128xi32, #tpu.memory_space<hbm>> -> memref<2x128xi32, #tpu.memory_space<hbm>>
    tpu.wait_dma2 semaphore(%arg12 : memref<!tpu.dma_semaphore, #tpu.memory_space<semaphore_mem>>) src(%dma_wait3A_27 : memref<2x128xi32, #tpu.memory_space<hbm>>) dst(%arg6 : memref<2x128xi32, #tpu.memory_space<vmem>>)
    %dma_start3A_28 = arith.constant 0 : i32
    %dma_start3A_29 = arith.constant 0 : i32
    %dma_start3A_30 = tpu.memref_slice %arg6[%dma_start3A_28, %dma_start3A_29] : memref<2x128xi32, #tpu.memory_space<vmem>> -> memref<1x128xi32, #tpu.memory_space<vmem>>
    %dma_start3A_31 = tpu.memref_squeeze %dma_start3A_30 : memref<1x128xi32, #tpu.memory_space<vmem>> -> memref<128xi32, #tpu.memory_space<vmem>>
    %dma_start3A_32 = arith.constant 0 : i32
    %dma_start3A_33 = arith.constant 0 : i32
    %dma_start3A_34 = tpu.memref_slice %arg2[%dma_start3A_32, %dma_start3A_33] : memref<50176x64xf32, #tpu.memory_space<hbm>> -> memref<50176x64xf32, #tpu.memory_space<hbm>>
    tpu.enqueue_indirect_dma source(%dma_start3A_34 : memref<50176x64xf32, #tpu.memory_space<hbm>>) target(%arg9 : memref<128x64xf32, #tpu.memory_space<vmem>>) offsets(%dma_start3A_31 : memref<128xi32, #tpu.memory_space<vmem>>) semaphore(%arg15 : memref<!tpu.dma_semaphore, #tpu.memory_space<semaphore_mem>>)
    %dma_wait3A_35 = arith.constant 1 : i32
    %dma_wait3A_36 = arith.constant 0 : i32
    %dma_wait3A_37 = arith.constant 0 : i32
    %dma_wait3A_38 = tpu.memref_slice %arg3[%arg0, %arg1, %dma_wait3A_35, %dma_wait3A_36, %dma_wait3A_37] : memref<2x16x393x2x128xi32, #tpu.memory_space<hbm>> -> memref<1x1x1x2x128xi32, #tpu.memory_space<hbm>>
    %dma_wait3A_39 = tpu.memref_squeeze %dma_wait3A_38 : memref<1x1x1x2x128xi32, #tpu.memory_space<hbm>> -> memref<2x128xi32, #tpu.memory_space<hbm>>
    %dma_wait3A_40 = arith.constant 0 : i32
    %dma_wait3A_41 = arith.constant 0 : i32
    %dma_wait3A_42 = tpu.memref_slice %arg3[%arg0, %arg1, %dma_wait3A_35, %dma_wait3A_40, %dma_wait3A_41] : memref<2x16x393x2x128xi32, #tpu.memory_space<hbm>> -> memref<1x1x1x2x128xi32, #tpu.memory_space<hbm>>
    %dma_wait3A_43 = tpu.memref_squeeze %dma_wait3A_42 : memref<1x1x1x2x128xi32, #tpu.memory_space<hbm>> -> memref<2x128xi32, #tpu.memory_space<hbm>>
    tpu.wait_dma2 semaphore(%arg13 : memref<!tpu.dma_semaphore, #tpu.memory_space<semaphore_mem>>) src(%dma_wait3A_43 : memref<2x128xi32, #tpu.memory_space<hbm>>) dst(%arg7 : memref<2x128xi32, #tpu.memory_space<vmem>>)
    %dma_start3A_44 = arith.constant 0 : i32
    %dma_start3A_45 = arith.constant 0 : i32
    %dma_start3A_46 = tpu.memref_slice %arg7[%dma_start3A_44, %dma_start3A_45] : memref<2x128xi32, #tpu.memory_space<vmem>> -> memref<1x128xi32, #tpu.memory_space<vmem>>
    %dma_start3A_47 = tpu.memref_squeeze %dma_start3A_46 : memref<1x128xi32, #tpu.memory_space<vmem>> -> memref<128xi32, #tpu.memory_space<vmem>>
    %dma_start3A_48 = arith.constant 0 : i32
    %dma_start3A_49 = arith.constant 0 : i32
    %dma_start3A_50 = tpu.memref_slice %arg2[%dma_start3A_48, %dma_start3A_49] : memref<50176x64xf32, #tpu.memory_space<hbm>> -> memref<50176x64xf32, #tpu.memory_space<hbm>>
    tpu.enqueue_indirect_dma source(%dma_start3A_50 : memref<50176x64xf32, #tpu.memory_space<hbm>>) target(%arg10 : memref<128x64xf32, #tpu.memory_space<vmem>>) offsets(%dma_start3A_47 : memref<128xi32, #tpu.memory_space<vmem>>) semaphore(%arg16 : memref<!tpu.dma_semaphore, #tpu.memory_space<semaphore_mem>>)
    %dma_start3A_51 = arith.constant 2 : i32
    %dma_start3A_52 = arith.constant 0 : i32
    %dma_start3A_53 = arith.constant 0 : i32
    %dma_start3A_54 = tpu.memref_slice %arg3[%arg0, %arg1, %dma_start3A_51, %dma_start3A_52, %dma_start3A_53] : memref<2x16x393x2x128xi32, #tpu.memory_space<hbm>> -> memref<1x1x1x2x128xi32, #tpu.memory_space<hbm>>
    %dma_start3A_55 = tpu.memref_squeeze %dma_start3A_54 : memref<1x1x1x2x128xi32, #tpu.memory_space<hbm>> -> memref<2x128xi32, #tpu.memory_space<hbm>>
    %dma_start3A_56 = arith.constant 0 : i32
    %dma_start3A_57 = arith.constant 0 : i32
    %dma_start3A_58 = tpu.memref_slice %arg3[%arg0, %arg1, %dma_start3A_51, %dma_start3A_56, %dma_start3A_57] : memref<2x16x393x2x128xi32, #tpu.memory_space<hbm>> -> memref<1x1x1x2x128xi32, #tpu.memory_space<hbm>>
    %dma_start3A_59 = tpu.memref_squeeze %dma_start3A_58 : memref<1x1x1x2x128xi32, #tpu.memory_space<hbm>> -> memref<2x128xi32, #tpu.memory_space<hbm>>
    tpu.enqueue_dma source(%dma_start3A_59 : memref<2x128xi32, #tpu.memory_space<hbm>>) target(%arg8 : memref<2x128xi32, #tpu.memory_space<vmem>>) target_semaphore(%arg14 : memref<!tpu.dma_semaphore, #tpu.memory_space<semaphore_mem>>)
    %dma_wait3A_60 = arith.constant 0 : i32
    %dma_wait3A_61 = arith.constant 0 : i32
    %dma_wait3A_62 = tpu.memref_slice %arg6[%dma_wait3A_60, %dma_wait3A_61] : memref<2x128xi32, #tpu.memory_space<vmem>> -> memref<1x128xi32, #tpu.memory_space<vmem>>
    %dma_wait3A_63 = tpu.memref_squeeze %dma_wait3A_62 : memref<1x128xi32, #tpu.memory_space<vmem>> -> memref<128xi32, #tpu.memory_space<vmem>>
    %dma_wait3A_64 = arith.constant 0 : i32
    %dma_wait3A_65 = arith.constant 0 : i32
    %dma_wait3A_66 = tpu.memref_slice %arg2[%dma_wait3A_64, %dma_wait3A_65] : memref<50176x64xf32, #tpu.memory_space<hbm>> -> memref<50176x64xf32, #tpu.memory_space<hbm>>
    tpu.wait_indirect_dma semaphore(%arg15 : memref<!tpu.dma_semaphore, #tpu.memory_space<semaphore_mem>>) src(%dma_wait3A_66 : memref<50176x64xf32, #tpu.memory_space<hbm>>) dst(%arg9 : memref<128x64xf32, #tpu.memory_space<vmem>>)
    %dma_start3A_67 = arith.constant 1 : i32
    %dma_start3A_68 = arith.constant 0 : i32
    %dma_start3A_69 = tpu.memref_slice %arg6[%dma_start3A_67, %dma_start3A_68] : memref<2x128xi32, #tpu.memory_space<vmem>> -> memref<1x128xi32, #tpu.memory_space<vmem>>
    %dma_start3A_70 = tpu.memref_squeeze %dma_start3A_69 : memref<1x128xi32, #tpu.memory_space<vmem>> -> memref<128xi32, #tpu.memory_space<vmem>>
    %dma_start3A_71 = arith.constant 0 : i32
    %dma_start3A_72 = arith.constant 0 : i32
    %dma_start3A_73 = tpu.memref_slice %arg5[%dma_start3A_71, %dma_start3A_72] : memref<25088x64xf32, #tpu.memory_space<vmem_shared>> -> memref<25088x64xf32, #tpu.memory_space<vmem_shared>>
    tpu.enqueue_indirect_dma source(%arg9 : memref<128x64xf32, #tpu.memory_space<vmem>>) target(%dma_start3A_73 : memref<25088x64xf32, #tpu.memory_space<vmem_shared>>) offsets(%dma_start3A_70 : memref<128xi32, #tpu.memory_space<vmem>>) semaphore(%arg18 : memref<!tpu.dma_semaphore, #tpu.memory_space<semaphore_mem>>) {add = true}
    %scan3A = arith.constant 0 : i32
    %scan3A_74 = arith.constant 0 : i32
    %scan3A_75 = arith.constant 130 : i32
    %scan3A_76 = arith.addi %scan3A_74, %scan3A_75 : i32
    %scan3A_77 = arith.constant 1 : i32
    scf.for %scan3A_145 = %scan3A_74 to %scan3A_76 step %scan3A_77  : i32 {
      %mul3A_146 = arith.constant 3 : i32
      %mul3A_147 = arith.muli %scan3A_145, %mul3A_146 : i32
      %add3A_148 = arith.constant 1 : i32
      %add3A_149 = arith.addi %add3A_148, %mul3A_147 : i32
      %add3A_150 = arith.constant 0 : i32
      %add3A_151 = arith.addi %add3A_149, %add3A_150 : i32
      %add3A_152 = arith.constant 1 : i32
      %add3A_153 = arith.addi %add3A_151, %add3A_152 : i32
      %dma_wait3A_154 = arith.constant 0 : i32
      %dma_wait3A_155 = arith.constant 0 : i32
      %dma_wait3A_156 = tpu.memref_slice %arg3[%arg0, %arg1, %add3A_153, %dma_wait3A_154, %dma_wait3A_155] : memref<2x16x393x2x128xi32, #tpu.memory_space<hbm>> -> memref<1x1x1x2x128xi32, #tpu.memory_space<hbm>>
      %dma_wait3A_157 = tpu.memref_squeeze %dma_wait3A_156 : memref<1x1x1x2x128xi32, #tpu.memory_space<hbm>> -> memref<2x128xi32, #tpu.memory_space<hbm>>
      %dma_wait3A_158 = arith.constant 0 : i32
      %dma_wait3A_159 = arith.constant 0 : i32
      %dma_wait3A_160 = tpu.memref_slice %arg3[%arg0, %arg1, %add3A_153, %dma_wait3A_158, %dma_wait3A_159] : memref<2x16x393x2x128xi32, #tpu.memory_space<hbm>> -> memref<1x1x1x2x128xi32, #tpu.memory_space<hbm>>
      %dma_wait3A_161 = tpu.memref_squeeze %dma_wait3A_160 : memref<1x1x1x2x128xi32, #tpu.memory_space<hbm>> -> memref<2x128xi32, #tpu.memory_space<hbm>>
      tpu.wait_dma2 semaphore(%arg14 : memref<!tpu.dma_semaphore, #tpu.memory_space<semaphore_mem>>) src(%dma_wait3A_161 : memref<2x128xi32, #tpu.memory_space<hbm>>) dst(%arg8 : memref<2x128xi32, #tpu.memory_space<vmem>>)
      %dma_start3A_162 = arith.constant 0 : i32
      %dma_start3A_163 = arith.constant 0 : i32
      %dma_start3A_164 = tpu.memref_slice %arg8[%dma_start3A_162, %dma_start3A_163] : memref<2x128xi32, #tpu.memory_space<vmem>> -> memref<1x128xi32, #tpu.memory_space<vmem>>
      %dma_start3A_165 = tpu.memref_squeeze %dma_start3A_164 : memref<1x128xi32, #tpu.memory_space<vmem>> -> memref<128xi32, #tpu.memory_space<vmem>>
      %dma_start3A_166 = arith.constant 0 : i32
      %dma_start3A_167 = arith.constant 0 : i32
      %dma_start3A_168 = tpu.memref_slice %arg2[%dma_start3A_166, %dma_start3A_167] : memref<50176x64xf32, #tpu.memory_space<hbm>> -> memref<50176x64xf32, #tpu.memory_space<hbm>>
      tpu.enqueue_indirect_dma source(%dma_start3A_168 : memref<50176x64xf32, #tpu.memory_space<hbm>>) target(%arg11 : memref<128x64xf32, #tpu.memory_space<vmem>>) offsets(%dma_start3A_165 : memref<128xi32, #tpu.memory_space<vmem>>) semaphore(%arg17 : memref<!tpu.dma_semaphore, #tpu.memory_space<semaphore_mem>>)
      %dma_wait3A_169 = arith.constant 1 : i32
      %dma_wait3A_170 = arith.constant 0 : i32
      %dma_wait3A_171 = tpu.memref_slice %arg6[%dma_wait3A_169, %dma_wait3A_170] : memref<2x128xi32, #tpu.memory_space<vmem>> -> memref<1x128xi32, #tpu.memory_space<vmem>>
      %dma_wait3A_172 = tpu.memref_squeeze %dma_wait3A_171 : memref<1x128xi32, #tpu.memory_space<vmem>> -> memref<128xi32, #tpu.memory_space<vmem>>
      %dma_wait3A_173 = arith.constant 0 : i32
      %dma_wait3A_174 = arith.constant 0 : i32
      %dma_wait3A_175 = tpu.memref_slice %arg5[%dma_wait3A_173, %dma_wait3A_174] : memref<25088x64xf32, #tpu.memory_space<vmem_shared>> -> memref<25088x64xf32, #tpu.memory_space<vmem_shared>>
      tpu.wait_indirect_dma semaphore(%arg18 : memref<!tpu.dma_semaphore, #tpu.memory_space<semaphore_mem>>) src(%arg9 : memref<128x64xf32, #tpu.memory_space<vmem>>) dst(%dma_wait3A_175 : memref<25088x64xf32, #tpu.memory_space<vmem_shared>>)
      %add3A_176 = arith.constant 2 : i32
      %add3A_177 = arith.addi %add3A_151, %add3A_176 : i32
      %dma_start3A_178 = arith.constant 0 : i32
      %dma_start3A_179 = arith.constant 0 : i32
      %dma_start3A_180 = tpu.memref_slice %arg3[%arg0, %arg1, %add3A_177, %dma_start3A_178, %dma_start3A_179] : memref<2x16x393x2x128xi32, #tpu.memory_space<hbm>> -> memref<1x1x1x2x128xi32, #tpu.memory_space<hbm>>
      %dma_start3A_181 = tpu.memref_squeeze %dma_start3A_180 : memref<1x1x1x2x128xi32, #tpu.memory_space<hbm>> -> memref<2x128xi32, #tpu.memory_space<hbm>>
      %dma_start3A_182 = arith.constant 0 : i32
      %dma_start3A_183 = arith.constant 0 : i32
      %dma_start3A_184 = tpu.memref_slice %arg3[%arg0, %arg1, %add3A_177, %dma_start3A_182, %dma_start3A_183] : memref<2x16x393x2x128xi32, #tpu.memory_space<hbm>> -> memref<1x1x1x2x128xi32, #tpu.memory_space<hbm>>
      %dma_start3A_185 = tpu.memref_squeeze %dma_start3A_184 : memref<1x1x1x2x128xi32, #tpu.memory_space<hbm>> -> memref<2x128xi32, #tpu.memory_space<hbm>>
      tpu.enqueue_dma source(%dma_start3A_185 : memref<2x128xi32, #tpu.memory_space<hbm>>) target(%arg6 : memref<2x128xi32, #tpu.memory_space<vmem>>) target_semaphore(%arg12 : memref<!tpu.dma_semaphore, #tpu.memory_space<semaphore_mem>>)
      %dma_wait3A_186 = arith.constant 0 : i32
      %dma_wait3A_187 = arith.constant 0 : i32
      %dma_wait3A_188 = tpu.memref_slice %arg7[%dma_wait3A_186, %dma_wait3A_187] : memref<2x128xi32, #tpu.memory_space<vmem>> -> memref<1x128xi32, #tpu.memory_space<vmem>>
      %dma_wait3A_189 = tpu.memref_squeeze %dma_wait3A_188 : memref<1x128xi32, #tpu.memory_space<vmem>> -> memref<128xi32, #tpu.memory_space<vmem>>
      %dma_wait3A_190 = arith.constant 0 : i32
      %dma_wait3A_191 = arith.constant 0 : i32
      %dma_wait3A_192 = tpu.memref_slice %arg2[%dma_wait3A_190, %dma_wait3A_191] : memref<50176x64xf32, #tpu.memory_space<hbm>> -> memref<50176x64xf32, #tpu.memory_space<hbm>>
      tpu.wait_indirect_dma semaphore(%arg16 : memref<!tpu.dma_semaphore, #tpu.memory_space<semaphore_mem>>) src(%dma_wait3A_192 : memref<50176x64xf32, #tpu.memory_space<hbm>>) dst(%arg10 : memref<128x64xf32, #tpu.memory_space<vmem>>)
      %dma_start3A_193 = arith.constant 1 : i32
      %dma_start3A_194 = arith.constant 0 : i32
      %dma_start3A_195 = tpu.memref_slice %arg7[%dma_start3A_193, %dma_start3A_194] : memref<2x128xi32, #tpu.memory_space<vmem>> -> memref<1x128xi32, #tpu.memory_space<vmem>>
      %dma_start3A_196 = tpu.memref_squeeze %dma_start3A_195 : memref<1x128xi32, #tpu.memory_space<vmem>> -> memref<128xi32, #tpu.memory_space<vmem>>
      %dma_start3A_197 = arith.constant 0 : i32
      %dma_start3A_198 = arith.constant 0 : i32
      %dma_start3A_199 = tpu.memref_slice %arg5[%dma_start3A_197, %dma_start3A_198] : memref<25088x64xf32, #tpu.memory_space<vmem_shared>> -> memref<25088x64xf32, #tpu.memory_space<vmem_shared>>
      tpu.enqueue_indirect_dma source(%arg10 : memref<128x64xf32, #tpu.memory_space<vmem>>) target(%dma_start3A_199 : memref<25088x64xf32, #tpu.memory_space<vmem_shared>>) offsets(%dma_start3A_196 : memref<128xi32, #tpu.memory_space<vmem>>) semaphore(%arg19 : memref<!tpu.dma_semaphore, #tpu.memory_space<semaphore_mem>>) {add = true}
      %mul3A_200 = arith.constant 3 : i32
      %mul3A_201 = arith.muli %scan3A_145, %mul3A_200 : i32
      %add3A_202 = arith.constant 1 : i32
      %add3A_203 = arith.addi %add3A_202, %mul3A_201 : i32
      %add3A_204 = arith.constant 1 : i32
      %add3A_205 = arith.addi %add3A_203, %add3A_204 : i32
      %add3A_206 = arith.constant 1 : i32
      %add3A_207 = arith.addi %add3A_205, %add3A_206 : i32
      %dma_wait3A_208 = arith.constant 0 : i32
      %dma_wait3A_209 = arith.constant 0 : i32
      %dma_wait3A_210 = tpu.memref_slice %arg3[%arg0, %arg1, %add3A_207, %dma_wait3A_208, %dma_wait3A_209] : memref<2x16x393x2x128xi32, #tpu.memory_space<hbm>> -> memref<1x1x1x2x128xi32, #tpu.memory_space<hbm>>
      %dma_wait3A_211 = tpu.memref_squeeze %dma_wait3A_210 : memref<1x1x1x2x128xi32, #tpu.memory_space<hbm>> -> memref<2x128xi32, #tpu.memory_space<hbm>>
      %dma_wait3A_212 = arith.constant 0 : i32
      %dma_wait3A_213 = arith.constant 0 : i32
      %dma_wait3A_214 = tpu.memref_slice %arg3[%arg0, %arg1, %add3A_207, %dma_wait3A_212, %dma_wait3A_213] : memref<2x16x393x2x128xi32, #tpu.memory_space<hbm>> -> memref<1x1x1x2x128xi32, #tpu.memory_space<hbm>>
      %dma_wait3A_215 = tpu.memref_squeeze %dma_wait3A_214 : memref<1x1x1x2x128xi32, #tpu.memory_space<hbm>> -> memref<2x128xi32, #tpu.memory_space<hbm>>
      tpu.wait_dma2 semaphore(%arg12 : memref<!tpu.dma_semaphore, #tpu.memory_space<semaphore_mem>>) src(%dma_wait3A_215 : memref<2x128xi32, #tpu.memory_space<hbm>>) dst(%arg6 : memref<2x128xi32, #tpu.memory_space<vmem>>)
      %dma_start3A_216 = arith.constant 0 : i32
      %dma_start3A_217 = arith.constant 0 : i32
      %dma_start3A_218 = tpu.memref_slice %arg6[%dma_start3A_216, %dma_start3A_217] : memref<2x128xi32, #tpu.memory_space<vmem>> -> memref<1x128xi32, #tpu.memory_space<vmem>>
      %dma_start3A_219 = tpu.memref_squeeze %dma_start3A_218 : memref<1x128xi32, #tpu.memory_space<vmem>> -> memref<128xi32, #tpu.memory_space<vmem>>
      %dma_start3A_220 = arith.constant 0 : i32
      %dma_start3A_221 = arith.constant 0 : i32
      %dma_start3A_222 = tpu.memref_slice %arg2[%dma_start3A_220, %dma_start3A_221] : memref<50176x64xf32, #tpu.memory_space<hbm>> -> memref<50176x64xf32, #tpu.memory_space<hbm>>
      tpu.enqueue_indirect_dma source(%dma_start3A_222 : memref<50176x64xf32, #tpu.memory_space<hbm>>) target(%arg9 : memref<128x64xf32, #tpu.memory_space<vmem>>) offsets(%dma_start3A_219 : memref<128xi32, #tpu.memory_space<vmem>>) semaphore(%arg15 : memref<!tpu.dma_semaphore, #tpu.memory_space<semaphore_mem>>)
      %dma_wait3A_223 = arith.constant 1 : i32
      %dma_wait3A_224 = arith.constant 0 : i32
      %dma_wait3A_225 = tpu.memref_slice %arg7[%dma_wait3A_223, %dma_wait3A_224] : memref<2x128xi32, #tpu.memory_space<vmem>> -> memref<1x128xi32, #tpu.memory_space<vmem>>
      %dma_wait3A_226 = tpu.memref_squeeze %dma_wait3A_225 : memref<1x128xi32, #tpu.memory_space<vmem>> -> memref<128xi32, #tpu.memory_space<vmem>>
      %dma_wait3A_227 = arith.constant 0 : i32
      %dma_wait3A_228 = arith.constant 0 : i32
      %dma_wait3A_229 = tpu.memref_slice %arg5[%dma_wait3A_227, %dma_wait3A_228] : memref<25088x64xf32, #tpu.memory_space<vmem_shared>> -> memref<25088x64xf32, #tpu.memory_space<vmem_shared>>
      tpu.wait_indirect_dma semaphore(%arg19 : memref<!tpu.dma_semaphore, #tpu.memory_space<semaphore_mem>>) src(%arg10 : memref<128x64xf32, #tpu.memory_space<vmem>>) dst(%dma_wait3A_229 : memref<25088x64xf32, #tpu.memory_space<vmem_shared>>)
      %add3A_230 = arith.constant 2 : i32
      %add3A_231 = arith.addi %add3A_205, %add3A_230 : i32
      %dma_start3A_232 = arith.constant 0 : i32
      %dma_start3A_233 = arith.constant 0 : i32
      %dma_start3A_234 = tpu.memref_slice %arg3[%arg0, %arg1, %add3A_231, %dma_start3A_232, %dma_start3A_233] : memref<2x16x393x2x128xi32, #tpu.memory_space<hbm>> -> memref<1x1x1x2x128xi32, #tpu.memory_space<hbm>>
      %dma_start3A_235 = tpu.memref_squeeze %dma_start3A_234 : memref<1x1x1x2x128xi32, #tpu.memory_space<hbm>> -> memref<2x128xi32, #tpu.memory_space<hbm>>
      %dma_start3A_236 = arith.constant 0 : i32
      %dma_start3A_237 = arith.constant 0 : i32
      %dma_start3A_238 = tpu.memref_slice %arg3[%arg0, %arg1, %add3A_231, %dma_start3A_236, %dma_start3A_237] : memref<2x16x393x2x128xi32, #tpu.memory_space<hbm>> -> memref<1x1x1x2x128xi32, #tpu.memory_space<hbm>>
      %dma_start3A_239 = tpu.memref_squeeze %dma_start3A_238 : memref<1x1x1x2x128xi32, #tpu.memory_space<hbm>> -> memref<2x128xi32, #tpu.memory_space<hbm>>
      tpu.enqueue_dma source(%dma_start3A_239 : memref<2x128xi32, #tpu.memory_space<hbm>>) target(%arg7 : memref<2x128xi32, #tpu.memory_space<vmem>>) target_semaphore(%arg13 : memref<!tpu.dma_semaphore, #tpu.memory_space<semaphore_mem>>)
      %dma_wait3A_240 = arith.constant 0 : i32
      %dma_wait3A_241 = arith.constant 0 : i32
      %dma_wait3A_242 = tpu.memref_slice %arg8[%dma_wait3A_240, %dma_wait3A_241] : memref<2x128xi32, #tpu.memory_space<vmem>> -> memref<1x128xi32, #tpu.memory_space<vmem>>
      %dma_wait3A_243 = tpu.memref_squeeze %dma_wait3A_242 : memref<1x128xi32, #tpu.memory_space<vmem>> -> memref<128xi32, #tpu.memory_space<vmem>>
      %dma_wait3A_244 = arith.constant 0 : i32
      %dma_wait3A_245 = arith.constant 0 : i32
      %dma_wait3A_246 = tpu.memref_slice %arg2[%dma_wait3A_244, %dma_wait3A_245] : memref<50176x64xf32, #tpu.memory_space<hbm>> -> memref<50176x64xf32, #tpu.memory_space<hbm>>
      tpu.wait_indirect_dma semaphore(%arg17 : memref<!tpu.dma_semaphore, #tpu.memory_space<semaphore_mem>>) src(%dma_wait3A_246 : memref<50176x64xf32, #tpu.memory_space<hbm>>) dst(%arg11 : memref<128x64xf32, #tpu.memory_space<vmem>>)
      %dma_start3A_247 = arith.constant 1 : i32
      %dma_start3A_248 = arith.constant 0 : i32
      %dma_start3A_249 = tpu.memref_slice %arg8[%dma_start3A_247, %dma_start3A_248] : memref<2x128xi32, #tpu.memory_space<vmem>> -> memref<1x128xi32, #tpu.memory_space<vmem>>
      %dma_start3A_250 = tpu.memref_squeeze %dma_start3A_249 : memref<1x128xi32, #tpu.memory_space<vmem>> -> memref<128xi32, #tpu.memory_space<vmem>>
      %dma_start3A_251 = arith.constant 0 : i32
      %dma_start3A_252 = arith.constant 0 : i32
      %dma_start3A_253 = tpu.memref_slice %arg5[%dma_start3A_251, %dma_start3A_252] : memref<25088x64xf32, #tpu.memory_space<vmem_shared>> -> memref<25088x64xf32, #tpu.memory_space<vmem_shared>>
      tpu.enqueue_indirect_dma source(%arg11 : memref<128x64xf32, #tpu.memory_space<vmem>>) target(%dma_start3A_253 : memref<25088x64xf32, #tpu.memory_space<vmem_shared>>) offsets(%dma_start3A_250 : memref<128xi32, #tpu.memory_space<vmem>>) semaphore(%arg20 : memref<!tpu.dma_semaphore, #tpu.memory_space<semaphore_mem>>) {add = true}
      %mul3A_254 = arith.constant 3 : i32
      %mul3A_255 = arith.muli %scan3A_145, %mul3A_254 : i32
      %add3A_256 = arith.constant 1 : i32
      %add3A_257 = arith.addi %add3A_256, %mul3A_255 : i32
      %add3A_258 = arith.constant 2 : i32
      %add3A_259 = arith.addi %add3A_257, %add3A_258 : i32
      %add3A_260 = arith.constant 1 : i32
      %add3A_261 = arith.addi %add3A_259, %add3A_260 : i32
      %dma_wait3A_262 = arith.constant 0 : i32
      %dma_wait3A_263 = arith.constant 0 : i32
      %dma_wait3A_264 = tpu.memref_slice %arg3[%arg0, %arg1, %add3A_261, %dma_wait3A_262, %dma_wait3A_263] : memref<2x16x393x2x128xi32, #tpu.memory_space<hbm>> -> memref<1x1x1x2x128xi32, #tpu.memory_space<hbm>>
      %dma_wait3A_265 = tpu.memref_squeeze %dma_wait3A_264 : memref<1x1x1x2x128xi32, #tpu.memory_space<hbm>> -> memref<2x128xi32, #tpu.memory_space<hbm>>
      %dma_wait3A_266 = arith.constant 0 : i32
      %dma_wait3A_267 = arith.constant 0 : i32
      %dma_wait3A_268 = tpu.memref_slice %arg3[%arg0, %arg1, %add3A_261, %dma_wait3A_266, %dma_wait3A_267] : memref<2x16x393x2x128xi32, #tpu.memory_space<hbm>> -> memref<1x1x1x2x128xi32, #tpu.memory_space<hbm>>
      %dma_wait3A_269 = tpu.memref_squeeze %dma_wait3A_268 : memref<1x1x1x2x128xi32, #tpu.memory_space<hbm>> -> memref<2x128xi32, #tpu.memory_space<hbm>>
      tpu.wait_dma2 semaphore(%arg13 : memref<!tpu.dma_semaphore, #tpu.memory_space<semaphore_mem>>) src(%dma_wait3A_269 : memref<2x128xi32, #tpu.memory_space<hbm>>) dst(%arg7 : memref<2x128xi32, #tpu.memory_space<vmem>>)
      %dma_start3A_270 = arith.constant 0 : i32
      %dma_start3A_271 = arith.constant 0 : i32
      %dma_start3A_272 = tpu.memref_slice %arg7[%dma_start3A_270, %dma_start3A_271] : memref<2x128xi32, #tpu.memory_space<vmem>> -> memref<1x128xi32, #tpu.memory_space<vmem>>
      %dma_start3A_273 = tpu.memref_squeeze %dma_start3A_272 : memref<1x128xi32, #tpu.memory_space<vmem>> -> memref<128xi32, #tpu.memory_space<vmem>>
      %dma_start3A_274 = arith.constant 0 : i32
      %dma_start3A_275 = arith.constant 0 : i32
      %dma_start3A_276 = tpu.memref_slice %arg2[%dma_start3A_274, %dma_start3A_275] : memref<50176x64xf32, #tpu.memory_space<hbm>> -> memref<50176x64xf32, #tpu.memory_space<hbm>>
      tpu.enqueue_indirect_dma source(%dma_start3A_276 : memref<50176x64xf32, #tpu.memory_space<hbm>>) target(%arg10 : memref<128x64xf32, #tpu.memory_space<vmem>>) offsets(%dma_start3A_273 : memref<128xi32, #tpu.memory_space<vmem>>) semaphore(%arg16 : memref<!tpu.dma_semaphore, #tpu.memory_space<semaphore_mem>>)
      %dma_wait3A_277 = arith.constant 1 : i32
      %dma_wait3A_278 = arith.constant 0 : i32
      %dma_wait3A_279 = tpu.memref_slice %arg8[%dma_wait3A_277, %dma_wait3A_278] : memref<2x128xi32, #tpu.memory_space<vmem>> -> memref<1x128xi32, #tpu.memory_space<vmem>>
      %dma_wait3A_280 = tpu.memref_squeeze %dma_wait3A_279 : memref<1x128xi32, #tpu.memory_space<vmem>> -> memref<128xi32, #tpu.memory_space<vmem>>
      %dma_wait3A_281 = arith.constant 0 : i32
      %dma_wait3A_282 = arith.constant 0 : i32
      %dma_wait3A_283 = tpu.memref_slice %arg5[%dma_wait3A_281, %dma_wait3A_282] : memref<25088x64xf32, #tpu.memory_space<vmem_shared>> -> memref<25088x64xf32, #tpu.memory_space<vmem_shared>>
      tpu.wait_indirect_dma semaphore(%arg20 : memref<!tpu.dma_semaphore, #tpu.memory_space<semaphore_mem>>) src(%arg11 : memref<128x64xf32, #tpu.memory_space<vmem>>) dst(%dma_wait3A_283 : memref<25088x64xf32, #tpu.memory_space<vmem_shared>>)
      %add3A_284 = arith.constant 2 : i32
      %add3A_285 = arith.addi %add3A_259, %add3A_284 : i32
      %dma_start3A_286 = arith.constant 0 : i32
      %dma_start3A_287 = arith.constant 0 : i32
      %dma_start3A_288 = tpu.memref_slice %arg3[%arg0, %arg1, %add3A_285, %dma_start3A_286, %dma_start3A_287] : memref<2x16x393x2x128xi32, #tpu.memory_space<hbm>> -> memref<1x1x1x2x128xi32, #tpu.memory_space<hbm>>
      %dma_start3A_289 = tpu.memref_squeeze %dma_start3A_288 : memref<1x1x1x2x128xi32, #tpu.memory_space<hbm>> -> memref<2x128xi32, #tpu.memory_space<hbm>>
      %dma_start3A_290 = arith.constant 0 : i32
      %dma_start3A_291 = arith.constant 0 : i32
      %dma_start3A_292 = tpu.memref_slice %arg3[%arg0, %arg1, %add3A_285, %dma_start3A_290, %dma_start3A_291] : memref<2x16x393x2x128xi32, #tpu.memory_space<hbm>> -> memref<1x1x1x2x128xi32, #tpu.memory_space<hbm>>
      %dma_start3A_293 = tpu.memref_squeeze %dma_start3A_292 : memref<1x1x1x2x128xi32, #tpu.memory_space<hbm>> -> memref<2x128xi32, #tpu.memory_space<hbm>>
      tpu.enqueue_dma source(%dma_start3A_293 : memref<2x128xi32, #tpu.memory_space<hbm>>) target(%arg8 : memref<2x128xi32, #tpu.memory_space<vmem>>) target_semaphore(%arg14 : memref<!tpu.dma_semaphore, #tpu.memory_space<semaphore_mem>>)
      %dma_wait3A_294 = arith.constant 0 : i32
      %dma_wait3A_295 = arith.constant 0 : i32
      %dma_wait3A_296 = tpu.memref_slice %arg6[%dma_wait3A_294, %dma_wait3A_295] : memref<2x128xi32, #tpu.memory_space<vmem>> -> memref<1x128xi32, #tpu.memory_space<vmem>>
      %dma_wait3A_297 = tpu.memref_squeeze %dma_wait3A_296 : memref<1x128xi32, #tpu.memory_space<vmem>> -> memref<128xi32, #tpu.memory_space<vmem>>
      %dma_wait3A_298 = arith.constant 0 : i32
      %dma_wait3A_299 = arith.constant 0 : i32
      %dma_wait3A_300 = tpu.memref_slice %arg2[%dma_wait3A_298, %dma_wait3A_299] : memref<50176x64xf32, #tpu.memory_space<hbm>> -> memref<50176x64xf32, #tpu.memory_space<hbm>>
      tpu.wait_indirect_dma semaphore(%arg15 : memref<!tpu.dma_semaphore, #tpu.memory_space<semaphore_mem>>) src(%dma_wait3A_300 : memref<50176x64xf32, #tpu.memory_space<hbm>>) dst(%arg9 : memref<128x64xf32, #tpu.memory_space<vmem>>)
      %dma_start3A_301 = arith.constant 1 : i32
      %dma_start3A_302 = arith.constant 0 : i32
      %dma_start3A_303 = tpu.memref_slice %arg6[%dma_start3A_301, %dma_start3A_302] : memref<2x128xi32, #tpu.memory_space<vmem>> -> memref<1x128xi32, #tpu.memory_space<vmem>>
      %dma_start3A_304 = tpu.memref_squeeze %dma_start3A_303 : memref<1x128xi32, #tpu.memory_space<vmem>> -> memref<128xi32, #tpu.memory_space<vmem>>
      %dma_start3A_305 = arith.constant 0 : i32
      %dma_start3A_306 = arith.constant 0 : i32
      %dma_start3A_307 = tpu.memref_slice %arg5[%dma_start3A_305, %dma_start3A_306] : memref<25088x64xf32, #tpu.memory_space<vmem_shared>> -> memref<25088x64xf32, #tpu.memory_space<vmem_shared>>
      tpu.enqueue_indirect_dma source(%arg9 : memref<128x64xf32, #tpu.memory_space<vmem>>) target(%dma_start3A_307 : memref<25088x64xf32, #tpu.memory_space<vmem_shared>>) offsets(%dma_start3A_304 : memref<128xi32, #tpu.memory_space<vmem>>) semaphore(%arg18 : memref<!tpu.dma_semaphore, #tpu.memory_space<semaphore_mem>>) {add = true}
    }
    %scan3A_78 = arith.constant 130 : i32
    %dma_wait3A_79 = arith.constant 392 : i32
    %dma_wait3A_80 = arith.constant 0 : i32
    %dma_wait3A_81 = arith.constant 0 : i32
    %dma_wait3A_82 = tpu.memref_slice %arg3[%arg0, %arg1, %dma_wait3A_79, %dma_wait3A_80, %dma_wait3A_81] : memref<2x16x393x2x128xi32, #tpu.memory_space<hbm>> -> memref<1x1x1x2x128xi32, #tpu.memory_space<hbm>>
    %dma_wait3A_83 = tpu.memref_squeeze %dma_wait3A_82 : memref<1x1x1x2x128xi32, #tpu.memory_space<hbm>> -> memref<2x128xi32, #tpu.memory_space<hbm>>
    %dma_wait3A_84 = arith.constant 0 : i32
    %dma_wait3A_85 = arith.constant 0 : i32
    %dma_wait3A_86 = tpu.memref_slice %arg3[%arg0, %arg1, %dma_wait3A_79, %dma_wait3A_84, %dma_wait3A_85] : memref<2x16x393x2x128xi32, #tpu.memory_space<hbm>> -> memref<1x1x1x2x128xi32, #tpu.memory_space<hbm>>
    %dma_wait3A_87 = tpu.memref_squeeze %dma_wait3A_86 : memref<1x1x1x2x128xi32, #tpu.memory_space<hbm>> -> memref<2x128xi32, #tpu.memory_space<hbm>>
    tpu.wait_dma2 semaphore(%arg14 : memref<!tpu.dma_semaphore, #tpu.memory_space<semaphore_mem>>) src(%dma_wait3A_87 : memref<2x128xi32, #tpu.memory_space<hbm>>) dst(%arg8 : memref<2x128xi32, #tpu.memory_space<vmem>>)
    %dma_start3A_88 = arith.constant 0 : i32
    %dma_start3A_89 = arith.constant 0 : i32
    %dma_start3A_90 = tpu.memref_slice %arg8[%dma_start3A_88, %dma_start3A_89] : memref<2x128xi32, #tpu.memory_space<vmem>> -> memref<1x128xi32, #tpu.memory_space<vmem>>
    %dma_start3A_91 = tpu.memref_squeeze %dma_start3A_90 : memref<1x128xi32, #tpu.memory_space<vmem>> -> memref<128xi32, #tpu.memory_space<vmem>>
    %dma_start3A_92 = arith.constant 0 : i32
    %dma_start3A_93 = arith.constant 0 : i32
    %dma_start3A_94 = tpu.memref_slice %arg2[%dma_start3A_92, %dma_start3A_93] : memref<50176x64xf32, #tpu.memory_space<hbm>> -> memref<50176x64xf32, #tpu.memory_space<hbm>>
    tpu.enqueue_indirect_dma source(%dma_start3A_94 : memref<50176x64xf32, #tpu.memory_space<hbm>>) target(%arg11 : memref<128x64xf32, #tpu.memory_space<vmem>>) offsets(%dma_start3A_91 : memref<128xi32, #tpu.memory_space<vmem>>) semaphore(%arg17 : memref<!tpu.dma_semaphore, #tpu.memory_space<semaphore_mem>>)
    %dma_wait3A_95 = arith.constant 1 : i32
    %dma_wait3A_96 = arith.constant 0 : i32
    %dma_wait3A_97 = tpu.memref_slice %arg6[%dma_wait3A_95, %dma_wait3A_96] : memref<2x128xi32, #tpu.memory_space<vmem>> -> memref<1x128xi32, #tpu.memory_space<vmem>>
    %dma_wait3A_98 = tpu.memref_squeeze %dma_wait3A_97 : memref<1x128xi32, #tpu.memory_space<vmem>> -> memref<128xi32, #tpu.memory_space<vmem>>
    %dma_wait3A_99 = arith.constant 0 : i32
    %dma_wait3A_100 = arith.constant 0 : i32
    %dma_wait3A_101 = tpu.memref_slice %arg5[%dma_wait3A_99, %dma_wait3A_100] : memref<25088x64xf32, #tpu.memory_space<vmem_shared>> -> memref<25088x64xf32, #tpu.memory_space<vmem_shared>>
    tpu.wait_indirect_dma semaphore(%arg18 : memref<!tpu.dma_semaphore, #tpu.memory_space<semaphore_mem>>) src(%arg9 : memref<128x64xf32, #tpu.memory_space<vmem>>) dst(%dma_wait3A_101 : memref<25088x64xf32, #tpu.memory_space<vmem_shared>>)
    %dma_wait3A_102 = arith.constant 0 : i32
    %dma_wait3A_103 = arith.constant 0 : i32
    %dma_wait3A_104 = tpu.memref_slice %arg7[%dma_wait3A_102, %dma_wait3A_103] : memref<2x128xi32, #tpu.memory_space<vmem>> -> memref<1x128xi32, #tpu.memory_space<vmem>>
    %dma_wait3A_105 = tpu.memref_squeeze %dma_wait3A_104 : memref<1x128xi32, #tpu.memory_space<vmem>> -> memref<128xi32, #tpu.memory_space<vmem>>
    %dma_wait3A_106 = arith.constant 0 : i32
    %dma_wait3A_107 = arith.constant 0 : i32
    %dma_wait3A_108 = tpu.memref_slice %arg2[%dma_wait3A_106, %dma_wait3A_107] : memref<50176x64xf32, #tpu.memory_space<hbm>> -> memref<50176x64xf32, #tpu.memory_space<hbm>>
    tpu.wait_indirect_dma semaphore(%arg16 : memref<!tpu.dma_semaphore, #tpu.memory_space<semaphore_mem>>) src(%dma_wait3A_108 : memref<50176x64xf32, #tpu.memory_space<hbm>>) dst(%arg10 : memref<128x64xf32, #tpu.memory_space<vmem>>)
    %dma_start3A_109 = arith.constant 1 : i32
    %dma_start3A_110 = arith.constant 0 : i32
    %dma_start3A_111 = tpu.memref_slice %arg7[%dma_start3A_109, %dma_start3A_110] : memref<2x128xi32, #tpu.memory_space<vmem>> -> memref<1x128xi32, #tpu.memory_space<vmem>>
    %dma_start3A_112 = tpu.memref_squeeze %dma_start3A_111 : memref<1x128xi32, #tpu.memory_space<vmem>> -> memref<128xi32, #tpu.memory_space<vmem>>
    %dma_start3A_113 = arith.constant 0 : i32
    %dma_start3A_114 = arith.constant 0 : i32
    %dma_start3A_115 = tpu.memref_slice %arg5[%dma_start3A_113, %dma_start3A_114] : memref<25088x64xf32, #tpu.memory_space<vmem_shared>> -> memref<25088x64xf32, #tpu.memory_space<vmem_shared>>
    tpu.enqueue_indirect_dma source(%arg10 : memref<128x64xf32, #tpu.memory_space<vmem>>) target(%dma_start3A_115 : memref<25088x64xf32, #tpu.memory_space<vmem_shared>>) offsets(%dma_start3A_112 : memref<128xi32, #tpu.memory_space<vmem>>) semaphore(%arg19 : memref<!tpu.dma_semaphore, #tpu.memory_space<semaphore_mem>>) {add = true}
    %dma_wait3A_116 = arith.constant 1 : i32
    %dma_wait3A_117 = arith.constant 0 : i32
    %dma_wait3A_118 = tpu.memref_slice %arg7[%dma_wait3A_116, %dma_wait3A_117] : memref<2x128xi32, #tpu.memory_space<vmem>> -> memref<1x128xi32, #tpu.memory_space<vmem>>
    %dma_wait3A_119 = tpu.memref_squeeze %dma_wait3A_118 : memref<1x128xi32, #tpu.memory_space<vmem>> -> memref<128xi32, #tpu.memory_space<vmem>>
    %dma_wait3A_120 = arith.constant 0 : i32
    %dma_wait3A_121 = arith.constant 0 : i32
    %dma_wait3A_122 = tpu.memref_slice %arg5[%dma_wait3A_120, %dma_wait3A_121] : memref<25088x64xf32, #tpu.memory_space<vmem_shared>> -> memref<25088x64xf32, #tpu.memory_space<vmem_shared>>
    tpu.wait_indirect_dma semaphore(%arg19 : memref<!tpu.dma_semaphore, #tpu.memory_space<semaphore_mem>>) src(%arg10 : memref<128x64xf32, #tpu.memory_space<vmem>>) dst(%dma_wait3A_122 : memref<25088x64xf32, #tpu.memory_space<vmem_shared>>)
    %dma_wait3A_123 = arith.constant 0 : i32
    %dma_wait3A_124 = arith.constant 0 : i32
    %dma_wait3A_125 = tpu.memref_slice %arg8[%dma_wait3A_123, %dma_wait3A_124] : memref<2x128xi32, #tpu.memory_space<vmem>> -> memref<1x128xi32, #tpu.memory_space<vmem>>
    %dma_wait3A_126 = tpu.memref_squeeze %dma_wait3A_125 : memref<1x128xi32, #tpu.memory_space<vmem>> -> memref<128xi32, #tpu.memory_space<vmem>>
    %dma_wait3A_127 = arith.constant 0 : i32
    %dma_wait3A_128 = arith.constant 0 : i32
    %dma_wait3A_129 = tpu.memref_slice %arg2[%dma_wait3A_127, %dma_wait3A_128] : memref<50176x64xf32, #tpu.memory_space<hbm>> -> memref<50176x64xf32, #tpu.memory_space<hbm>>
    tpu.wait_indirect_dma semaphore(%arg17 : memref<!tpu.dma_semaphore, #tpu.memory_space<semaphore_mem>>) src(%dma_wait3A_129 : memref<50176x64xf32, #tpu.memory_space<hbm>>) dst(%arg11 : memref<128x64xf32, #tpu.memory_space<vmem>>)
    %dma_start3A_130 = arith.constant 1 : i32
    %dma_start3A_131 = arith.constant 0 : i32
    %dma_start3A_132 = tpu.memref_slice %arg8[%dma_start3A_130, %dma_start3A_131] : memref<2x128xi32, #tpu.memory_space<vmem>> -> memref<1x128xi32, #tpu.memory_space<vmem>>
    %dma_start3A_133 = tpu.memref_squeeze %dma_start3A_132 : memref<1x128xi32, #tpu.memory_space<vmem>> -> memref<128xi32, #tpu.memory_space<vmem>>
    %dma_start3A_134 = arith.constant 0 : i32
    %dma_start3A_135 = arith.constant 0 : i32
    %dma_start3A_136 = tpu.memref_slice %arg5[%dma_start3A_134, %dma_start3A_135] : memref<25088x64xf32, #tpu.memory_space<vmem_shared>> -> memref<25088x64xf32, #tpu.memory_space<vmem_shared>>
    tpu.enqueue_indirect_dma source(%arg11 : memref<128x64xf32, #tpu.memory_space<vmem>>) target(%dma_start3A_136 : memref<25088x64xf32, #tpu.memory_space<vmem_shared>>) offsets(%dma_start3A_133 : memref<128xi32, #tpu.memory_space<vmem>>) semaphore(%arg20 : memref<!tpu.dma_semaphore, #tpu.memory_space<semaphore_mem>>) {add = true}
    %dma_wait3A_137 = arith.constant 1 : i32
    %dma_wait3A_138 = arith.constant 0 : i32
    %dma_wait3A_139 = tpu.memref_slice %arg8[%dma_wait3A_137, %dma_wait3A_138] : memref<2x128xi32, #tpu.memory_space<vmem>> -> memref<1x128xi32, #tpu.memory_space<vmem>>
    %dma_wait3A_140 = tpu.memref_squeeze %dma_wait3A_139 : memref<1x128xi32, #tpu.memory_space<vmem>> -> memref<128xi32, #tpu.memory_space<vmem>>
    %dma_wait3A_141 = arith.constant 0 : i32
    %dma_wait3A_142 = arith.constant 0 : i32
    %dma_wait3A_143 = tpu.memref_slice %arg5[%dma_wait3A_141, %dma_wait3A_142] : memref<25088x64xf32, #tpu.memory_space<vmem_shared>> -> memref<25088x64xf32, #tpu.memory_space<vmem_shared>>
    tpu.wait_indirect_dma semaphore(%arg20 : memref<!tpu.dma_semaphore, #tpu.memory_space<semaphore_mem>>) src(%arg11 : memref<128x64xf32, #tpu.memory_space<vmem>>) dst(%dma_wait3A_143 : memref<25088x64xf32, #tpu.memory_space<vmem_shared>>)
    %barrier3A_144 = arith.constant 0 : index
    tpu.barrier barrier_id(%barrier3A_144)
    "tpu.region"() ({
      %run_scoped3A = tpu.sem_alloc : memref<!tpu.dma_semaphore, #tpu.memory_space<semaphore_mem>>
      %dma_start3A_145 = arith.constant 0 : i32
      %dma_start3A_146 = tpu.memref_slice %arg4[%add3A, %dma_start3A_145] : memref<50176x64xf32, #tpu.memory_space<hbm>> -> memref<1568x64xf32, #tpu.memory_space<hbm>>
      %dma_start3A_147 = arith.constant 0 : i32
      %dma_start3A_148 = tpu.memref_slice %arg5[%mul3A_0, %dma_start3A_147] : memref<25088x64xf32, #tpu.memory_space<vmem_shared>> -> memref<1568x64xf32, #tpu.memory_space<vmem_shared>>
      tpu.enqueue_dma source(%dma_start3A_148 : memref<1568x64xf32, #tpu.memory_space<vmem_shared>>) target(%dma_start3A_146 : memref<1568x64xf32, #tpu.memory_space<hbm>>) target_semaphore(%run_scoped3A : memref<!tpu.dma_semaphore, #tpu.memory_space<semaphore_mem>>)
      %dma_wait3A_149 = arith.constant 0 : i32
      %dma_wait3A_150 = tpu.memref_slice %arg4[%add3A, %dma_wait3A_149] : memref<50176x64xf32, #tpu.memory_space<hbm>> -> memref<1568x64xf32, #tpu.memory_space<hbm>>
      %dma_wait3A_151 = arith.constant 0 : i32
      %dma_wait3A_152 = tpu.memref_slice %arg5[%mul3A_0, %dma_wait3A_151] : memref<25088x64xf32, #tpu.memory_space<vmem_shared>> -> memref<1568x64xf32, #tpu.memory_space<vmem_shared>>
      tpu.wait_dma2 semaphore(%run_scoped3A : memref<!tpu.dma_semaphore, #tpu.memory_space<semaphore_mem>>) src(%dma_wait3A_152 : memref<1568x64xf32, #tpu.memory_space<vmem_shared>>) dst(%dma_wait3A_150 : memref<1568x64xf32, #tpu.memory_space<hbm>>)
      tpu.yield
    }) : () -> ()
    return
  }
}

#map = affine_map<(d0, d1) -> (0, 0)>
#map1 = affine_map<(d0, d1) -> (0, 0, 0, 0, 0)>
module attributes {stable_mosaic.version = 14 : i64} {
  func.func @spmm(%arg0: i32, %arg1: i32, %arg2: memref<50176x64xf32, #tpu.memory_space<hbm>>, %arg3: memref<2x16x393x2x128xi32, #tpu.memory_space<hbm>>, %arg4: memref<50176x64xf32, #tpu.memory_space<hbm>>, %arg5: memref<25088x64xf32, #tpu.memory_space<vmem_shared>>, %arg6: memref<2x128xi32, #tpu.memory_space<vmem>>, %arg7: memref<2x128xi32, #tpu.memory_space<vmem>>, %arg8: memref<2x128xi32, #tpu.memory_space<vmem>>, %arg9: memref<128x64xf32, #tpu.memory_space<vmem>>, %arg10: memref<128x64xf32, #tpu.memory_space<vmem>>, %arg11: memref<128x64xf32, #tpu.memory_space<vmem>>, %arg12: memref<!tpu.dma_semaphore, #tpu.memory_space<semaphore_mem>>, %arg13: memref<!tpu.dma_semaphore, #tpu.memory_space<semaphore_mem>>, %arg14: memref<!tpu.dma_semaphore, #tpu.memory_space<semaphore_mem>>, %arg15: memref<!tpu.dma_semaphore, #tpu.memory_space<semaphore_mem>>, %arg16: memref<!tpu.dma_semaphore, #tpu.memory_space<semaphore_mem>>, %arg17: memref<!tpu.dma_semaphore, #tpu.memory_space<semaphore_mem>>, %arg18: memref<!tpu.dma_semaphore, #tpu.memory_space<semaphore_mem>>, %arg19: memref<!tpu.dma_semaphore, #tpu.memory_space<semaphore_mem>>, %arg20: memref<!tpu.dma_semaphore, #tpu.memory_space<semaphore_mem>>) attributes {dimension_semantics = [#tpu.dimension_semantics<core_parallel>, #tpu.dimension_semantics<subcore_parallel>], iteration_bounds = array<i64: 2, 16>, scalar_prefetch = 0 : i64, scratch_operands = 16 : i64, tpu.core_type = #tpu.core_type<sc_vector_subcore>, window_params = [{transform_indices = #map}, {transform_indices = #map1}, {transform_indices = #map}]} {
    %mul3A = arith.constant 1568 : i32
    %mul3A_0 = arith.muli %arg1, %mul3A : i32
    %mul3A_1 = arith.constant 25088 : i32
    %mul3A_2 = arith.muli %arg0, %mul3A_1 : i32
    %add3A = arith.addi %mul3A_2, %mul3A_0 : i32
    %dma_start3A = arith.constant 0 : i32
    %dma_start3A_3 = arith.constant 0 : i32
    %dma_start3A_4 = arith.constant 0 : i32
    %dma_start3A_5 = tpu.memref_slice %arg3[%arg0, %arg1, %dma_start3A, %dma_start3A_3, %dma_start3A_4] : memref<2x16x393x2x128xi32, #tpu.memory_space<hbm>> -> memref<1x1x1x2x128xi32, #tpu.memory_space<hbm>>
    %dma_start3A_6 = tpu.memref_squeeze %dma_start3A_5 : memref<1x1x1x2x128xi32, #tpu.memory_space<hbm>> -> memref<2x128xi32, #tpu.memory_space<hbm>>
    %dma_start3A_7 = arith.constant 0 : i32
    %dma_start3A_8 = arith.constant 0 : i32
    %dma_start3A_9 = tpu.memref_slice %arg3[%arg0, %arg1, %dma_start3A, %dma_start3A_7, %dma_start3A_8] : memref<2x16x393x2x128xi32, #tpu.memory_space<hbm>> -> memref<1x1x1x2x128xi32, #tpu.memory_space<hbm>>
    %dma_start3A_10 = tpu.memref_squeeze %dma_start3A_9 : memref<1x1x1x2x128xi32, #tpu.memory_space<hbm>> -> memref<2x128xi32, #tpu.memory_space<hbm>>
    tpu.enqueue_dma source(%dma_start3A_10 : memref<2x128xi32, #tpu.memory_space<hbm>>) target(%arg6 : memref<2x128xi32, #tpu.memory_space<vmem>>) target_semaphore(%arg12 : memref<!tpu.dma_semaphore, #tpu.memory_space<semaphore_mem>>)
    %dma_start3A_11 = arith.constant 1 : i32
    %dma_start3A_12 = arith.constant 0 : i32
    %dma_start3A_13 = arith.constant 0 : i32
    %dma_start3A_14 = tpu.memref_slice %arg3[%arg0, %arg1, %dma_start3A_11, %dma_start3A_12, %dma_start3A_13] : memref<2x16x393x2x128xi32, #tpu.memory_space<hbm>> -> memref<1x1x1x2x128xi32, #tpu.memory_space<hbm>>
    %dma_start3A_15 = tpu.memref_squeeze %dma_start3A_14 : memref<1x1x1x2x128xi32, #tpu.memory_space<hbm>> -> memref<2x128xi32, #tpu.memory_space<hbm>>
    %dma_start3A_16 = arith.constant 0 : i32
    %dma_start3A_17 = arith.constant 0 : i32
    %dma_start3A_18 = tpu.memref_slice %arg3[%arg0, %arg1, %dma_start3A_11, %dma_start3A_16, %dma_start3A_17] : memref<2x16x393x2x128xi32, #tpu.memory_space<hbm>> -> memref<1x1x1x2x128xi32, #tpu.memory_space<hbm>>
    %dma_start3A_19 = tpu.memref_squeeze %dma_start3A_18 : memref<1x1x1x2x128xi32, #tpu.memory_space<hbm>> -> memref<2x128xi32, #tpu.memory_space<hbm>>
    tpu.enqueue_dma source(%dma_start3A_19 : memref<2x128xi32, #tpu.memory_space<hbm>>) target(%arg7 : memref<2x128xi32, #tpu.memory_space<vmem>>) target_semaphore(%arg13 : memref<!tpu.dma_semaphore, #tpu.memory_space<semaphore_mem>>)
    "tpu.region"() ({
      %run_scoped3A = tpu.sem_alloc : memref<!tpu.dma_semaphore, #tpu.memory_space<semaphore_mem>>
      %dma_start3A_145 = arith.constant 0 : i32
      %dma_start3A_146 = tpu.memref_slice %arg5[%mul3A_0, %dma_start3A_145] : memref<25088x64xf32, #tpu.memory_space<vmem_shared>> -> memref<1568x64xf32, #tpu.memory_space<vmem_shared>>
      %dma_start3A_147 = arith.constant 0 : i32
      %dma_start3A_148 = tpu.memref_slice %arg2[%add3A, %dma_start3A_147] : memref<50176x64xf32, #tpu.memory_space<hbm>> -> memref<1568x64xf32, #tpu.memory_space<hbm>>
      tpu.enqueue_dma source(%dma_start3A_148 : memref<1568x64xf32, #tpu.memory_space<hbm>>) target(%dma_start3A_146 : memref<1568x64xf32, #tpu.memory_space<vmem_shared>>) target_semaphore(%run_scoped3A : memref<!tpu.dma_semaphore, #tpu.memory_space<semaphore_mem>>)
      %dma_wait3A_149 = arith.constant 0 : i32
      %dma_wait3A_150 = tpu.memref_slice %arg5[%mul3A_0, %dma_wait3A_149] : memref<25088x64xf32, #tpu.memory_space<vmem_shared>> -> memref<1568x64xf32, #tpu.memory_space<vmem_shared>>
      %dma_wait3A_151 = arith.constant 0 : i32
      %dma_wait3A_152 = tpu.memref_slice %arg2[%add3A, %dma_wait3A_151] : memref<50176x64xf32, #tpu.memory_space<hbm>> -> memref<1568x64xf32, #tpu.memory_space<hbm>>
      tpu.wait_dma2 semaphore(%run_scoped3A : memref<!tpu.dma_semaphore, #tpu.memory_space<semaphore_mem>>) src(%dma_wait3A_152 : memref<1568x64xf32, #tpu.memory_space<hbm>>) dst(%dma_wait3A_150 : memref<1568x64xf32, #tpu.memory_space<vmem_shared>>)
      tpu.yield
    }) : () -> ()
    %barrier3A = arith.constant 0 : index
    tpu.barrier barrier_id(%barrier3A)
    %dma_wait3A = arith.constant 0 : i32
    %dma_wait3A_20 = arith.constant 0 : i32
    %dma_wait3A_21 = arith.constant 0 : i32
    %dma_wait3A_22 = tpu.memref_slice %arg3[%arg0, %arg1, %dma_wait3A, %dma_wait3A_20, %dma_wait3A_21] : memref<2x16x393x2x128xi32, #tpu.memory_space<hbm>> -> memref<1x1x1x2x128xi32, #tpu.memory_space<hbm>>
    %dma_wait3A_23 = tpu.memref_squeeze %dma_wait3A_22 : memref<1x1x1x2x128xi32, #tpu.memory_space<hbm>> -> memref<2x128xi32, #tpu.memory_space<hbm>>
    %dma_wait3A_24 = arith.constant 0 : i32
    %dma_wait3A_25 = arith.constant 0 : i32
    %dma_wait3A_26 = tpu.memref_slice %arg3[%arg0, %arg1, %dma_wait3A, %dma_wait3A_24, %dma_wait3A_25] : memref<2x16x393x2x128xi32, #tpu.memory_space<hbm>> -> memref<1x1x1x2x128xi32, #tpu.memory_space<hbm>>
    %dma_wait3A_27 = tpu.memref_squeeze %dma_wait3A_26 : memref<1x1x1x2x128xi32, #tpu.memory_space<hbm>> -> memref<2x128xi32, #tpu.memory_space<hbm>>
    tpu.wait_dma2 semaphore(%arg12 : memref<!tpu.dma_semaphore, #tpu.memory_space<semaphore_mem>>) src(%dma_wait3A_27 : memref<2x128xi32, #tpu.memory_space<hbm>>) dst(%arg6 : memref<2x128xi32, #tpu.memory_space<vmem>>)
    %dma_start3A_28 = arith.constant 0 : i32
    %dma_start3A_29 = arith.constant 0 : i32
    %dma_start3A_30 = tpu.memref_slice %arg6[%dma_start3A_28, %dma_start3A_29] : memref<2x128xi32, #tpu.memory_space<vmem>> -> memref<1x128xi32, #tpu.memory_space<vmem>>
    %dma_start3A_31 = tpu.memref_squeeze %dma_start3A_30 : memref<1x128xi32, #tpu.memory_space<vmem>> -> memref<128xi32, #tpu.memory_space<vmem>>
    %dma_start3A_32 = arith.constant 0 : i32
    %dma_start3A_33 = arith.constant 0 : i32
    %dma_start3A_34 = tpu.memref_slice %arg2[%dma_start3A_32, %dma_start3A_33] : memref<50176x64xf32, #tpu.memory_space<hbm>> -> memref<50176x64xf32, #tpu.memory_space<hbm>>
    tpu.enqueue_indirect_dma source(%dma_start3A_34 : memref<50176x64xf32, #tpu.memory_space<hbm>>) target(%arg9 : memref<128x64xf32, #tpu.memory_space<vmem>>) offsets(%dma_start3A_31 : memref<128xi32, #tpu.memory_space<vmem>>) semaphore(%arg15 : memref<!tpu.dma_semaphore, #tpu.memory_space<semaphore_mem>>)
    %dma_wait3A_35 = arith.constant 1 : i32
    %dma_wait3A_36 = arith.constant 0 : i32
    %dma_wait3A_37 = arith.constant 0 : i32
    %dma_wait3A_38 = tpu.memref_slice %arg3[%arg0, %arg1, %dma_wait3A_35, %dma_wait3A_36, %dma_wait3A_37] : memref<2x16x393x2x128xi32, #tpu.memory_space<hbm>> -> memref<1x1x1x2x128xi32, #tpu.memory_space<hbm>>
    %dma_wait3A_39 = tpu.memref_squeeze %dma_wait3A_38 : memref<1x1x1x2x128xi32, #tpu.memory_space<hbm>> -> memref<2x128xi32, #tpu.memory_space<hbm>>
    %dma_wait3A_40 = arith.constant 0 : i32
    %dma_wait3A_41 = arith.constant 0 : i32
    %dma_wait3A_42 = tpu.memref_slice %arg3[%arg0, %arg1, %dma_wait3A_35, %dma_wait3A_40, %dma_wait3A_41] : memref<2x16x393x2x128xi32, #tpu.memory_space<hbm>> -> memref<1x1x1x2x128xi32, #tpu.memory_space<hbm>>
    %dma_wait3A_43 = tpu.memref_squeeze %dma_wait3A_42 : memref<1x1x1x2x128xi32, #tpu.memory_space<hbm>> -> memref<2x128xi32, #tpu.memory_space<hbm>>
    tpu.wait_dma2 semaphore(%arg13 : memref<!tpu.dma_semaphore, #tpu.memory_space<semaphore_mem>>) src(%dma_wait3A_43 : memref<2x128xi32, #tpu.memory_space<hbm>>) dst(%arg7 : memref<2x128xi32, #tpu.memory_space<vmem>>)
    %dma_start3A_44 = arith.constant 0 : i32
    %dma_start3A_45 = arith.constant 0 : i32
    %dma_start3A_46 = tpu.memref_slice %arg7[%dma_start3A_44, %dma_start3A_45] : memref<2x128xi32, #tpu.memory_space<vmem>> -> memref<1x128xi32, #tpu.memory_space<vmem>>
    %dma_start3A_47 = tpu.memref_squeeze %dma_start3A_46 : memref<1x128xi32, #tpu.memory_space<vmem>> -> memref<128xi32, #tpu.memory_space<vmem>>
    %dma_start3A_48 = arith.constant 0 : i32
    %dma_start3A_49 = arith.constant 0 : i32
    %dma_start3A_50 = tpu.memref_slice %arg2[%dma_start3A_48, %dma_start3A_49] : memref<50176x64xf32, #tpu.memory_space<hbm>> -> memref<50176x64xf32, #tpu.memory_space<hbm>>
    tpu.enqueue_indirect_dma source(%dma_start3A_50 : memref<50176x64xf32, #tpu.memory_space<hbm>>) target(%arg10 : memref<128x64xf32, #tpu.memory_space<vmem>>) offsets(%dma_start3A_47 : memref<128xi32, #tpu.memory_space<vmem>>) semaphore(%arg16 : memref<!tpu.dma_semaphore, #tpu.memory_space<semaphore_mem>>)
    %dma_start3A_51 = arith.constant 2 : i32
    %dma_start3A_52 = arith.constant 0 : i32
    %dma_start3A_53 = arith.constant 0 : i32
    %dma_start3A_54 = tpu.memref_slice %arg3[%arg0, %arg1, %dma_start3A_51, %dma_start3A_52, %dma_start3A_53] : memref<2x16x393x2x128xi32, #tpu.memory_space<hbm>> -> memref<1x1x1x2x128xi32, #tpu.memory_space<hbm>>
    %dma_start3A_55 = tpu.memref_squeeze %dma_start3A_54 : memref<1x1x1x2x128xi32, #tpu.memory_space<hbm>> -> memref<2x128xi32, #tpu.memory_space<hbm>>
    %dma_start3A_56 = arith.constant 0 : i32
    %dma_start3A_57 = arith.constant 0 : i32
    %dma_start3A_58 = tpu.memref_slice %arg3[%arg0, %arg1, %dma_start3A_51, %dma_start3A_56, %dma_start3A_57] : memref<2x16x393x2x128xi32, #tpu.memory_space<hbm>> -> memref<1x1x1x2x128xi32, #tpu.memory_space<hbm>>
    %dma_start3A_59 = tpu.memref_squeeze %dma_start3A_58 : memref<1x1x1x2x128xi32, #tpu.memory_space<hbm>> -> memref<2x128xi32, #tpu.memory_space<hbm>>
    tpu.enqueue_dma source(%dma_start3A_59 : memref<2x128xi32, #tpu.memory_space<hbm>>) target(%arg8 : memref<2x128xi32, #tpu.memory_space<vmem>>) target_semaphore(%arg14 : memref<!tpu.dma_semaphore, #tpu.memory_space<semaphore_mem>>)
    %dma_wait3A_60 = arith.constant 0 : i32
    %dma_wait3A_61 = arith.constant 0 : i32
    %dma_wait3A_62 = tpu.memref_slice %arg6[%dma_wait3A_60, %dma_wait3A_61] : memref<2x128xi32, #tpu.memory_space<vmem>> -> memref<1x128xi32, #tpu.memory_space<vmem>>
    %dma_wait3A_63 = tpu.memref_squeeze %dma_wait3A_62 : memref<1x128xi32, #tpu.memory_space<vmem>> -> memref<128xi32, #tpu.memory_space<vmem>>
    %dma_wait3A_64 = arith.constant 0 : i32
    %dma_wait3A_65 = arith.constant 0 : i32
    %dma_wait3A_66 = tpu.memref_slice %arg2[%dma_wait3A_64, %dma_wait3A_65] : memref<50176x64xf32, #tpu.memory_space<hbm>> -> memref<50176x64xf32, #tpu.memory_space<hbm>>
    tpu.wait_indirect_dma semaphore(%arg15 : memref<!tpu.dma_semaphore, #tpu.memory_space<semaphore_mem>>) src(%dma_wait3A_66 : memref<50176x64xf32, #tpu.memory_space<hbm>>) dst(%arg9 : memref<128x64xf32, #tpu.memory_space<vmem>>)
    %dma_start3A_67 = arith.constant 1 : i32
    %dma_start3A_68 = arith.constant 0 : i32
    %dma_start3A_69 = tpu.memref_slice %arg6[%dma_start3A_67, %dma_start3A_68] : memref<2x128xi32, #tpu.memory_space<vmem>> -> memref<1x128xi32, #tpu.memory_space<vmem>>
    %dma_start3A_70 = tpu.memref_squeeze %dma_start3A_69 : memref<1x128xi32, #tpu.memory_space<vmem>> -> memref<128xi32, #tpu.memory_space<vmem>>
    %dma_start3A_71 = arith.constant 0 : i32
    %dma_start3A_72 = arith.constant 0 : i32
    %dma_start3A_73 = tpu.memref_slice %arg5[%dma_start3A_71, %dma_start3A_72] : memref<25088x64xf32, #tpu.memory_space<vmem_shared>> -> memref<25088x64xf32, #tpu.memory_space<vmem_shared>>
    tpu.enqueue_indirect_dma source(%arg9 : memref<128x64xf32, #tpu.memory_space<vmem>>) target(%dma_start3A_73 : memref<25088x64xf32, #tpu.memory_space<vmem_shared>>) offsets(%dma_start3A_70 : memref<128xi32, #tpu.memory_space<vmem>>) semaphore(%arg18 : memref<!tpu.dma_semaphore, #tpu.memory_space<semaphore_mem>>) {add = true}
    %scan3A = arith.constant 0 : i32
    %scan3A_74 = arith.constant 0 : i32
    %scan3A_75 = arith.constant 130 : i32
    %scan3A_76 = arith.addi %scan3A_74, %scan3A_75 : i32
    %scan3A_77 = arith.constant 1 : i32
    scf.for %scan3A_145 = %scan3A_74 to %scan3A_76 step %scan3A_77  : i32 {
      %mul3A_146 = arith.constant 3 : i32
      %mul3A_147 = arith.muli %scan3A_145, %mul3A_146 : i32
      %add3A_148 = arith.constant 1 : i32
      %add3A_149 = arith.addi %add3A_148, %mul3A_147 : i32
      %add3A_150 = arith.constant 0 : i32
      %add3A_151 = arith.addi %add3A_149, %add3A_150 : i32
      %add3A_152 = arith.constant 1 : i32
      %add3A_153 = arith.addi %add3A_151, %add3A_152 : i32
      %dma_wait3A_154 = arith.constant 0 : i32
      %dma_wait3A_155 = arith.constant 0 : i32
      %dma_wait3A_156 = tpu.memref_slice %arg3[%arg0, %arg1, %add3A_153, %dma_wait3A_154, %dma_wait3A_155] : memref<2x16x393x2x128xi32, #tpu.memory_space<hbm>> -> memref<1x1x1x2x128xi32, #tpu.memory_space<hbm>>
      %dma_wait3A_157 = tpu.memref_squeeze %dma_wait3A_156 : memref<1x1x1x2x128xi32, #tpu.memory_space<hbm>> -> memref<2x128xi32, #tpu.memory_space<hbm>>
      %dma_wait3A_158 = arith.constant 0 : i32
      %dma_wait3A_159 = arith.constant 0 : i32
      %dma_wait3A_160 = tpu.memref_slice %arg3[%arg0, %arg1, %add3A_153, %dma_wait3A_158, %dma_wait3A_159] : memref<2x16x393x2x128xi32, #tpu.memory_space<hbm>> -> memref<1x1x1x2x128xi32, #tpu.memory_space<hbm>>
      %dma_wait3A_161 = tpu.memref_squeeze %dma_wait3A_160 : memref<1x1x1x2x128xi32, #tpu.memory_space<hbm>> -> memref<2x128xi32, #tpu.memory_space<hbm>>
      tpu.wait_dma2 semaphore(%arg14 : memref<!tpu.dma_semaphore, #tpu.memory_space<semaphore_mem>>) src(%dma_wait3A_161 : memref<2x128xi32, #tpu.memory_space<hbm>>) dst(%arg8 : memref<2x128xi32, #tpu.memory_space<vmem>>)
      %dma_start3A_162 = arith.constant 0 : i32
      %dma_start3A_163 = arith.constant 0 : i32
      %dma_start3A_164 = tpu.memref_slice %arg8[%dma_start3A_162, %dma_start3A_163] : memref<2x128xi32, #tpu.memory_space<vmem>> -> memref<1x128xi32, #tpu.memory_space<vmem>>
      %dma_start3A_165 = tpu.memref_squeeze %dma_start3A_164 : memref<1x128xi32, #tpu.memory_space<vmem>> -> memref<128xi32, #tpu.memory_space<vmem>>
      %dma_start3A_166 = arith.constant 0 : i32
      %dma_start3A_167 = arith.constant 0 : i32
      %dma_start3A_168 = tpu.memref_slice %arg2[%dma_start3A_166, %dma_start3A_167] : memref<50176x64xf32, #tpu.memory_space<hbm>> -> memref<50176x64xf32, #tpu.memory_space<hbm>>
      tpu.enqueue_indirect_dma source(%dma_start3A_168 : memref<50176x64xf32, #tpu.memory_space<hbm>>) target(%arg11 : memref<128x64xf32, #tpu.memory_space<vmem>>) offsets(%dma_start3A_165 : memref<128xi32, #tpu.memory_space<vmem>>) semaphore(%arg17 : memref<!tpu.dma_semaphore, #tpu.memory_space<semaphore_mem>>)
      %dma_wait3A_169 = arith.constant 1 : i32
      %dma_wait3A_170 = arith.constant 0 : i32
      %dma_wait3A_171 = tpu.memref_slice %arg6[%dma_wait3A_169, %dma_wait3A_170] : memref<2x128xi32, #tpu.memory_space<vmem>> -> memref<1x128xi32, #tpu.memory_space<vmem>>
      %dma_wait3A_172 = tpu.memref_squeeze %dma_wait3A_171 : memref<1x128xi32, #tpu.memory_space<vmem>> -> memref<128xi32, #tpu.memory_space<vmem>>
      %dma_wait3A_173 = arith.constant 0 : i32
      %dma_wait3A_174 = arith.constant 0 : i32
      %dma_wait3A_175 = tpu.memref_slice %arg5[%dma_wait3A_173, %dma_wait3A_174] : memref<25088x64xf32, #tpu.memory_space<vmem_shared>> -> memref<25088x64xf32, #tpu.memory_space<vmem_shared>>
      tpu.wait_indirect_dma semaphore(%arg18 : memref<!tpu.dma_semaphore, #tpu.memory_space<semaphore_mem>>) src(%arg9 : memref<128x64xf32, #tpu.memory_space<vmem>>) dst(%dma_wait3A_175 : memref<25088x64xf32, #tpu.memory_space<vmem_shared>>)
      %add3A_176 = arith.constant 2 : i32
      %add3A_177 = arith.addi %add3A_151, %add3A_176 : i32
      %dma_start3A_178 = arith.constant 0 : i32
      %dma_start3A_179 = arith.constant 0 : i32
      %dma_start3A_180 = tpu.memref_slice %arg3[%arg0, %arg1, %add3A_177, %dma_start3A_178, %dma_start3A_179] : memref<2x16x393x2x128xi32, #tpu.memory_space<hbm>> -> memref<1x1x1x2x128xi32, #tpu.memory_space<hbm>>
      %dma_start3A_181 = tpu.memref_squeeze %dma_start3A_180 : memref<1x1x1x2x128xi32, #tpu.memory_space<hbm>> -> memref<2x128xi32, #tpu.memory_space<hbm>>
      %dma_start3A_182 = arith.constant 0 : i32
      %dma_start3A_183 = arith.constant 0 : i32
      %dma_start3A_184 = tpu.memref_slice %arg3[%arg0, %arg1, %add3A_177, %dma_start3A_182, %dma_start3A_183] : memref<2x16x393x2x128xi32, #tpu.memory_space<hbm>> -> memref<1x1x1x2x128xi32, #tpu.memory_space<hbm>>
      %dma_start3A_185 = tpu.memref_squeeze %dma_start3A_184 : memref<1x1x1x2x128xi32, #tpu.memory_space<hbm>> -> memref<2x128xi32, #tpu.memory_space<hbm>>
      tpu.enqueue_dma source(%dma_start3A_185 : memref<2x128xi32, #tpu.memory_space<hbm>>) target(%arg6 : memref<2x128xi32, #tpu.memory_space<vmem>>) target_semaphore(%arg12 : memref<!tpu.dma_semaphore, #tpu.memory_space<semaphore_mem>>)
      %dma_wait3A_186 = arith.constant 0 : i32
      %dma_wait3A_187 = arith.constant 0 : i32
      %dma_wait3A_188 = tpu.memref_slice %arg7[%dma_wait3A_186, %dma_wait3A_187] : memref<2x128xi32, #tpu.memory_space<vmem>> -> memref<1x128xi32, #tpu.memory_space<vmem>>
      %dma_wait3A_189 = tpu.memref_squeeze %dma_wait3A_188 : memref<1x128xi32, #tpu.memory_space<vmem>> -> memref<128xi32, #tpu.memory_space<vmem>>
      %dma_wait3A_190 = arith.constant 0 : i32
      %dma_wait3A_191 = arith.constant 0 : i32
      %dma_wait3A_192 = tpu.memref_slice %arg2[%dma_wait3A_190, %dma_wait3A_191] : memref<50176x64xf32, #tpu.memory_space<hbm>> -> memref<50176x64xf32, #tpu.memory_space<hbm>>
      tpu.wait_indirect_dma semaphore(%arg16 : memref<!tpu.dma_semaphore, #tpu.memory_space<semaphore_mem>>) src(%dma_wait3A_192 : memref<50176x64xf32, #tpu.memory_space<hbm>>) dst(%arg10 : memref<128x64xf32, #tpu.memory_space<vmem>>)
      %dma_start3A_193 = arith.constant 1 : i32
      %dma_start3A_194 = arith.constant 0 : i32
      %dma_start3A_195 = tpu.memref_slice %arg7[%dma_start3A_193, %dma_start3A_194] : memref<2x128xi32, #tpu.memory_space<vmem>> -> memref<1x128xi32, #tpu.memory_space<vmem>>
      %dma_start3A_196 = tpu.memref_squeeze %dma_start3A_195 : memref<1x128xi32, #tpu.memory_space<vmem>> -> memref<128xi32, #tpu.memory_space<vmem>>
      %dma_start3A_197 = arith.constant 0 : i32
      %dma_start3A_198 = arith.constant 0 : i32
      %dma_start3A_199 = tpu.memref_slice %arg5[%dma_start3A_197, %dma_start3A_198] : memref<25088x64xf32, #tpu.memory_space<vmem_shared>> -> memref<25088x64xf32, #tpu.memory_space<vmem_shared>>
      tpu.enqueue_indirect_dma source(%arg10 : memref<128x64xf32, #tpu.memory_space<vmem>>) target(%dma_start3A_199 : memref<25088x64xf32, #tpu.memory_space<vmem_shared>>) offsets(%dma_start3A_196 : memref<128xi32, #tpu.memory_space<vmem>>) semaphore(%arg19 : memref<!tpu.dma_semaphore, #tpu.memory_space<semaphore_mem>>) {add = true}
      %mul3A_200 = arith.constant 3 : i32
      %mul3A_201 = arith.muli %scan3A_145, %mul3A_200 : i32
      %add3A_202 = arith.constant 1 : i32
      %add3A_203 = arith.addi %add3A_202, %mul3A_201 : i32
      %add3A_204 = arith.constant 1 : i32
      %add3A_205 = arith.addi %add3A_203, %add3A_204 : i32
      %add3A_206 = arith.constant 1 : i32
      %add3A_207 = arith.addi %add3A_205, %add3A_206 : i32
      %dma_wait3A_208 = arith.constant 0 : i32
      %dma_wait3A_209 = arith.constant 0 : i32
      %dma_wait3A_210 = tpu.memref_slice %arg3[%arg0, %arg1, %add3A_207, %dma_wait3A_208, %dma_wait3A_209] : memref<2x16x393x2x128xi32, #tpu.memory_space<hbm>> -> memref<1x1x1x2x128xi32, #tpu.memory_space<hbm>>
      %dma_wait3A_211 = tpu.memref_squeeze %dma_wait3A_210 : memref<1x1x1x2x128xi32, #tpu.memory_space<hbm>> -> memref<2x128xi32, #tpu.memory_space<hbm>>
      %dma_wait3A_212 = arith.constant 0 : i32
      %dma_wait3A_213 = arith.constant 0 : i32
      %dma_wait3A_214 = tpu.memref_slice %arg3[%arg0, %arg1, %add3A_207, %dma_wait3A_212, %dma_wait3A_213] : memref<2x16x393x2x128xi32, #tpu.memory_space<hbm>> -> memref<1x1x1x2x128xi32, #tpu.memory_space<hbm>>
      %dma_wait3A_215 = tpu.memref_squeeze %dma_wait3A_214 : memref<1x1x1x2x128xi32, #tpu.memory_space<hbm>> -> memref<2x128xi32, #tpu.memory_space<hbm>>
      tpu.wait_dma2 semaphore(%arg12 : memref<!tpu.dma_semaphore, #tpu.memory_space<semaphore_mem>>) src(%dma_wait3A_215 : memref<2x128xi32, #tpu.memory_space<hbm>>) dst(%arg6 : memref<2x128xi32, #tpu.memory_space<vmem>>)
      %dma_start3A_216 = arith.constant 0 : i32
      %dma_start3A_217 = arith.constant 0 : i32
      %dma_start3A_218 = tpu.memref_slice %arg6[%dma_start3A_216, %dma_start3A_217] : memref<2x128xi32, #tpu.memory_space<vmem>> -> memref<1x128xi32, #tpu.memory_space<vmem>>
      %dma_start3A_219 = tpu.memref_squeeze %dma_start3A_218 : memref<1x128xi32, #tpu.memory_space<vmem>> -> memref<128xi32, #tpu.memory_space<vmem>>
      %dma_start3A_220 = arith.constant 0 : i32
      %dma_start3A_221 = arith.constant 0 : i32
      %dma_start3A_222 = tpu.memref_slice %arg2[%dma_start3A_220, %dma_start3A_221] : memref<50176x64xf32, #tpu.memory_space<hbm>> -> memref<50176x64xf32, #tpu.memory_space<hbm>>
      tpu.enqueue_indirect_dma source(%dma_start3A_222 : memref<50176x64xf32, #tpu.memory_space<hbm>>) target(%arg9 : memref<128x64xf32, #tpu.memory_space<vmem>>) offsets(%dma_start3A_219 : memref<128xi32, #tpu.memory_space<vmem>>) semaphore(%arg15 : memref<!tpu.dma_semaphore, #tpu.memory_space<semaphore_mem>>)
      %dma_wait3A_223 = arith.constant 1 : i32
      %dma_wait3A_224 = arith.constant 0 : i32
      %dma_wait3A_225 = tpu.memref_slice %arg7[%dma_wait3A_223, %dma_wait3A_224] : memref<2x128xi32, #tpu.memory_space<vmem>> -> memref<1x128xi32, #tpu.memory_space<vmem>>
      %dma_wait3A_226 = tpu.memref_squeeze %dma_wait3A_225 : memref<1x128xi32, #tpu.memory_space<vmem>> -> memref<128xi32, #tpu.memory_space<vmem>>
      %dma_wait3A_227 = arith.constant 0 : i32
      %dma_wait3A_228 = arith.constant 0 : i32
      %dma_wait3A_229 = tpu.memref_slice %arg5[%dma_wait3A_227, %dma_wait3A_228] : memref<25088x64xf32, #tpu.memory_space<vmem_shared>> -> memref<25088x64xf32, #tpu.memory_space<vmem_shared>>
      tpu.wait_indirect_dma semaphore(%arg19 : memref<!tpu.dma_semaphore, #tpu.memory_space<semaphore_mem>>) src(%arg10 : memref<128x64xf32, #tpu.memory_space<vmem>>) dst(%dma_wait3A_229 : memref<25088x64xf32, #tpu.memory_space<vmem_shared>>)
      %add3A_230 = arith.constant 2 : i32
      %add3A_231 = arith.addi %add3A_205, %add3A_230 : i32
      %dma_start3A_232 = arith.constant 0 : i32
      %dma_start3A_233 = arith.constant 0 : i32
      %dma_start3A_234 = tpu.memref_slice %arg3[%arg0, %arg1, %add3A_231, %dma_start3A_232, %dma_start3A_233] : memref<2x16x393x2x128xi32, #tpu.memory_space<hbm>> -> memref<1x1x1x2x128xi32, #tpu.memory_space<hbm>>
      %dma_start3A_235 = tpu.memref_squeeze %dma_start3A_234 : memref<1x1x1x2x128xi32, #tpu.memory_space<hbm>> -> memref<2x128xi32, #tpu.memory_space<hbm>>
      %dma_start3A_236 = arith.constant 0 : i32
      %dma_start3A_237 = arith.constant 0 : i32
      %dma_start3A_238 = tpu.memref_slice %arg3[%arg0, %arg1, %add3A_231, %dma_start3A_236, %dma_start3A_237] : memref<2x16x393x2x128xi32, #tpu.memory_space<hbm>> -> memref<1x1x1x2x128xi32, #tpu.memory_space<hbm>>
      %dma_start3A_239 = tpu.memref_squeeze %dma_start3A_238 : memref<1x1x1x2x128xi32, #tpu.memory_space<hbm>> -> memref<2x128xi32, #tpu.memory_space<hbm>>
      tpu.enqueue_dma source(%dma_start3A_239 : memref<2x128xi32, #tpu.memory_space<hbm>>) target(%arg7 : memref<2x128xi32, #tpu.memory_space<vmem>>) target_semaphore(%arg13 : memref<!tpu.dma_semaphore, #tpu.memory_space<semaphore_mem>>)
      %dma_wait3A_240 = arith.constant 0 : i32
      %dma_wait3A_241 = arith.constant 0 : i32
      %dma_wait3A_242 = tpu.memref_slice %arg8[%dma_wait3A_240, %dma_wait3A_241] : memref<2x128xi32, #tpu.memory_space<vmem>> -> memref<1x128xi32, #tpu.memory_space<vmem>>
      %dma_wait3A_243 = tpu.memref_squeeze %dma_wait3A_242 : memref<1x128xi32, #tpu.memory_space<vmem>> -> memref<128xi32, #tpu.memory_space<vmem>>
      %dma_wait3A_244 = arith.constant 0 : i32
      %dma_wait3A_245 = arith.constant 0 : i32
      %dma_wait3A_246 = tpu.memref_slice %arg2[%dma_wait3A_244, %dma_wait3A_245] : memref<50176x64xf32, #tpu.memory_space<hbm>> -> memref<50176x64xf32, #tpu.memory_space<hbm>>
      tpu.wait_indirect_dma semaphore(%arg17 : memref<!tpu.dma_semaphore, #tpu.memory_space<semaphore_mem>>) src(%dma_wait3A_246 : memref<50176x64xf32, #tpu.memory_space<hbm>>) dst(%arg11 : memref<128x64xf32, #tpu.memory_space<vmem>>)
      %dma_start3A_247 = arith.constant 1 : i32
      %dma_start3A_248 = arith.constant 0 : i32
      %dma_start3A_249 = tpu.memref_slice %arg8[%dma_start3A_247, %dma_start3A_248] : memref<2x128xi32, #tpu.memory_space<vmem>> -> memref<1x128xi32, #tpu.memory_space<vmem>>
      %dma_start3A_250 = tpu.memref_squeeze %dma_start3A_249 : memref<1x128xi32, #tpu.memory_space<vmem>> -> memref<128xi32, #tpu.memory_space<vmem>>
      %dma_start3A_251 = arith.constant 0 : i32
      %dma_start3A_252 = arith.constant 0 : i32
      %dma_start3A_253 = tpu.memref_slice %arg5[%dma_start3A_251, %dma_start3A_252] : memref<25088x64xf32, #tpu.memory_space<vmem_shared>> -> memref<25088x64xf32, #tpu.memory_space<vmem_shared>>
      tpu.enqueue_indirect_dma source(%arg11 : memref<128x64xf32, #tpu.memory_space<vmem>>) target(%dma_start3A_253 : memref<25088x64xf32, #tpu.memory_space<vmem_shared>>) offsets(%dma_start3A_250 : memref<128xi32, #tpu.memory_space<vmem>>) semaphore(%arg20 : memref<!tpu.dma_semaphore, #tpu.memory_space<semaphore_mem>>) {add = true}
      %mul3A_254 = arith.constant 3 : i32
      %mul3A_255 = arith.muli %scan3A_145, %mul3A_254 : i32
      %add3A_256 = arith.constant 1 : i32
      %add3A_257 = arith.addi %add3A_256, %mul3A_255 : i32
      %add3A_258 = arith.constant 2 : i32
      %add3A_259 = arith.addi %add3A_257, %add3A_258 : i32
      %add3A_260 = arith.constant 1 : i32
      %add3A_261 = arith.addi %add3A_259, %add3A_260 : i32
      %dma_wait3A_262 = arith.constant 0 : i32
      %dma_wait3A_263 = arith.constant 0 : i32
      %dma_wait3A_264 = tpu.memref_slice %arg3[%arg0, %arg1, %add3A_261, %dma_wait3A_262, %dma_wait3A_263] : memref<2x16x393x2x128xi32, #tpu.memory_space<hbm>> -> memref<1x1x1x2x128xi32, #tpu.memory_space<hbm>>
      %dma_wait3A_265 = tpu.memref_squeeze %dma_wait3A_264 : memref<1x1x1x2x128xi32, #tpu.memory_space<hbm>> -> memref<2x128xi32, #tpu.memory_space<hbm>>
      %dma_wait3A_266 = arith.constant 0 : i32
      %dma_wait3A_267 = arith.constant 0 : i32
      %dma_wait3A_268 = tpu.memref_slice %arg3[%arg0, %arg1, %add3A_261, %dma_wait3A_266, %dma_wait3A_267] : memref<2x16x393x2x128xi32, #tpu.memory_space<hbm>> -> memref<1x1x1x2x128xi32, #tpu.memory_space<hbm>>
      %dma_wait3A_269 = tpu.memref_squeeze %dma_wait3A_268 : memref<1x1x1x2x128xi32, #tpu.memory_space<hbm>> -> memref<2x128xi32, #tpu.memory_space<hbm>>
      tpu.wait_dma2 semaphore(%arg13 : memref<!tpu.dma_semaphore, #tpu.memory_space<semaphore_mem>>) src(%dma_wait3A_269 : memref<2x128xi32, #tpu.memory_space<hbm>>) dst(%arg7 : memref<2x128xi32, #tpu.memory_space<vmem>>)
      %dma_start3A_270 = arith.constant 0 : i32
      %dma_start3A_271 = arith.constant 0 : i32
      %dma_start3A_272 = tpu.memref_slice %arg7[%dma_start3A_270, %dma_start3A_271] : memref<2x128xi32, #tpu.memory_space<vmem>> -> memref<1x128xi32, #tpu.memory_space<vmem>>
      %dma_start3A_273 = tpu.memref_squeeze %dma_start3A_272 : memref<1x128xi32, #tpu.memory_space<vmem>> -> memref<128xi32, #tpu.memory_space<vmem>>
      %dma_start3A_274 = arith.constant 0 : i32
      %dma_start3A_275 = arith.constant 0 : i32
      %dma_start3A_276 = tpu.memref_slice %arg2[%dma_start3A_274, %dma_start3A_275] : memref<50176x64xf32, #tpu.memory_space<hbm>> -> memref<50176x64xf32, #tpu.memory_space<hbm>>
      tpu.enqueue_indirect_dma source(%dma_start3A_276 : memref<50176x64xf32, #tpu.memory_space<hbm>>) target(%arg10 : memref<128x64xf32, #tpu.memory_space<vmem>>) offsets(%dma_start3A_273 : memref<128xi32, #tpu.memory_space<vmem>>) semaphore(%arg16 : memref<!tpu.dma_semaphore, #tpu.memory_space<semaphore_mem>>)
      %dma_wait3A_277 = arith.constant 1 : i32
      %dma_wait3A_278 = arith.constant 0 : i32
      %dma_wait3A_279 = tpu.memref_slice %arg8[%dma_wait3A_277, %dma_wait3A_278] : memref<2x128xi32, #tpu.memory_space<vmem>> -> memref<1x128xi32, #tpu.memory_space<vmem>>
      %dma_wait3A_280 = tpu.memref_squeeze %dma_wait3A_279 : memref<1x128xi32, #tpu.memory_space<vmem>> -> memref<128xi32, #tpu.memory_space<vmem>>
      %dma_wait3A_281 = arith.constant 0 : i32
      %dma_wait3A_282 = arith.constant 0 : i32
      %dma_wait3A_283 = tpu.memref_slice %arg5[%dma_wait3A_281, %dma_wait3A_282] : memref<25088x64xf32, #tpu.memory_space<vmem_shared>> -> memref<25088x64xf32, #tpu.memory_space<vmem_shared>>
      tpu.wait_indirect_dma semaphore(%arg20 : memref<!tpu.dma_semaphore, #tpu.memory_space<semaphore_mem>>) src(%arg11 : memref<128x64xf32, #tpu.memory_space<vmem>>) dst(%dma_wait3A_283 : memref<25088x64xf32, #tpu.memory_space<vmem_shared>>)
      %add3A_284 = arith.constant 2 : i32
      %add3A_285 = arith.addi %add3A_259, %add3A_284 : i32
      %dma_start3A_286 = arith.constant 0 : i32
      %dma_start3A_287 = arith.constant 0 : i32
      %dma_start3A_288 = tpu.memref_slice %arg3[%arg0, %arg1, %add3A_285, %dma_start3A_286, %dma_start3A_287] : memref<2x16x393x2x128xi32, #tpu.memory_space<hbm>> -> memref<1x1x1x2x128xi32, #tpu.memory_space<hbm>>
      %dma_start3A_289 = tpu.memref_squeeze %dma_start3A_288 : memref<1x1x1x2x128xi32, #tpu.memory_space<hbm>> -> memref<2x128xi32, #tpu.memory_space<hbm>>
      %dma_start3A_290 = arith.constant 0 : i32
      %dma_start3A_291 = arith.constant 0 : i32
      %dma_start3A_292 = tpu.memref_slice %arg3[%arg0, %arg1, %add3A_285, %dma_start3A_290, %dma_start3A_291] : memref<2x16x393x2x128xi32, #tpu.memory_space<hbm>> -> memref<1x1x1x2x128xi32, #tpu.memory_space<hbm>>
      %dma_start3A_293 = tpu.memref_squeeze %dma_start3A_292 : memref<1x1x1x2x128xi32, #tpu.memory_space<hbm>> -> memref<2x128xi32, #tpu.memory_space<hbm>>
      tpu.enqueue_dma source(%dma_start3A_293 : memref<2x128xi32, #tpu.memory_space<hbm>>) target(%arg8 : memref<2x128xi32, #tpu.memory_space<vmem>>) target_semaphore(%arg14 : memref<!tpu.dma_semaphore, #tpu.memory_space<semaphore_mem>>)
      %dma_wait3A_294 = arith.constant 0 : i32
      %dma_wait3A_295 = arith.constant 0 : i32
      %dma_wait3A_296 = tpu.memref_slice %arg6[%dma_wait3A_294, %dma_wait3A_295] : memref<2x128xi32, #tpu.memory_space<vmem>> -> memref<1x128xi32, #tpu.memory_space<vmem>>
      %dma_wait3A_297 = tpu.memref_squeeze %dma_wait3A_296 : memref<1x128xi32, #tpu.memory_space<vmem>> -> memref<128xi32, #tpu.memory_space<vmem>>
      %dma_wait3A_298 = arith.constant 0 : i32
      %dma_wait3A_299 = arith.constant 0 : i32
      %dma_wait3A_300 = tpu.memref_slice %arg2[%dma_wait3A_298, %dma_wait3A_299] : memref<50176x64xf32, #tpu.memory_space<hbm>> -> memref<50176x64xf32, #tpu.memory_space<hbm>>
      tpu.wait_indirect_dma semaphore(%arg15 : memref<!tpu.dma_semaphore, #tpu.memory_space<semaphore_mem>>) src(%dma_wait3A_300 : memref<50176x64xf32, #tpu.memory_space<hbm>>) dst(%arg9 : memref<128x64xf32, #tpu.memory_space<vmem>>)
      %dma_start3A_301 = arith.constant 1 : i32
      %dma_start3A_302 = arith.constant 0 : i32
      %dma_start3A_303 = tpu.memref_slice %arg6[%dma_start3A_301, %dma_start3A_302] : memref<2x128xi32, #tpu.memory_space<vmem>> -> memref<1x128xi32, #tpu.memory_space<vmem>>
      %dma_start3A_304 = tpu.memref_squeeze %dma_start3A_303 : memref<1x128xi32, #tpu.memory_space<vmem>> -> memref<128xi32, #tpu.memory_space<vmem>>
      %dma_start3A_305 = arith.constant 0 : i32
      %dma_start3A_306 = arith.constant 0 : i32
      %dma_start3A_307 = tpu.memref_slice %arg5[%dma_start3A_305, %dma_start3A_306] : memref<25088x64xf32, #tpu.memory_space<vmem_shared>> -> memref<25088x64xf32, #tpu.memory_space<vmem_shared>>
      tpu.enqueue_indirect_dma source(%arg9 : memref<128x64xf32, #tpu.memory_space<vmem>>) target(%dma_start3A_307 : memref<25088x64xf32, #tpu.memory_space<vmem_shared>>) offsets(%dma_start3A_304 : memref<128xi32, #tpu.memory_space<vmem>>) semaphore(%arg18 : memref<!tpu.dma_semaphore, #tpu.memory_space<semaphore_mem>>) {add = true}
    }
    %scan3A_78 = arith.constant 130 : i32
    %dma_wait3A_79 = arith.constant 392 : i32
    %dma_wait3A_80 = arith.constant 0 : i32
    %dma_wait3A_81 = arith.constant 0 : i32
    %dma_wait3A_82 = tpu.memref_slice %arg3[%arg0, %arg1, %dma_wait3A_79, %dma_wait3A_80, %dma_wait3A_81] : memref<2x16x393x2x128xi32, #tpu.memory_space<hbm>> -> memref<1x1x1x2x128xi32, #tpu.memory_space<hbm>>
    %dma_wait3A_83 = tpu.memref_squeeze %dma_wait3A_82 : memref<1x1x1x2x128xi32, #tpu.memory_space<hbm>> -> memref<2x128xi32, #tpu.memory_space<hbm>>
    %dma_wait3A_84 = arith.constant 0 : i32
    %dma_wait3A_85 = arith.constant 0 : i32
    %dma_wait3A_86 = tpu.memref_slice %arg3[%arg0, %arg1, %dma_wait3A_79, %dma_wait3A_84, %dma_wait3A_85] : memref<2x16x393x2x128xi32, #tpu.memory_space<hbm>> -> memref<1x1x1x2x128xi32, #tpu.memory_space<hbm>>
    %dma_wait3A_87 = tpu.memref_squeeze %dma_wait3A_86 : memref<1x1x1x2x128xi32, #tpu.memory_space<hbm>> -> memref<2x128xi32, #tpu.memory_space<hbm>>
    tpu.wait_dma2 semaphore(%arg14 : memref<!tpu.dma_semaphore, #tpu.memory_space<semaphore_mem>>) src(%dma_wait3A_87 : memref<2x128xi32, #tpu.memory_space<hbm>>) dst(%arg8 : memref<2x128xi32, #tpu.memory_space<vmem>>)
    %dma_start3A_88 = arith.constant 0 : i32
    %dma_start3A_89 = arith.constant 0 : i32
    %dma_start3A_90 = tpu.memref_slice %arg8[%dma_start3A_88, %dma_start3A_89] : memref<2x128xi32, #tpu.memory_space<vmem>> -> memref<1x128xi32, #tpu.memory_space<vmem>>
    %dma_start3A_91 = tpu.memref_squeeze %dma_start3A_90 : memref<1x128xi32, #tpu.memory_space<vmem>> -> memref<128xi32, #tpu.memory_space<vmem>>
    %dma_start3A_92 = arith.constant 0 : i32
    %dma_start3A_93 = arith.constant 0 : i32
    %dma_start3A_94 = tpu.memref_slice %arg2[%dma_start3A_92, %dma_start3A_93] : memref<50176x64xf32, #tpu.memory_space<hbm>> -> memref<50176x64xf32, #tpu.memory_space<hbm>>
    tpu.enqueue_indirect_dma source(%dma_start3A_94 : memref<50176x64xf32, #tpu.memory_space<hbm>>) target(%arg11 : memref<128x64xf32, #tpu.memory_space<vmem>>) offsets(%dma_start3A_91 : memref<128xi32, #tpu.memory_space<vmem>>) semaphore(%arg17 : memref<!tpu.dma_semaphore, #tpu.memory_space<semaphore_mem>>)
    %dma_wait3A_95 = arith.constant 1 : i32
    %dma_wait3A_96 = arith.constant 0 : i32
    %dma_wait3A_97 = tpu.memref_slice %arg6[%dma_wait3A_95, %dma_wait3A_96] : memref<2x128xi32, #tpu.memory_space<vmem>> -> memref<1x128xi32, #tpu.memory_space<vmem>>
    %dma_wait3A_98 = tpu.memref_squeeze %dma_wait3A_97 : memref<1x128xi32, #tpu.memory_space<vmem>> -> memref<128xi32, #tpu.memory_space<vmem>>
    %dma_wait3A_99 = arith.constant 0 : i32
    %dma_wait3A_100 = arith.constant 0 : i32
    %dma_wait3A_101 = tpu.memref_slice %arg5[%dma_wait3A_99, %dma_wait3A_100] : memref<25088x64xf32, #tpu.memory_space<vmem_shared>> -> memref<25088x64xf32, #tpu.memory_space<vmem_shared>>
    tpu.wait_indirect_dma semaphore(%arg18 : memref<!tpu.dma_semaphore, #tpu.memory_space<semaphore_mem>>) src(%arg9 : memref<128x64xf32, #tpu.memory_space<vmem>>) dst(%dma_wait3A_101 : memref<25088x64xf32, #tpu.memory_space<vmem_shared>>)
    %dma_wait3A_102 = arith.constant 0 : i32
    %dma_wait3A_103 = arith.constant 0 : i32
    %dma_wait3A_104 = tpu.memref_slice %arg7[%dma_wait3A_102, %dma_wait3A_103] : memref<2x128xi32, #tpu.memory_space<vmem>> -> memref<1x128xi32, #tpu.memory_space<vmem>>
    %dma_wait3A_105 = tpu.memref_squeeze %dma_wait3A_104 : memref<1x128xi32, #tpu.memory_space<vmem>> -> memref<128xi32, #tpu.memory_space<vmem>>
    %dma_wait3A_106 = arith.constant 0 : i32
    %dma_wait3A_107 = arith.constant 0 : i32
    %dma_wait3A_108 = tpu.memref_slice %arg2[%dma_wait3A_106, %dma_wait3A_107] : memref<50176x64xf32, #tpu.memory_space<hbm>> -> memref<50176x64xf32, #tpu.memory_space<hbm>>
    tpu.wait_indirect_dma semaphore(%arg16 : memref<!tpu.dma_semaphore, #tpu.memory_space<semaphore_mem>>) src(%dma_wait3A_108 : memref<50176x64xf32, #tpu.memory_space<hbm>>) dst(%arg10 : memref<128x64xf32, #tpu.memory_space<vmem>>)
    %dma_start3A_109 = arith.constant 1 : i32
    %dma_start3A_110 = arith.constant 0 : i32
    %dma_start3A_111 = tpu.memref_slice %arg7[%dma_start3A_109, %dma_start3A_110] : memref<2x128xi32, #tpu.memory_space<vmem>> -> memref<1x128xi32, #tpu.memory_space<vmem>>
    %dma_start3A_112 = tpu.memref_squeeze %dma_start3A_111 : memref<1x128xi32, #tpu.memory_space<vmem>> -> memref<128xi32, #tpu.memory_space<vmem>>
    %dma_start3A_113 = arith.constant 0 : i32
    %dma_start3A_114 = arith.constant 0 : i32
    %dma_start3A_115 = tpu.memref_slice %arg5[%dma_start3A_113, %dma_start3A_114] : memref<25088x64xf32, #tpu.memory_space<vmem_shared>> -> memref<25088x64xf32, #tpu.memory_space<vmem_shared>>
    tpu.enqueue_indirect_dma source(%arg10 : memref<128x64xf32, #tpu.memory_space<vmem>>) target(%dma_start3A_115 : memref<25088x64xf32, #tpu.memory_space<vmem_shared>>) offsets(%dma_start3A_112 : memref<128xi32, #tpu.memory_space<vmem>>) semaphore(%arg19 : memref<!tpu.dma_semaphore, #tpu.memory_space<semaphore_mem>>) {add = true}
    %dma_wait3A_116 = arith.constant 1 : i32
    %dma_wait3A_117 = arith.constant 0 : i32
    %dma_wait3A_118 = tpu.memref_slice %arg7[%dma_wait3A_116, %dma_wait3A_117] : memref<2x128xi32, #tpu.memory_space<vmem>> -> memref<1x128xi32, #tpu.memory_space<vmem>>
    %dma_wait3A_119 = tpu.memref_squeeze %dma_wait3A_118 : memref<1x128xi32, #tpu.memory_space<vmem>> -> memref<128xi32, #tpu.memory_space<vmem>>
    %dma_wait3A_120 = arith.constant 0 : i32
    %dma_wait3A_121 = arith.constant 0 : i32
    %dma_wait3A_122 = tpu.memref_slice %arg5[%dma_wait3A_120, %dma_wait3A_121] : memref<25088x64xf32, #tpu.memory_space<vmem_shared>> -> memref<25088x64xf32, #tpu.memory_space<vmem_shared>>
    tpu.wait_indirect_dma semaphore(%arg19 : memref<!tpu.dma_semaphore, #tpu.memory_space<semaphore_mem>>) src(%arg10 : memref<128x64xf32, #tpu.memory_space<vmem>>) dst(%dma_wait3A_122 : memref<25088x64xf32, #tpu.memory_space<vmem_shared>>)
    %dma_wait3A_123 = arith.constant 0 : i32
    %dma_wait3A_124 = arith.constant 0 : i32
    %dma_wait3A_125 = tpu.memref_slice %arg8[%dma_wait3A_123, %dma_wait3A_124] : memref<2x128xi32, #tpu.memory_space<vmem>> -> memref<1x128xi32, #tpu.memory_space<vmem>>
    %dma_wait3A_126 = tpu.memref_squeeze %dma_wait3A_125 : memref<1x128xi32, #tpu.memory_space<vmem>> -> memref<128xi32, #tpu.memory_space<vmem>>
    %dma_wait3A_127 = arith.constant 0 : i32
    %dma_wait3A_128 = arith.constant 0 : i32
    %dma_wait3A_129 = tpu.memref_slice %arg2[%dma_wait3A_127, %dma_wait3A_128] : memref<50176x64xf32, #tpu.memory_space<hbm>> -> memref<50176x64xf32, #tpu.memory_space<hbm>>
    tpu.wait_indirect_dma semaphore(%arg17 : memref<!tpu.dma_semaphore, #tpu.memory_space<semaphore_mem>>) src(%dma_wait3A_129 : memref<50176x64xf32, #tpu.memory_space<hbm>>) dst(%arg11 : memref<128x64xf32, #tpu.memory_space<vmem>>)
    %dma_start3A_130 = arith.constant 1 : i32
    %dma_start3A_131 = arith.constant 0 : i32
    %dma_start3A_132 = tpu.memref_slice %arg8[%dma_start3A_130, %dma_start3A_131] : memref<2x128xi32, #tpu.memory_space<vmem>> -> memref<1x128xi32, #tpu.memory_space<vmem>>
    %dma_start3A_133 = tpu.memref_squeeze %dma_start3A_132 : memref<1x128xi32, #tpu.memory_space<vmem>> -> memref<128xi32, #tpu.memory_space<vmem>>
    %dma_start3A_134 = arith.constant 0 : i32
    %dma_start3A_135 = arith.constant 0 : i32
    %dma_start3A_136 = tpu.memref_slice %arg5[%dma_start3A_134, %dma_start3A_135] : memref<25088x64xf32, #tpu.memory_space<vmem_shared>> -> memref<25088x64xf32, #tpu.memory_space<vmem_shared>>
    tpu.enqueue_indirect_dma source(%arg11 : memref<128x64xf32, #tpu.memory_space<vmem>>) target(%dma_start3A_136 : memref<25088x64xf32, #tpu.memory_space<vmem_shared>>) offsets(%dma_start3A_133 : memref<128xi32, #tpu.memory_space<vmem>>) semaphore(%arg20 : memref<!tpu.dma_semaphore, #tpu.memory_space<semaphore_mem>>) {add = true}
    %dma_wait3A_137 = arith.constant 1 : i32
    %dma_wait3A_138 = arith.constant 0 : i32
    %dma_wait3A_139 = tpu.memref_slice %arg8[%dma_wait3A_137, %dma_wait3A_138] : memref<2x128xi32, #tpu.memory_space<vmem>> -> memref<1x128xi32, #tpu.memory_space<vmem>>
    %dma_wait3A_140 = tpu.memref_squeeze %dma_wait3A_139 : memref<1x128xi32, #tpu.memory_space<vmem>> -> memref<128xi32, #tpu.memory_space<vmem>>
    %dma_wait3A_141 = arith.constant 0 : i32
    %dma_wait3A_142 = arith.constant 0 : i32
    %dma_wait3A_143 = tpu.memref_slice %arg5[%dma_wait3A_141, %dma_wait3A_142] : memref<25088x64xf32, #tpu.memory_space<vmem_shared>> -> memref<25088x64xf32, #tpu.memory_space<vmem_shared>>
    tpu.wait_indirect_dma semaphore(%arg20 : memref<!tpu.dma_semaphore, #tpu.memory_space<semaphore_mem>>) src(%arg11 : memref<128x64xf32, #tpu.memory_space<vmem>>) dst(%dma_wait3A_143 : memref<25088x64xf32, #tpu.memory_space<vmem_shared>>)
    %barrier3A_144 = arith.constant 0 : index
    tpu.barrier barrier_id(%barrier3A_144)
    "tpu.region"() ({
      %run_scoped3A = tpu.sem_alloc : memref<!tpu.dma_semaphore, #tpu.memory_space<semaphore_mem>>
      %dma_start3A_145 = arith.constant 0 : i32
      %dma_start3A_146 = tpu.memref_slice %arg4[%add3A, %dma_start3A_145] : memref<50176x64xf32, #tpu.memory_space<hbm>> -> memref<1568x64xf32, #tpu.memory_space<hbm>>
      %dma_start3A_147 = arith.constant 0 : i32
      %dma_start3A_148 = tpu.memref_slice %arg5[%mul3A_0, %dma_start3A_147] : memref<25088x64xf32, #tpu.memory_space<vmem_shared>> -> memref<1568x64xf32, #tpu.memory_space<vmem_shared>>
      tpu.enqueue_dma source(%dma_start3A_148 : memref<1568x64xf32, #tpu.memory_space<vmem_shared>>) target(%dma_start3A_146 : memref<1568x64xf32, #tpu.memory_space<hbm>>) target_semaphore(%run_scoped3A : memref<!tpu.dma_semaphore, #tpu.memory_space<semaphore_mem>>)
      %dma_wait3A_149 = arith.constant 0 : i32
      %dma_wait3A_150 = tpu.memref_slice %arg4[%add3A, %dma_wait3A_149] : memref<50176x64xf32, #tpu.memory_space<hbm>> -> memref<1568x64xf32, #tpu.memory_space<hbm>>
      %dma_wait3A_151 = arith.constant 0 : i32
      %dma_wait3A_152 = tpu.memref_slice %arg5[%mul3A_0, %dma_wait3A_151] : memref<25088x64xf32, #tpu.memory_space<vmem_shared>> -> memref<1568x64xf32, #tpu.memory_space<vmem_shared>>
      tpu.wait_dma2 semaphore(%run_scoped3A : memref<!tpu.dma_semaphore, #tpu.memory_space<semaphore_mem>>) src(%dma_wait3A_152 : memref<1568x64xf32, #tpu.memory_space<vmem_shared>>) dst(%dma_wait3A_150 : memref<1568x64xf32, #tpu.memory_space<hbm>>)
      tpu.yield
    }) : () -> ()
    return
  }
}

module attributes {stable_mosaic.version = 14 : i64} {
  func.func @_pre_body(%arg0: i32, %arg1: memref<3136x1xf32, #tpu.memory_space<vmem>>, %arg2: memref<3136x64xf32, #tpu.memory_space<vmem>>, %arg3: memref<3136x1xf32, #tpu.memory_space<vmem>>, %arg4: memref<3136x64xf32, #tpu.memory_space<vmem>>) attributes {dimension_semantics = [#tpu.dimension_semantics<arbitrary>], iteration_bounds = array<i64: 16>, scalar_prefetch = 0 : i64, scratch_operands = 0 : i64, tpu.core_type = #tpu.core_type<tc>, window_params = [{transform_indices = @transform_0, window_bounds = array<i64: 3136, 1>}, {transform_indices = @transform_1, window_bounds = array<i64: 3136, 64>}, {transform_indices = @transform_2, window_bounds = array<i64: 3136, 1>}, {transform_indices = @transform_3, window_bounds = array<i64: 3136, 64>}]} {
    %get3A = arith.constant 0 : index
    %get3A_0 = arith.constant 0 : index
    %get3A_1 = vector.load %arg1[%get3A, %get3A_0] : memref<3136x1xf32, #tpu.memory_space<vmem>>, vector<3136x1xf32>
    %max3A = arith.constant 1.000000e+00 : f32
    %max3A_2 = vector.broadcast %max3A : f32 to vector<3136x1xf32>
    %max3A_3 = arith.maximumf %get3A_1, %max3A_2 : vector<3136x1xf32>
    %rsqrt3A = math.rsqrt %max3A_3 : vector<3136x1xf32>
    %swap3A = arith.constant 0 : index
    %swap3A_4 = arith.constant 0 : index
    %swap3A_5 = vector.load %arg3[%swap3A, %swap3A_4] : memref<3136x1xf32, #tpu.memory_space<vmem>>, vector<3136x1xf32>
    tpu.vector_store %arg3[%swap3A, %swap3A_4], %rsqrt3A {strides = array<i32>} : memref<3136x1xf32, #tpu.memory_space<vmem>>, vector<3136x1xf32>,
    %get3A_6 = arith.constant 0 : index
    %get3A_7 = arith.constant 0 : index
    %get3A_8 = vector.load %arg2[%get3A_6, %get3A_7] : memref<3136x64xf32, #tpu.memory_space<vmem>>, vector<3136x64xf32>
    %mul3A = vector.broadcast %rsqrt3A : vector<3136x1xf32> to vector<3136x64xf32>
    %mul3A_9 = arith.mulf %get3A_8, %mul3A : vector<3136x64xf32>
    %swap3A_10 = arith.constant 0 : index
    %swap3A_11 = arith.constant 0 : index
    %swap3A_12 = vector.load %arg4[%swap3A_10, %swap3A_11] : memref<3136x64xf32, #tpu.memory_space<vmem>>, vector<3136x64xf32>
    tpu.vector_store %arg4[%swap3A_10, %swap3A_11], %mul3A_9 {strides = array<i32>} : memref<3136x64xf32, #tpu.memory_space<vmem>>, vector<3136x64xf32>,
    return
  }
  func.func @transform_0(%arg0: i32) -> (i32, i32) {
    %c0_i32 = arith.constant 0 : i32
    %c0_i32_0 = arith.constant 0 : i32
    return %arg0, %c0_i32 : i32, i32
  }
  func.func @transform_1(%arg0: i32) -> (i32, i32) {
    %c0_i32 = arith.constant 0 : i32
    %c0_i32_0 = arith.constant 0 : i32
    return %arg0, %c0_i32 : i32, i32
  }
  func.func @transform_2(%arg0: i32) -> (i32, i32) {
    %c0_i32 = arith.constant 0 : i32
    %c0_i32_0 = arith.constant 0 : i32
    return %arg0, %c0_i32 : i32, i32
  }
  func.func @transform_3(%arg0: i32) -> (i32, i32) {
    %c0_i32 = arith.constant 0 : i32
    %c0_i32_0 = arith.constant 0 : i32
    return %arg0, %c0_i32 : i32, i32
  }
}

module attributes {stable_mosaic.version = 14 : i64} {
  func.func @_dense_body(%arg0: i32, %arg1: memref<3136x64xf32, #tpu.memory_space<vmem>>, %arg2: memref<3136x64xf32, #tpu.memory_space<vmem>>, %arg3: memref<3136x1xf32, #tpu.memory_space<vmem>>, %arg4: memref<3136x64xf32, #tpu.memory_space<vmem>>, %arg5: memref<64x64xf32, #tpu.memory_space<vmem>>, %arg6: memref<1x64xf32, #tpu.memory_space<vmem>>, %arg7: memref<64x64xf32, #tpu.memory_space<vmem>>, %arg8: memref<1x64xf32, #tpu.memory_space<vmem>>, %arg9: memref<3136x64xf32, #tpu.memory_space<vmem>>, %arg10: memref<3136x64xf32, #tpu.memory_space<vmem>>, %arg11: memref<3136x64xf32, #tpu.memory_space<vmem>>) attributes {dimension_semantics = [#tpu.dimension_semantics<arbitrary>], iteration_bounds = array<i64: 16>, scalar_prefetch = 0 : i64, scratch_operands = 0 : i64, tpu.core_type = #tpu.core_type<tc>, window_params = [{transform_indices = @transform_0, window_bounds = array<i64: 3136, 64>}, {transform_indices = @transform_1, window_bounds = array<i64: 3136, 64>}, {transform_indices = @transform_2, window_bounds = array<i64: 3136, 1>}, {transform_indices = @transform_3, window_bounds = array<i64: 3136, 64>}, {pipeline_mode = #tpu.pipeline_mode<synchronous>, transform_indices = @transform_4, window_bounds = array<i64: 64, 64>}, {pipeline_mode = #tpu.pipeline_mode<synchronous>, transform_indices = @transform_5, window_bounds = array<i64: 1, 64>}, {pipeline_mode = #tpu.pipeline_mode<synchronous>, transform_indices = @transform_6, window_bounds = array<i64: 64, 64>}, {pipeline_mode = #tpu.pipeline_mode<synchronous>, transform_indices = @transform_7, window_bounds = array<i64: 1, 64>}, {transform_indices = @transform_8, window_bounds = array<i64: 3136, 64>}, {transform_indices = @transform_9, window_bounds = array<i64: 3136, 64>}, {transform_indices = @transform_10, window_bounds = array<i64: 3136, 64>}]} {
    %get3A = arith.constant 0 : index
    %get3A_0 = arith.constant 0 : index
    %get3A_1 = vector.load %arg3[%get3A, %get3A_0] : memref<3136x1xf32, #tpu.memory_space<vmem>>, vector<3136x1xf32>
    %get3A_2 = arith.constant 0 : index
    %get3A_3 = arith.constant 0 : index
    %get3A_4 = vector.load %arg1[%get3A_2, %get3A_3] : memref<3136x64xf32, #tpu.memory_space<vmem>>, vector<3136x64xf32>
    %mul3A = vector.broadcast %get3A_1 : vector<3136x1xf32> to vector<3136x64xf32>
    %mul3A_5 = arith.mulf %get3A_4, %mul3A : vector<3136x64xf32>
    %get3A_6 = arith.constant 0 : index
    %get3A_7 = arith.constant 0 : index
    %get3A_8 = vector.load %arg2[%get3A_6, %get3A_7] : memref<3136x64xf32, #tpu.memory_space<vmem>>, vector<3136x64xf32>
    %get3A_9 = arith.constant 0 : index
    %get3A_10 = arith.constant 0 : index
    %get3A_11 = vector.load %arg5[%get3A_9, %get3A_10] : memref<64x64xf32, #tpu.memory_space<vmem>>, vector<64x64xf32>
    %dot_general3A = arith.constant dense<0.000000e+00> : vector<3136x64xf32>
    %dot_general3A_12 = tpu.matmul %mul3A_5, %get3A_11, %dot_general3A {dimension_numbers = #tpu.dot_dimension_numbers<[1], [0], [0], [1], [0, 0, 1, 1], [], []>, transpose_lhs_hint = false} : vector<3136x64xf32>, vector<64x64xf32>, vector<3136x64xf32> -> vector<3136x64xf32>
    %get3A_13 = arith.constant 0 : index
    %get3A_14 = arith.constant 0 : index
    %get3A_15 = vector.load %arg6[%get3A_13, %get3A_14] : memref<1x64xf32, #tpu.memory_space<vmem>>, vector<1x64xf32>
    %add3A = vector.broadcast %get3A_15 : vector<1x64xf32> to vector<3136x64xf32>
    %add3A_16 = arith.addf %dot_general3A_12, %add3A : vector<3136x64xf32>
    %ge3A = arith.constant 0.000000e+00 : f32
    %ge3A_17 = vector.broadcast %ge3A : f32 to vector<3136x64xf32>
    %ge3A_18 = arith.cmpf oge, %add3A_16, %ge3A_17 : vector<3136x64xf32>
    %mul3A_19 = arith.constant 2.000000e-01 : f32
    %mul3A_20 = vector.broadcast %mul3A_19 : f32 to vector<3136x64xf32>
    %mul3A_21 = arith.mulf %mul3A_20, %add3A_16 : vector<3136x64xf32>
    %select_n3A = arith.select %ge3A_18, %add3A_16, %mul3A_21 : vector<3136x64xi1>, vector<3136x64xf32>
    %mul3A_22 = arith.mulf %get3A_8, %mul3A_5 : vector<3136x64xf32>
    %get3A_23 = arith.constant 0 : index
    %get3A_24 = arith.constant 0 : index
    %get3A_25 = vector.load %arg7[%get3A_23, %get3A_24] : memref<64x64xf32, #tpu.memory_space<vmem>>, vector<64x64xf32>
    %dot_general3A_26 = arith.constant dense<0.000000e+00> : vector<3136x64xf32>
    %dot_general3A_27 = tpu.matmul %mul3A_22, %get3A_25, %dot_general3A_26 {dimension_numbers = #tpu.dot_dimension_numbers<[1], [0], [0], [1], [0, 0, 1, 1], [], []>, transpose_lhs_hint = false} : vector<3136x64xf32>, vector<64x64xf32>, vector<3136x64xf32> -> vector<3136x64xf32>
    %get3A_28 = arith.constant 0 : index
    %get3A_29 = arith.constant 0 : index
    %get3A_30 = vector.load %arg8[%get3A_28, %get3A_29] : memref<1x64xf32, #tpu.memory_space<vmem>>, vector<1x64xf32>
    %add3A_31 = vector.broadcast %get3A_30 : vector<1x64xf32> to vector<3136x64xf32>
    %add3A_32 = arith.addf %dot_general3A_27, %add3A_31 : vector<3136x64xf32>
    %ge3A_33 = arith.constant 0.000000e+00 : f32
    %ge3A_34 = vector.broadcast %ge3A_33 : f32 to vector<3136x64xf32>
    %ge3A_35 = arith.cmpf oge, %add3A_32, %ge3A_34 : vector<3136x64xf32>
    %mul3A_36 = arith.constant 2.000000e-01 : f32
    %mul3A_37 = vector.broadcast %mul3A_36 : f32 to vector<3136x64xf32>
    %mul3A_38 = arith.mulf %mul3A_37, %add3A_32 : vector<3136x64xf32>
    %select_n3A_39 = arith.select %ge3A_35, %add3A_32, %mul3A_38 : vector<3136x64xi1>, vector<3136x64xf32>
    %add3A_40 = arith.addf %select_n3A, %select_n3A_39 : vector<3136x64xf32>
    %mul3A_41 = arith.mulf %add3A_40, %add3A_40 : vector<3136x64xf32>
    %reduce_sum3A = arith.constant dense<0.000000e+00> : vector<3136xf32>
    %reduce_sum3A_42 = vector.multi_reduction <add>, %mul3A_41, %reduce_sum3A [1] : vector<3136x64xf32> to vector<3136xf32>
    %broadcast_in_dim3A = vector.shape_cast %reduce_sum3A_42 : vector<3136xf32> to vector<3136x1xf32>
    %sqrt3A = math.sqrt %broadcast_in_dim3A : vector<3136x1xf32>
    %max3A = arith.constant 9.99999996E-13 : f32
    %max3A_43 = vector.broadcast %max3A : f32 to vector<3136x1xf32>
    %max3A_44 = arith.maximumf %sqrt3A, %max3A_43 : vector<3136x1xf32>
    %div3A = vector.broadcast %max3A_44 : vector<3136x1xf32> to vector<3136x64xf32>
    %div3A_45 = arith.divf %add3A_40, %div3A : vector<3136x64xf32>
    %swap3A = arith.constant 0 : index
    %swap3A_46 = arith.constant 0 : index
    %swap3A_47 = vector.load %arg9[%swap3A, %swap3A_46] : memref<3136x64xf32, #tpu.memory_space<vmem>>, vector<3136x64xf32>
    tpu.vector_store %arg9[%swap3A, %swap3A_46], %div3A_45 {strides = array<i32>} : memref<3136x64xf32, #tpu.memory_space<vmem>>, vector<3136x64xf32>,
    %mul3A_48 = vector.broadcast %get3A_1 : vector<3136x1xf32> to vector<3136x64xf32>
    %mul3A_49 = arith.mulf %div3A_45, %mul3A_48 : vector<3136x64xf32>
    %swap3A_50 = arith.constant 0 : index
    %swap3A_51 = arith.constant 0 : index
    %swap3A_52 = vector.load %arg10[%swap3A_50, %swap3A_51] : memref<3136x64xf32, #tpu.memory_space<vmem>>, vector<3136x64xf32>
    tpu.vector_store %arg10[%swap3A_50, %swap3A_51], %mul3A_49 {strides = array<i32>} : memref<3136x64xf32, #tpu.memory_space<vmem>>, vector<3136x64xf32>,
    %get3A_53 = arith.constant 0 : index
    %get3A_54 = arith.constant 0 : index
    %get3A_55 = vector.load %arg4[%get3A_53, %get3A_54] : memref<3136x64xf32, #tpu.memory_space<vmem>>, vector<3136x64xf32>
    %add3A_56 = arith.addf %get3A_55, %div3A_45 : vector<3136x64xf32>
    %swap3A_57 = arith.constant 0 : index
    %swap3A_58 = arith.constant 0 : index
    %swap3A_59 = vector.load %arg11[%swap3A_57, %swap3A_58] : memref<3136x64xf32, #tpu.memory_space<vmem>>, vector<3136x64xf32>
    tpu.vector_store %arg11[%swap3A_57, %swap3A_58], %add3A_56 {strides = array<i32>} : memref<3136x64xf32, #tpu.memory_space<vmem>>, vector<3136x64xf32>,
    return
  }
  func.func @transform_0(%arg0: i32) -> (i32, i32) {
    %c0_i32 = arith.constant 0 : i32
    %c0_i32_0 = arith.constant 0 : i32
    return %arg0, %c0_i32 : i32, i32
  }
  func.func @transform_1(%arg0: i32) -> (i32, i32) {
    %c0_i32 = arith.constant 0 : i32
    %c0_i32_0 = arith.constant 0 : i32
    return %arg0, %c0_i32 : i32, i32
  }
  func.func @transform_2(%arg0: i32) -> (i32, i32) {
    %c0_i32 = arith.constant 0 : i32
    %c0_i32_0 = arith.constant 0 : i32
    return %arg0, %c0_i32 : i32, i32
  }
  func.func @transform_3(%arg0: i32) -> (i32, i32) {
    %c0_i32 = arith.constant 0 : i32
    %c0_i32_0 = arith.constant 0 : i32
    return %arg0, %c0_i32 : i32, i32
  }
  func.func @transform_4(%arg0: i32) -> (i32, i32) {
    %c0_i32 = arith.constant 0 : i32
    %c0_i32_0 = arith.constant 0 : i32
    %c0_i32_1 = arith.constant 0 : i32
    return %c0_i32, %c0_i32_0 : i32, i32
  }
  func.func @transform_5(%arg0: i32) -> (i32, i32) {
    %c0_i32 = arith.constant 0 : i32
    %c0_i32_0 = arith.constant 0 : i32
    %c0_i32_1 = arith.constant 0 : i32
    return %c0_i32, %c0_i32_0 : i32, i32
  }
  func.func @transform_6(%arg0: i32) -> (i32, i32) {
    %c0_i32 = arith.constant 0 : i32
    %c0_i32_0 = arith.constant 0 : i32
    %c0_i32_1 = arith.constant 0 : i32
    return %c0_i32, %c0_i32_0 : i32, i32
  }
  func.func @transform_7(%arg0: i32) -> (i32, i32) {
    %c0_i32 = arith.constant 0 : i32
    %c0_i32_0 = arith.constant 0 : i32
    %c0_i32_1 = arith.constant 0 : i32
    return %c0_i32, %c0_i32_0 : i32, i32
  }
  func.func @transform_8(%arg0: i32) -> (i32, i32) {
    %c0_i32 = arith.constant 0 : i32
    %c0_i32_0 = arith.constant 0 : i32
    return %arg0, %c0_i32 : i32, i32
  }
  func.func @transform_9(%arg0: i32) -> (i32, i32) {
    %c0_i32 = arith.constant 0 : i32
    %c0_i32_0 = arith.constant 0 : i32
    return %arg0, %c0_i32 : i32, i32
  }
  func.func @transform_10(%arg0: i32) -> (i32, i32) {
    %c0_i32 = arith.constant 0 : i32
    %c0_i32_0 = arith.constant 0 : i32
    return %arg0, %c0_i32 : i32, i32
  }
}

module attributes {stable_mosaic.version = 14 : i64} {
  func.func @_dense_last_body(%arg0: i32, %arg1: memref<3136x64xf32, #tpu.memory_space<vmem>>, %arg2: memref<3136x64xf32, #tpu.memory_space<vmem>>, %arg3: memref<3136x1xf32, #tpu.memory_space<vmem>>, %arg4: memref<3136x64xf32, #tpu.memory_space<vmem>>, %arg5: memref<64x64xf32, #tpu.memory_space<vmem>>, %arg6: memref<1x64xf32, #tpu.memory_space<vmem>>, %arg7: memref<64x64xf32, #tpu.memory_space<vmem>>, %arg8: memref<1x64xf32, #tpu.memory_space<vmem>>, %arg9: memref<3136x64xf32, #tpu.memory_space<vmem>>) attributes {dimension_semantics = [#tpu.dimension_semantics<arbitrary>], iteration_bounds = array<i64: 16>, scalar_prefetch = 0 : i64, scratch_operands = 0 : i64, tpu.core_type = #tpu.core_type<tc>, window_params = [{transform_indices = @transform_0, window_bounds = array<i64: 3136, 64>}, {transform_indices = @transform_1, window_bounds = array<i64: 3136, 64>}, {transform_indices = @transform_2, window_bounds = array<i64: 3136, 1>}, {transform_indices = @transform_3, window_bounds = array<i64: 3136, 64>}, {pipeline_mode = #tpu.pipeline_mode<synchronous>, transform_indices = @transform_4, window_bounds = array<i64: 64, 64>}, {pipeline_mode = #tpu.pipeline_mode<synchronous>, transform_indices = @transform_5, window_bounds = array<i64: 1, 64>}, {pipeline_mode = #tpu.pipeline_mode<synchronous>, transform_indices = @transform_6, window_bounds = array<i64: 64, 64>}, {pipeline_mode = #tpu.pipeline_mode<synchronous>, transform_indices = @transform_7, window_bounds = array<i64: 1, 64>}, {transform_indices = @transform_8, window_bounds = array<i64: 3136, 64>}]} {
    %get3A = arith.constant 0 : index
    %get3A_0 = arith.constant 0 : index
    %get3A_1 = vector.load %arg3[%get3A, %get3A_0] : memref<3136x1xf32, #tpu.memory_space<vmem>>, vector<3136x1xf32>
    %get3A_2 = arith.constant 0 : index
    %get3A_3 = arith.constant 0 : index
    %get3A_4 = vector.load %arg1[%get3A_2, %get3A_3] : memref<3136x64xf32, #tpu.memory_space<vmem>>, vector<3136x64xf32>
    %mul3A = vector.broadcast %get3A_1 : vector<3136x1xf32> to vector<3136x64xf32>
    %mul3A_5 = arith.mulf %get3A_4, %mul3A : vector<3136x64xf32>
    %get3A_6 = arith.constant 0 : index
    %get3A_7 = arith.constant 0 : index
    %get3A_8 = vector.load %arg2[%get3A_6, %get3A_7] : memref<3136x64xf32, #tpu.memory_space<vmem>>, vector<3136x64xf32>
    %get3A_9 = arith.constant 0 : index
    %get3A_10 = arith.constant 0 : index
    %get3A_11 = vector.load %arg5[%get3A_9, %get3A_10] : memref<64x64xf32, #tpu.memory_space<vmem>>, vector<64x64xf32>
    %dot_general3A = arith.constant dense<0.000000e+00> : vector<3136x64xf32>
    %dot_general3A_12 = tpu.matmul %mul3A_5, %get3A_11, %dot_general3A {dimension_numbers = #tpu.dot_dimension_numbers<[1], [0], [0], [1], [0, 0, 1, 1], [], []>, transpose_lhs_hint = false} : vector<3136x64xf32>, vector<64x64xf32>, vector<3136x64xf32> -> vector<3136x64xf32>
    %get3A_13 = arith.constant 0 : index
    %get3A_14 = arith.constant 0 : index
    %get3A_15 = vector.load %arg6[%get3A_13, %get3A_14] : memref<1x64xf32, #tpu.memory_space<vmem>>, vector<1x64xf32>
    %add3A = vector.broadcast %get3A_15 : vector<1x64xf32> to vector<3136x64xf32>
    %add3A_16 = arith.addf %dot_general3A_12, %add3A : vector<3136x64xf32>
    %ge3A = arith.constant 0.000000e+00 : f32
    %ge3A_17 = vector.broadcast %ge3A : f32 to vector<3136x64xf32>
    %ge3A_18 = arith.cmpf oge, %add3A_16, %ge3A_17 : vector<3136x64xf32>
    %mul3A_19 = arith.constant 2.000000e-01 : f32
    %mul3A_20 = vector.broadcast %mul3A_19 : f32 to vector<3136x64xf32>
    %mul3A_21 = arith.mulf %mul3A_20, %add3A_16 : vector<3136x64xf32>
    %select_n3A = arith.select %ge3A_18, %add3A_16, %mul3A_21 : vector<3136x64xi1>, vector<3136x64xf32>
    %mul3A_22 = arith.mulf %get3A_8, %mul3A_5 : vector<3136x64xf32>
    %get3A_23 = arith.constant 0 : index
    %get3A_24 = arith.constant 0 : index
    %get3A_25 = vector.load %arg7[%get3A_23, %get3A_24] : memref<64x64xf32, #tpu.memory_space<vmem>>, vector<64x64xf32>
    %dot_general3A_26 = arith.constant dense<0.000000e+00> : vector<3136x64xf32>
    %dot_general3A_27 = tpu.matmul %mul3A_22, %get3A_25, %dot_general3A_26 {dimension_numbers = #tpu.dot_dimension_numbers<[1], [0], [0], [1], [0, 0, 1, 1], [], []>, transpose_lhs_hint = false} : vector<3136x64xf32>, vector<64x64xf32>, vector<3136x64xf32> -> vector<3136x64xf32>
    %get3A_28 = arith.constant 0 : index
    %get3A_29 = arith.constant 0 : index
    %get3A_30 = vector.load %arg8[%get3A_28, %get3A_29] : memref<1x64xf32, #tpu.memory_space<vmem>>, vector<1x64xf32>
    %add3A_31 = vector.broadcast %get3A_30 : vector<1x64xf32> to vector<3136x64xf32>
    %add3A_32 = arith.addf %dot_general3A_27, %add3A_31 : vector<3136x64xf32>
    %ge3A_33 = arith.constant 0.000000e+00 : f32
    %ge3A_34 = vector.broadcast %ge3A_33 : f32 to vector<3136x64xf32>
    %ge3A_35 = arith.cmpf oge, %add3A_32, %ge3A_34 : vector<3136x64xf32>
    %mul3A_36 = arith.constant 2.000000e-01 : f32
    %mul3A_37 = vector.broadcast %mul3A_36 : f32 to vector<3136x64xf32>
    %mul3A_38 = arith.mulf %mul3A_37, %add3A_32 : vector<3136x64xf32>
    %select_n3A_39 = arith.select %ge3A_35, %add3A_32, %mul3A_38 : vector<3136x64xi1>, vector<3136x64xf32>
    %add3A_40 = arith.addf %select_n3A, %select_n3A_39 : vector<3136x64xf32>
    %mul3A_41 = arith.mulf %add3A_40, %add3A_40 : vector<3136x64xf32>
    %reduce_sum3A = arith.constant dense<0.000000e+00> : vector<3136xf32>
    %reduce_sum3A_42 = vector.multi_reduction <add>, %mul3A_41, %reduce_sum3A [1] : vector<3136x64xf32> to vector<3136xf32>
    %broadcast_in_dim3A = vector.shape_cast %reduce_sum3A_42 : vector<3136xf32> to vector<3136x1xf32>
    %sqrt3A = math.sqrt %broadcast_in_dim3A : vector<3136x1xf32>
    %max3A = arith.constant 9.99999996E-13 : f32
    %max3A_43 = vector.broadcast %max3A : f32 to vector<3136x1xf32>
    %max3A_44 = arith.maximumf %sqrt3A, %max3A_43 : vector<3136x1xf32>
    %div3A = vector.broadcast %max3A_44 : vector<3136x1xf32> to vector<3136x64xf32>
    %div3A_45 = arith.divf %add3A_40, %div3A : vector<3136x64xf32>
    %get3A_46 = arith.constant 0 : index
    %get3A_47 = arith.constant 0 : index
    %get3A_48 = vector.load %arg4[%get3A_46, %get3A_47] : memref<3136x64xf32, #tpu.memory_space<vmem>>, vector<3136x64xf32>
    %add3A_49 = arith.addf %get3A_48, %div3A_45 : vector<3136x64xf32>
    %mul3A_50 = arith.constant 2.500000e-01 : f32
    %mul3A_51 = vector.broadcast %mul3A_50 : f32 to vector<3136x64xf32>
    %mul3A_52 = arith.mulf %add3A_49, %mul3A_51 : vector<3136x64xf32>
    %swap3A = arith.constant 0 : index
    %swap3A_53 = arith.constant 0 : index
    %swap3A_54 = vector.load %arg9[%swap3A, %swap3A_53] : memref<3136x64xf32, #tpu.memory_space<vmem>>, vector<3136x64xf32>
    tpu.vector_store %arg9[%swap3A, %swap3A_53], %mul3A_52 {strides = array<i32>} : memref<3136x64xf32, #tpu.memory_space<vmem>>, vector<3136x64xf32>,
    return
  }
  func.func @transform_0(%arg0: i32) -> (i32, i32) {
    %c0_i32 = arith.constant 0 : i32
    %c0_i32_0 = arith.constant 0 : i32
    return %arg0, %c0_i32 : i32, i32
  }
  func.func @transform_1(%arg0: i32) -> (i32, i32) {
    %c0_i32 = arith.constant 0 : i32
    %c0_i32_0 = arith.constant 0 : i32
    return %arg0, %c0_i32 : i32, i32
  }
  func.func @transform_2(%arg0: i32) -> (i32, i32) {
    %c0_i32 = arith.constant 0 : i32
    %c0_i32_0 = arith.constant 0 : i32
    return %arg0, %c0_i32 : i32, i32
  }
  func.func @transform_3(%arg0: i32) -> (i32, i32) {
    %c0_i32 = arith.constant 0 : i32
    %c0_i32_0 = arith.constant 0 : i32
    return %arg0, %c0_i32 : i32, i32
  }
  func.func @transform_4(%arg0: i32) -> (i32, i32) {
    %c0_i32 = arith.constant 0 : i32
    %c0_i32_0 = arith.constant 0 : i32
    %c0_i32_1 = arith.constant 0 : i32
    return %c0_i32, %c0_i32_0 : i32, i32
  }
  func.func @transform_5(%arg0: i32) -> (i32, i32) {
    %c0_i32 = arith.constant 0 : i32
    %c0_i32_0 = arith.constant 0 : i32
    %c0_i32_1 = arith.constant 0 : i32
    return %c0_i32, %c0_i32_0 : i32, i32
  }
  func.func @transform_6(%arg0: i32) -> (i32, i32) {
    %c0_i32 = arith.constant 0 : i32
    %c0_i32_0 = arith.constant 0 : i32
    %c0_i32_1 = arith.constant 0 : i32
    return %c0_i32, %c0_i32_0 : i32, i32
  }
  func.func @transform_7(%arg0: i32) -> (i32, i32) {
    %c0_i32 = arith.constant 0 : i32
    %c0_i32_0 = arith.constant 0 : i32
    %c0_i32_1 = arith.constant 0 : i32
    return %c0_i32, %c0_i32_0 : i32, i32
  }
  func.func @transform_8(%arg0: i32) -> (i32, i32) {
    %c0_i32 = arith.constant 0 : i32
    %c0_i32_0 = arith.constant 0 : i32
    return %arg0, %c0_i32 : i32, i32
  }
}

</mosaic_0001>

<sc_bundles>
// kernel: kernel.10.cloned.1.call-start
scs
__scs_entry_jumppad:
0x0: {  	(pc) =	sbr.rel $0x88, $3  }
0x1: {  	(tag) =	ssettag $0x0;
	lr =	simm.s32 $0x1  }
0x2: {  	[smem:$0x3F9A] =	sst lr;
	_ =	strace $0xD0000000  }
0x3: {  	_ = 	snop  }
0x4: {  	_ = 	snop  }
0x5: {  	_ = 	snop  }
0x6: {  	_ = 	snop  }
0x7: {  	_ = 	snop  }
__scs_overlays_trampoline_lowered:
0x8: {  	[smem:$0x3FA9] =	sst s0  }
0x9: {  	[smem:$0x3FAA] =	sst s1  }
0xa: {  	[smem:$0x3FAB] =	sst s2  }
0xb: {  	[smem:$0x3FAC] =	sst s3  }
0xc: {  	[smem:$0x3FAD] =	sst s4  }
0xd: {  	[smem:$0x3FAE] =	sst s5  }
0xe: {  	[smem:$0x3FAF] =	sst s6  }
0xf: {  	[smem:$0x3FB0] =	sst s7  }
0x10: {  	[smem:$0x3FB1] =	sst s8  }
0x11: {  	[smem:$0x3FB2] =	sst s9;
	s0 =	simm.s32 @!p0 $0x0  }
0x12: {  	s1 =	sld [smem:$0x3F98];
	s0 =	simm.s32 @p0 $0x1  }
0x13: {  	[smem:$0x3FB3] =	sst s0;
	s0 =	simm.s32 @!p1 $0x0  }
0x14: {  	s2 =	sld [smem:$0x3F97];
	s0 =	simm.s32 @p1 $0x1  }
0x15: {  	[smem:$0x3FB4] =	sst s0;
	s0 =	simm.s32 @!p2 $0x0  }
0x16: {  	s3 =	sld [smem:$0x3FDB];
	s0 =	simm.s32 @p2 $0x1  }
0x17: {  	s4 =	simm.s32 $0x1BF5;
	[smem:$0x3FB6] =	sst s0  }
0x18: {  	s0 =	sld [smem:$0x3F99];
	_ =	swait.ge [sflag:s4], $0x0  }
0x19: {  	s7 =	sld [smem:$0x3F9A]  }
0x1a: {  	s8 =	sadd.s32 $0xFFFFE003, lr  }
0x1b: {  	s9 =	sadd.s32 $0xFFFFFEF7, lr;
	s5 =	simm.s32 $0xFFFFFFFF;
	p2 =	slt.u32 s8, $0xFFFFF086  }
0x1c: {  	p1 =	slt.u32 s9, $0xF7A;
	s5 =	simm.s32 @!p2 $0x0  }
0x1d: {  	s5 =	simm.s32 @p1 $0x1;
	p0 =	seq.s32 s7, s2  }
0x1e: {  	s7 =	smul.u32 @!p0 $0xF7A, s2;
	p2 =	seq.s32 @!p0 s5, $0x0  }
0x1f: {  	s9 =	smul.u32 $0xF7A, s1;
	s8 =	simm.s32 @!p0 $0x1BF5;
	p2 =	por !p2, p0  }
0x20: {  	[sflag:s8] =	ssyncset.s32 @!p0 $0xFFFFF086;
	s6 =	sadd.s32 @!p0 s3, s7;
	s7 =	simm.s32 @!p0 $0x108  }
0x21: {  	s3 =	sadd.s32 s3, s9;
	s6 =	sadd.s32 @!p0 $0x88, s6;
	s7 =	simm.s32 @p2 $0x1082  }
0x22: {  	[simem:s7], [sflag:s8] =	dma.local @!p0 [hbm:s6], $0xF7A  }
0x23: {  	s9 =	sor.u32 $0xD0000000, s2;
	s6 =	simm.s32 $0x108;
	_ =	swait.ge @!p0 [sflag:s8], $0x0  }
0x24: {  	s3 =	sadd.s32 $0x88, s3;
	s6 =	simm.s32 @!p1 $0x1082;
	[sflag:s4] =	ssyncset.s32 $0xFFFFF086  }
0x25: {  	[simem:s6], [sflag:s4] =	dma.local [hbm:s3], $0xF7A  }
0x26: {  	[smem:$0x3F9A] =	sst s1;
	(tag) =	ssettag s2;
	_ =	strace s9  }
0x27: {  	s1 =	sld [smem:$0x3FAA]  }
0x28: {  	s2 =	sld [smem:$0x3FAB]  }
0x29: {  	s4 =	sld [smem:$0x3FAD]  }
0x2a: {  	p0 =	seq.s32 s5, $0x0;
	s5 =	sld [smem:$0x3FAE]  }
0x2b: {  	s6 =	sld [smem:$0x3FAF]  }
0x2c: {  	s7 =	sld [smem:$0x3FB0]  }
0x2d: {  	s3 =	simm.s32 $0x108;
	s8 =	sld [smem:$0x3FB1]  }
0x2e: {  	s3 =	simm.s32 @!p0 $0x1082;
	s9 =	sld [smem:$0x3FB2]  }
0x2f: {  	lr =	sadd.s32 s0, s3;
	s0 =	sld [smem:$0x3FA9]  }
0x30: {  	s3 =	sld [smem:$0x3FAC]  }
0x31: {  	[smem:$0x3FB5] =	sst s10  }
0x32: {  	s10 =	sld [smem:$0x3FB3];
	_ =	sdelay $0x3  }
0x33: {  	p0 =	seq.s32 s10, $0x1;
	s10 =	sld [smem:$0x3FB5];
	_ =	sdelay $0x3  }
0x34: {  	[smem:$0x3FB5] =	sst s10  }
0x35: {  	s10 =	sld [smem:$0x3FB4];
	_ =	sdelay $0x3  }
0x36: {  	p1 =	seq.s32 s10, $0x1;
	s10 =	sld [smem:$0x3FB5];
	_ =	sdelay $0x3  }
0x37: {  	[smem:$0x3FB5] =	sst s10  }
0x38: {  	s10 =	sld [smem:$0x3FB6]  }
0x39: {  	_ = 	snop;
	(pc) =	sbr.ind lr, $3  }
0x3a: {  	_ = 	snop  }
0x3b: {  	_ = 	snop  }
0x3c: {  	p2 =	seq.s32 s10, $0x1;
	s10 =	sld [smem:$0x3FB5]  }
0x3d: {  	_ =	shalt  }
0x3e: {  	_ =	shalt  }
0x3f: {  	_ =	shalt  }
0x40: {  	_ =	shalt  }
0x41: {  	_ =	shalt  }
0x42: {  	_ =	shalt  }
0x43: {  	_ =	shalt  }
0x44: {  	_ =	shalt  }
0x45: {  	_ =	shalt  }
0x46: {  	_ =	shalt  }
0x47: {  	_ =	shalt  }
0x48: {  	_ =	shalt  }
0x49: {  	_ =	shalt  }
0x4a: {  	_ =	shalt  }
0x4b: {  	_ =	shalt  }
0x4c: {  	_ =	shalt  }
0x4d: {  	_ =	shalt  }
0x4e: {  	_ =	shalt  }
0x4f: {  	_ =	shalt  }
0x50: {  	_ =	shalt  }
0x51: {  	_ =	shalt  }
0x52: {  	_ =	shalt  }
0x53: {  	_ =	shalt  }
0x54: {  	_ =	shalt  }
0x55: {  	_ =	shalt  }
0x56: {  	_ =	shalt  }
0x57: {  	_ =	shalt  }
0x58: {  	_ =	shalt  }
0x59: {  	_ =	shalt  }
0x5a: {  	_ =	shalt  }
0x5b: {  	_ =	shalt  }
0x5c: {  	_ =	shalt  }
0x5d: {  	_ =	shalt  }
0x5e: {  	_ =	shalt  }
0x5f: {  	_ =	shalt  }
0x60: {  	_ =	shalt  }
0x61: {  	_ =	shalt  }
0x62: {  	_ =	shalt  }
0x63: {  	_ =	shalt  }
0x64: {  	_ =	shalt  }
0x65: {  	_ =	shalt  }
0x66: {  	_ =	shalt  }
0x67: {  	_ =	shalt  }
0x68: {  	_ =	shalt  }
0x69: {  	_ =	shalt  }
0x6a: {  	_ =	shalt  }
0x6b: {  	_ =	shalt  }
0x6c: {  	_ =	shalt  }
0x6d: {  	_ =	shalt  }
0x6e: {  	_ =	shalt  }
0x6f: {  	_ =	shalt  }
0x70: {  	_ =	shalt  }
0x71: {  	_ =	shalt  }
0x72: {  	_ =	shalt  }
0x73: {  	_ =	shalt  }
0x74: {  	_ =	shalt  }
0x75: {  	_ =	shalt  }
0x76: {  	_ =	shalt  }
0x77: {  	_ =	shalt  }
0x78: {  	_ =	shalt  }
0x79: {  	_ =	shalt  }
0x7a: {  	_ =	shalt  }
0x7b: {  	_ =	shalt  }
0x7c: {  	_ =	shalt  }
0x7d: {  	_ =	shalt  }
0x7e: {  	_ =	shalt  }
0x7f: {  	_ =	shalt  }
0x80: {  	_ =	shalt  }
0x81: {  	_ =	shalt  }
0x82: {  	_ =	shalt  }
0x83: {  	_ =	shalt  }
0x84: {  	_ =	shalt  }
0x85: {  	_ =	shalt  }
0x86: {  	_ =	shalt  }
0x87: {  	_ =	shalt  }
.Lfunc_end0:
.L_simem_size_0:
called_computation_lowered:
.L_overlay_start_0:
0x88: {  	s2 =	sld [smem:$0x3FD9]  }
0x89: {  	s3 =	sld [smem:$0x3FFE];
	_ =	sdelay $0x1  }
0x8a: {  	s1 =	srdreg.scid  }
0x8b: {  	s0 =	sand.u32 $0x1, s1  }
0x8c: {  	s16 =	sshll.u32 s0, $0xA;
	s2 =	sadd.s32 s3, s2  }
0x8d: {  	s2 =	sadd.s32 s2, s16  }
0x8e: {  	[smem:$0x3FC1] =	sst s2  }
0x8f: {  	_ = 	snop  }
0x90: {  	(tm) =	ssettm $0x1  }
0x91: {  	s17 =	sld [smem:$0x3FFB];
	_ =	sdelay $0x3  }
0x92: {  	_ =	strace s17  }
0x93: {  	s2 =	sld [smem:$0x3FFC];
	_ =	sdelay $0x3  }
0x94: {  	_ =	strace s2  }
0x95: {  	s2 =	sld [smem:$0x3FFD];
	_ =	sdelay $0x3  }
0x96: {  	_ =	strace s2  }
0x97: {  	_ =	strace $0x8FFFFFFF  }
0x98: {  	s18 =	sld [smem:$0x3FDB];
	_ =	sdelay $0x1  }
0x99: {  	s19 =	simm.s32 $_scs_section_size  }
0x9a: {  	s4 =	simm.s32 $_size__tile_overlayer_lowered;
	s5 =	simm.s32 $_tile_overlayer_lowered  }
0x9b: {  	s22 =	simm.s32 $0x1BFF;
	s21 =	sshll.u32 s5, $0x1;
	s2 =	sadd.s32 s19, s18  }
0x9c: {  	s6 =	simm.s32 $0x0;
	s20 =	sshll.u32 s4, $0x1;
	s4 =	sadd.s32 s21, s2  }
0x9d: {  	[timem:s6], [sflag:s22] =	dma.local [hbm:s4], s20  }
0x9e: {  	_ =	swait.ge [sflag:s22], s20  }
0x9f: {  	s3 =	ssub.s32 $0x0, s20;
	[sflag:s22] =	ssyncset.done $0x0  }
0xa0: {  	[sflag:s22] =	ssyncadd.s32 s3;
	_ =	sdelay $0x1  }
0xa1: {  	s23 =	simm.s32 $0x1B8B  }
0xa2: {  	_ =	swait.ge [sflag:s23], $0x1  }
0xa3: {  	[sflag:s23] =	ssyncset.done $0x0  }
0xa4: {  	s25 =	simm.s32 $0x1B8E;
	s24 =	sld [smem:$0x3FFE];
	[sflag:s23] =	ssyncadd.s32 $0xFFFFFFFF  }
0xa5: {  	s26 =	simm.s32 $execute0_lowered;
	[smem:$0x3FD2] =	sst s25  }
0xa6: {  	s4 =	sshll.u32 s26, $0x1;
	_ =	strace $0x80000046;
	[dreg:$0x1] =	wrdreg $0xFFFFFFFF  }
0xa7: {  	s28 =	simm.s32 $_size_execute0_lowered;
	s2 =	sadd.s32 s2, s4;
	[dreg:$0x0] =	wrdreg $0x0  }
0xa8: {  	s4 =	sshll.u32 s28, $0x1;
	[dreg:$0x2] =	wrdreg s2  }
0xa9: {  	[dreg:$0x3] =	wrdreg s4  }
0xaa: {  	[dreg:$0x4] =	wrdreg $0xC0  }
0xab: {  	_ =	task [dreg:s6], $0x5FFFF  }
0xac: {  	[dreg:$0x1] =	wrdreg $0xFFFFFFFF  }
0xad: {  	[dreg:$0x0] =	wrdreg $0x60  }
0xae: {  	[dreg:$0x2] =	wrdreg s24  }
0xaf: {  	[dreg:$0x3] =	wrdreg $0x0  }
0xb0: {  	[dreg:$0x4] =	wrdreg $0x9  }
0xb1: {  	_ =	task.clear_ibuf [dreg:s6], $0x5FFFF;
	_ =	strace $0x90000046  }
0xb2: {  	s29 =	simm.s32 $0x9;
	_ =	strace $0x80000048  }
0xb3: {  	_ =	swait.ge [sflag:s29], $0x1  }
0xb4: {  	[sflag:s29] =	ssyncadd.s32 $0xFFFFFFFF  }
0xb5: {  	_ =	strace $0x90000048  }
0xb6: {  	_ =	sfence  }
0xb7: {  	s30 =	sld [smem:$0x0];
	_ =	sdelay $0x2  }
0xb8: {  	s31 =	sshll.u32 s1, $0xD;
	s1 =	sshrl.u32 s1, $0x2  }
0xb9: {  	s3 =	sand.u32 $0x4000, s31;
	s1 =	sadd.s32 s1, s30  }
0xba: {  	s0 =	sor.u32 s3, s0;
	s1 =	sshll.u32 s1, $0x11  }
0xbb: {  	s0 =	sor.u32 s1, s0  }
0xbc: {  	s0 =	sadd.s32 $0x8F2B, s0  }
0xbd: {  	[sflag:s0] =	ssyncadd.remote.s32 $0x1  }
0xbe: {  	_ =	sfence.sel $0xFFFF  }
0xbf: {  	[dreg:$0x0] =	wrdreg $0xFFFFFFFF;
	(pc) =	sbr.abs _section_cstart, $3  }
0xc0: {  	[dreg:$0x1] =	wrdreg $0xFFFFFFFF  }
0xc1: {  	_ =	task.clear_ibuf [dreg:s6], $0x2FFFF;
	_ =	strace $0x9FFFFFFF  }
0xc2: {  	(tm) =	ssettm $0x7FFFFFFF  }
0xc3: {  	_ =	shalt  }
tec
execute0_lowered:
.L_overlay_start_1:
0x0: {  	(tag) =	ssettag $0x1  }
0x1: {  	s0 =	srdreg.scid;
	s1 =	rddreg [dreg:$0x0]  }
0x2: {  	s4 =	stileid.u32;
	s2 =	rddreg [dreg:$0x1]  }
0x3: {  	s3 =	simm.s32 $0x0;
	s15 =	simm.s32 $0x6A00;
	s16 =	simm.s32 $0x6A80  }
0x4: {  	s17 =	simm.s32 $0x6200;
	s18 =	simm.s32 $0x7;
	s21 =	simm.s32 $0x1  }
0x5: {  	s22 =	simm.s32 $0x80;
	s28 =	simm.s32 $0x5;
	s29 =	simm.s32 $0x6  }
0x6: {  	s30 =	simm.s32 $0x0;
	s0 =	sand.u32 $0x1, s0;
	s8 =	smul.u32 $0x6200, s4  }
0x7: {  	[smem:$0x7FF] =	sst s3;
	s9 =	smul.u32 $0xC480, s4;
	s10 =	sadd.s32 $0x34A00, s1  }
0x8: {  	s5 =	sadd.s32 $0x3800, s1;
	s31 =	sshll.u32 s4, $0x6;
	s6 =	smul.u32 $0x62000, s0  }
0x9: {  	s7 =	smul.u32 $0xC4800, s0;
	_ =	strace $0x80000047;
	s0 =	ssub.s32 $0x2, s0  }
0xa: {  	s19 =	sor.u32 $0x1C07, s31;
	s23 =	sshrl.u32 s0, $0x1;
	s20 =	sadd.s32 s8, s2  }
0xb: {  	s6 =	sadd.s32 s8, s6;
	s14 =	sadd.s32 s9, s7;
	s0 =	ssub.s32 s0, s23  }
0xc: {  	s8 =	sshrl.u32 s8, $0x3;
	s7 =	smov.u32 s10;
	s20 =	sshrl.u32 s20, $0x3  }
0xd: {  	s23 =	simm.s32 $0x6B00;
	s6 =	sshrl.u32 s6, $0x3;
	s9 =	sshrl.u32 s14, $0x3  }
0xe: {  	s8 =	sadd.s32 s10, s8;
	s11 =	sadd.s32 $0x280, s14;
	s13 =	sadd.s32 $0x200, s14  }
0xf: {  	s14 =	sadd.s32 $0x180, s14;
	s1 =	sadd.s32 s6, s1;
	s6 =	sadd.s32 s5, s9  }
0x10: {  	s25 =	sshrl.u32 s11, $0x3;
	s11 =	smax.u32 s0, $0x1;
	s26 =	sshrl.u32 s13, $0x3  }
0x11: {  	s24 =	sadd.s32 $0x10, s6;
	s9 =	sadd.s32 $0x20, s6;
	s10 =	sadd.s32 $0x40E00, s1  }
0x12: {  	s12 =	sadd.s32 s25, s5;
	s13 =	sadd.s32 s26, s5;
	s25 =	simm.s32 $0x4  }
0x13: {  	s26 =	simm.s32 $0x3;
	[dreg:$0x3] =	wrdreg s24;
	s24 =	simm.s32 $0x2  }
.LBB2_1:
0x14: {  	[tilespmem:s15], [sflag:$0x1] =	stream.linear.gather [hbm4b:s6+s3], $0x80, $0x38;
	[tilespmem:$0x6B80] =	vst v63  }
0x15: {  	s0 =	rddreg [dreg:$0x3]  }
0x16: {  	[tilespmem:s16], [sflag:$0x2] =	stream.linear.gather [hbm4b:s0+s3], $0x80, $0x38;
	[tilespmem:$0x6B80] =	vst v63  }
0x17: {  	_ = 	snop  }
0x18: {  	[tilespmem:s17], [sflag:$0x7] =	stream.linear.gather [hbm4b:s7+s3], $0x800, $0x38;
	[tilespmem:$0x6B80] =	vst v63  }
0x19: {  	_ =	swait.ge [sflag:s18], $0x800  }
0x1a: {  	[sflag:s18] =	ssyncset.done $0x0  }
0x1b: {  	[sflag:s18] =	ssyncadd.s32 $0xFFFFF800  }
0x1c: {  	[spmem:s20], [sflag:s19] =	dma.local [hbm:s8], $0xC40  }
0x1d: {  	_ =	swait.ge [sflag:s18], $0xC40  }
0x1e: {  	[sflag:s18] =	ssyncset.done $0x0  }
0x1f: {  	[sflag:s18] =	ssyncadd.s32 $0xFFFFF3C0  }
0x20: {  	[bflag:$0x0] =	sbarrier.arrive $0xFFFF  }
0x21: {  	_ =	swait.ge [sflag:s21], $0x80  }
0x22: {  	[sflag:s21] =	ssyncset.done $0x0  }
0x23: {  	[sflag:s21] =	ssyncadd.s32 $0xFFFFFF80  }
0x24: {  	[spmem:s2] =	stream.indirect.scatter.add.f32 [tilespmem:s17], [sflag:$0x4], $0x10, s15, s22, $0xb8;
	[tilespmem:$0x6B80] =	vst v63  }
0x25: {  	_ = 	snop  }
0x26: {  	[tilespmem:s23], [sflag:$0x3] =	stream.linear.gather [hbm4b:s9+s3], $0x80, $0x38;
	[tilespmem:$0x6B80] =	vst v63  }
0x27: {  	_ =	swait.ge [sflag:s24], $0x80  }
0x28: {  	[sflag:s24] =	ssyncset.done $0x0  }
0x29: {  	[sflag:s24] =	ssyncadd.s32 $0xFFFFFF80  }
0x2a: {  	[spmem:s2] =	stream.indirect.scatter.add.f32 [tilespmem:s17], [sflag:$0x5], $0x10, s16, s22, $0xb8;
	[tilespmem:$0x6B80] =	vst v63  }
0x2b: {  	_ =	swait.ge [sflag:s25], $0x800  }
0x2c: {  	s1 =	sshrl.u32 s14, $0x3;
	[sflag:s25] =	ssyncset.done $0x0  }
0x2d: {  	s0 =	sadd.s32 s5, s1;
	[sflag:s25] =	ssyncadd.s32 $0xFFFFF800  }
0x2e: {  	[tilespmem:s15], [sflag:$0x1] =	stream.linear.gather [hbm4b:s0+s3], $0x80, $0x38;
	[tilespmem:$0x6B80] =	vst v63  }
0x2f: {  	_ =	swait.ge [sflag:s26], $0x80  }
0x30: {  	[sflag:s26] =	ssyncset.done $0x0  }
0x31: {  	[sflag:s26] =	ssyncadd.s32 $0xFFFFFF80  }
0x32: {  	[spmem:s2] =	stream.indirect.scatter.add.f32 [tilespmem:s17], [sflag:$0x6], $0x10, s23, s22, $0xb8;
	[tilespmem:$0x6B80] =	vst v63  }
0x33: {  	_ =	swait.ge [sflag:s28], $0x800  }
0x34: {  	[sflag:s28] =	ssyncset.done $0x0  }
0x35: {  	s4 =	sadd.s32 $0x0, s13;
	[sflag:s28] =	ssyncadd.s32 $0xFFFFF800  }
0x36: {  	[tilespmem:s16], [sflag:$0x2] =	stream.linear.gather [hbm4b:s4+s3], $0x80, $0x38;
	[tilespmem:$0x6B80] =	vst v63  }
0x37: {  	_ =	swait.ge [sflag:s21], $0x80  }
0x38: {  	[sflag:s21] =	ssyncset.done $0x0  }
0x39: {  	[sflag:s21] =	ssyncadd.s32 $0xFFFFFF80  }
0x3a: {  	[spmem:s2] =	stream.indirect.scatter.add.f32 [tilespmem:s17], [sflag:$0x4], $0x10, s15, s22, $0xb8;
	[tilespmem:$0x6B80] =	vst v63  }
0x3b: {  	_ =	swait.ge [sflag:s29], $0x800  }
0x3c: {  	s31 =	simm.s32 $0x30;
	[sflag:s29] =	ssyncset.done $0x0  }
0x3d: {  	s1 =	sadd.s32 $0x180, s14;
	s0 =	sadd.s32 $0x0, s12;
	[sflag:s29] =	ssyncadd.s32 $0xFFFFF800  }
.LBB2_2:
0x3e: {  	[tilespmem:s23], [sflag:$0x3] =	stream.linear.gather [hbm4b:s0+s3], $0x80, $0x38;
	[tilespmem:$0x6B80] =	vst v63  }
0x3f: {  	s0 =	smov.u32 s31  }
0x40: {  	p0 =	sne.s32 s31, $0x1830;
	s31 =	sadd.s32 $0x30, s31;
	_ =	swait.ge [sflag:s24], $0x80  }
0x41: {  	[sflag:s24] =	ssyncset.done $0x0  }
0x42: {  	[sflag:s24] =	ssyncadd.s32 $0xFFFFFF80  }
0x43: {  	[spmem:s2] =	stream.indirect.scatter.add.f32 [tilespmem:s17], [sflag:$0x5], $0x10, s16, s22, $0xb8;
	[tilespmem:$0x6B80] =	vst v63  }
0x44: {  	_ =	swait.ge [sflag:s25], $0x800  }
0x45: {  	s4 =	sshrl.u32 s1, $0x3;
	[sflag:s25] =	ssyncset.done $0x0  }
0x46: {  	s4 =	sadd.s32 s5, s4;
	[sflag:s25] =	ssyncadd.s32 $0xFFFFF800  }
0x47: {  	[tilespmem:s15], [sflag:$0x1] =	stream.linear.gather [hbm4b:s4+s3], $0x80, $0x38;
	[tilespmem:$0x6B80] =	vst v63  }
0x48: {  	_ =	swait.ge [sflag:s26], $0x80  }
0x49: {  	[sflag:s26] =	ssyncset.done $0x0  }
0x4a: {  	[sflag:s26] =	ssyncadd.s32 $0xFFFFFF80  }
0x4b: {  	[spmem:s2] =	stream.indirect.scatter.add.f32 [tilespmem:s17], [sflag:$0x6], $0x10, s23, s22, $0xb8;
	[tilespmem:$0x6B80] =	vst v63  }
0x4c: {  	_ =	swait.ge [sflag:s28], $0x800  }
0x4d: {  	[sflag:s28] =	ssyncset.done $0x0  }
0x4e: {  	s4 =	sadd.s32 s0, s13;
	[sflag:s28] =	ssyncadd.s32 $0xFFFFF800  }
0x4f: {  	[tilespmem:s16], [sflag:$0x2] =	stream.linear.gather [hbm4b:s4+s3], $0x80, $0x38;
	[tilespmem:$0x6B80] =	vst v63  }
0x50: {  	_ =	swait.ge [sflag:s21], $0x80  }
0x51: {  	[sflag:s21] =	ssyncset.done $0x0  }
.Ltmp0:
0x52: {  	[sflag:s21] =	ssyncadd.s32 $0xFFFFFF80;
	(pc) =	sbr.rel @p0 .LBB2_2-.Ltmp0, $4  }
0x53: {  	[spmem:s2] =	stream.indirect.scatter.add.f32 [tilespmem:s17], [sflag:$0x4], $0x10, s15, s22, $0xb8;
	[tilespmem:$0x6B80] =	vst v63  }
0x54: {  	_ =	swait.ge [sflag:s29], $0x800  }
0x55: {  	[sflag:s29] =	ssyncset.done $0x0  }
0x56: {  	s1 =	sadd.s32 $0x180, s1;
	s0 =	sadd.s32 s0, s12;
	[sflag:s29] =	ssyncadd.s32 $0xFFFFF800  }
0x57: {  	[tilespmem:s23], [sflag:$0x3] =	stream.linear.gather [hbm4b:s0+s3], $0x80, $0x38;
	[tilespmem:$0x6B80] =	vst v63  }
0x58: {  	_ =	swait.ge [sflag:s24], $0x80  }
0x59: {  	[sflag:s24] =	ssyncset.done $0x0  }
0x5a: {  	[sflag:s24] =	ssyncadd.s32 $0xFFFFFF80  }
0x5b: {  	[spmem:s2] =	stream.indirect.scatter.add.f32 [tilespmem:s17], [sflag:$0x5], $0x10, s16, s22, $0xb8;
	[tilespmem:$0x6B80] =	vst v63  }
0x5c: {  	_ =	swait.ge [sflag:s25], $0x800  }
0x5d: {  	[sflag:s25] =	ssyncset.done $0x0  }
0x5e: {  	[sflag:s25] =	ssyncadd.s32 $0xFFFFF800  }
0x5f: {  	_ =	swait.ge [sflag:s26], $0x80  }
0x60: {  	[sflag:s26] =	ssyncset.done $0x0  }
0x61: {  	[sflag:s26] =	ssyncadd.s32 $0xFFFFFF80  }
0x62: {  	[spmem:s2] =	stream.indirect.scatter.add.f32 [tilespmem:s17], [sflag:$0x6], $0x10, s23, s22, $0xb8;
	[tilespmem:$0x6B80] =	vst v63  }
0x63: {  	_ =	swait.ge [sflag:s28], $0x800  }
0x64: {  	[sflag:s28] =	ssyncset.done $0x0  }
0x65: {  	[sflag:s28] =	ssyncadd.s32 $0xFFFFF800  }
0x66: {  	_ =	swait.ge [sflag:s29], $0x800  }
0x67: {  	s30 =	sadd.s32 $0x1, s30;
	[sflag:s29] =	ssyncset.done $0x0  }
0x68: {  	p0 =	sne.s32 s30, s11;
	[sflag:s29] =	ssyncadd.s32 $0xFFFFF800  }
.Ltmp1:
0x69: {  	[bflag:$0x0] =	sbarrier.arrive $0xFFFF;
	(pc) =	sbr.rel @p0 .LBB2_1-.Ltmp1, $4  }
0x6a: {  	[hbm:s10], [sflag:s19] =	dma.local [spmem:s20], $0xC40  }
0x6b: {  	_ =	swait.ge [sflag:s18], $0xC40  }
0x6c: {  	[sflag:s18] =	ssyncset.done $0x0  }
0x6d: {  	[sflag:s18] =	ssyncadd.s32 $0xFFFFF3C0  }
0x6e: {  	_ =	sfence.sel $0x180000  }
0x6f: {  	[bflag:$0x0] =	sbarrier.arrive $0xFFFF  }
0x70: {  	_ =	strace $0x90000047  }
0x71: {  	s0 =	stileid.u32;
	[bflag:$0x2] =	sbarrier.arrive $0xFFFF  }
0x72: {  	p0 =	sne.s32 s0, $0x0;
	s0 =	rddreg [dreg:$0x2]  }
0x73: {  	s0 =	sadd.s32 @!p0 $0x100000, s0  }
0x74: {  	[sflag:s0] =	ssyncadd.tile.s32 @!p0 $0x1;
	_ =	shalt  }
.Lfunc_end2:
_tile_overlayer_lowered:
.L_overlay_start_2:
0x75: {  	(tag) =	ssettag $0x2  }
0x76: {  	s0 =	rddreg [dreg:$0x0];
	s2 =	stileid.u32  }
0x77: {  	s1 =	rddreg [dreg:$0x1];
	p0 =	sne.s32 s2, $0x0  }
0x78: {  	s3 =	rddreg [dreg:$0x2];
	[bflag:$0x3] =	sbarrier.arrive $0xFFFF;
	s2 =	simm.s32 @!p0 $0x1C07  }
0x79: {  	[timem:s3], [sflag:s2] =	dma.local @!p0 [hbm:s0], s1  }
0x7a: {  	s0 =	simm.s32 @!p0 $0x7  }
0x7b: {  	_ =	swait.ge @!p0 [sflag:s0], s1  }
0x7c: {  	s1 =	ssub.s32 @!p0 $0x0, s1;
	[sflag:s0] =	ssyncset.done @!p0 $0x0  }
0x7d: {  	[sflag:s0] =	ssyncadd.s32 @!p0 s1  }
0x7e: {  	[bflag:$0x3] =	sbarrier.arrive $0xFFFF  }
0x7f: {  	_ =	shalt  }

// kernel: kernel.13.cloned.1.call-start
scs
__scs_entry_jumppad:
0x0: {  	(pc) =	sbr.rel $0x88, $3  }
0x1: {  	(tag) =	ssettag $0x0;
	lr =	simm.s32 $0x1  }
0x2: {  	[smem:$0x3F9A] =	sst lr;
	_ =	strace $0xD0000000  }
0x3: {  	_ = 	snop  }
0x4: {  	_ = 	snop  }
0x5: {  	_ = 	snop  }
0x6: {  	_ = 	snop  }
0x7: {  	_ = 	snop  }
__scs_overlays_trampoline_lowered:
0x8: {  	[smem:$0x3FA9] =	sst s0  }
0x9: {  	[smem:$0x3FAA] =	sst s1  }
0xa: {  	[smem:$0x3FAB] =	sst s2  }
0xb: {  	[smem:$0x3FAC] =	sst s3  }
0xc: {  	[smem:$0x3FAD] =	sst s4  }
0xd: {  	[smem:$0x3FAE] =	sst s5  }
0xe: {  	[smem:$0x3FAF] =	sst s6  }
0xf: {  	[smem:$0x3FB0] =	sst s7  }
0x10: {  	[smem:$0x3FB1] =	sst s8  }
0x11: {  	[smem:$0x3FB2] =	sst s9;
	s0 =	simm.s32 @!p0 $0x0  }
0x12: {  	s1 =	sld [smem:$0x3F98];
	s0 =	simm.s32 @p0 $0x1  }
0x13: {  	[smem:$0x3FB3] =	sst s0;
	s0 =	simm.s32 @!p1 $0x0  }
0x14: {  	s2 =	sld [smem:$0x3F97];
	s0 =	simm.s32 @p1 $0x1  }
0x15: {  	[smem:$0x3FB4] =	sst s0;
	s0 =	simm.s32 @!p2 $0x0  }
0x16: {  	s3 =	sld [smem:$0x3FDB];
	s0 =	simm.s32 @p2 $0x1  }
0x17: {  	s4 =	simm.s32 $0x1BF5;
	[smem:$0x3FB6] =	sst s0  }
0x18: {  	s0 =	sld [smem:$0x3F99];
	_ =	swait.ge [sflag:s4], $0x0  }
0x19: {  	s7 =	sld [smem:$0x3F9A]  }
0x1a: {  	s8 =	sadd.s32 $0xFFFFE003, lr  }
0x1b: {  	s9 =	sadd.s32 $0xFFFFFEF7, lr;
	s5 =	simm.s32 $0xFFFFFFFF;
	p2 =	slt.u32 s8, $0xFFFFF086  }
0x1c: {  	p1 =	slt.u32 s9, $0xF7A;
	s5 =	simm.s32 @!p2 $0x0  }
0x1d: {  	s5 =	simm.s32 @p1 $0x1;
	p0 =	seq.s32 s7, s2  }
0x1e: {  	s7 =	smul.u32 @!p0 $0xF7A, s2;
	p2 =	seq.s32 @!p0 s5, $0x0  }
0x1f: {  	s9 =	smul.u32 $0xF7A, s1;
	s8 =	simm.s32 @!p0 $0x1BF5;
	p2 =	por !p2, p0  }
0x20: {  	[sflag:s8] =	ssyncset.s32 @!p0 $0xFFFFF086;
	s6 =	sadd.s32 @!p0 s3, s7;
	s7 =	simm.s32 @!p0 $0x108  }
0x21: {  	s3 =	sadd.s32 s3, s9;
	s6 =	sadd.s32 @!p0 $0x88, s6;
	s7 =	simm.s32 @p2 $0x1082  }
0x22: {  	[simem:s7], [sflag:s8] =	dma.local @!p0 [hbm:s6], $0xF7A  }
0x23: {  	s9 =	sor.u32 $0xD0000000, s2;
	s6 =	simm.s32 $0x108;
	_ =	swait.ge @!p0 [sflag:s8], $0x0  }
0x24: {  	s3 =	sadd.s32 $0x88, s3;
	s6 =	simm.s32 @!p1 $0x1082;
	[sflag:s4] =	ssyncset.s32 $0xFFFFF086  }
0x25: {  	[simem:s6], [sflag:s4] =	dma.local [hbm:s3], $0xF7A  }
0x26: {  	[smem:$0x3F9A] =	sst s1;
	(tag) =	ssettag s2;
	_ =	strace s9  }
0x27: {  	s1 =	sld [smem:$0x3FAA]  }
0x28: {  	s2 =	sld [smem:$0x3FAB]  }
0x29: {  	s4 =	sld [smem:$0x3FAD]  }
0x2a: {  	p0 =	seq.s32 s5, $0x0;
	s5 =	sld [smem:$0x3FAE]  }
0x2b: {  	s6 =	sld [smem:$0x3FAF]  }
0x2c: {  	s7 =	sld [smem:$0x3FB0]  }
0x2d: {  	s3 =	simm.s32 $0x108;
	s8 =	sld [smem:$0x3FB1]  }
0x2e: {  	s3 =	simm.s32 @!p0 $0x1082;
	s9 =	sld [smem:$0x3FB2]  }
0x2f: {  	lr =	sadd.s32 s0, s3;
	s0 =	sld [smem:$0x3FA9]  }
0x30: {  	s3 =	sld [smem:$0x3FAC]  }
0x31: {  	[smem:$0x3FB5] =	sst s10  }
0x32: {  	s10 =	sld [smem:$0x3FB3];
	_ =	sdelay $0x3  }
0x33: {  	p0 =	seq.s32 s10, $0x1;
	s10 =	sld [smem:$0x3FB5];
	_ =	sdelay $0x3  }
0x34: {  	[smem:$0x3FB5] =	sst s10  }
0x35: {  	s10 =	sld [smem:$0x3FB4];
	_ =	sdelay $0x3  }
0x36: {  	p1 =	seq.s32 s10, $0x1;
	s10 =	sld [smem:$0x3FB5];
	_ =	sdelay $0x3  }
0x37: {  	[smem:$0x3FB5] =	sst s10  }
0x38: {  	s10 =	sld [smem:$0x3FB6]  }
0x39: {  	_ = 	snop;
	(pc) =	sbr.ind lr, $3  }
0x3a: {  	_ = 	snop  }
0x3b: {  	_ = 	snop  }
0x3c: {  	p2 =	seq.s32 s10, $0x1;
	s10 =	sld [smem:$0x3FB5]  }
0x3d: {  	_ =	shalt  }
0x3e: {  	_ =	shalt  }
0x3f: {  	_ =	shalt  }
0x40: {  	_ =	shalt  }
0x41: {  	_ =	shalt  }
0x42: {  	_ =	shalt  }
0x43: {  	_ =	shalt  }
0x44: {  	_ =	shalt  }
0x45: {  	_ =	shalt  }
0x46: {  	_ =	shalt  }
0x47: {  	_ =	shalt  }
0x48: {  	_ =	shalt  }
0x49: {  	_ =	shalt  }
0x4a: {  	_ =	shalt  }
0x4b: {  	_ =	shalt  }
0x4c: {  	_ =	shalt  }
0x4d: {  	_ =	shalt  }
0x4e: {  	_ =	shalt  }
0x4f: {  	_ =	shalt  }
0x50: {  	_ =	shalt  }
0x51: {  	_ =	shalt  }
0x52: {  	_ =	shalt  }
0x53: {  	_ =	shalt  }
0x54: {  	_ =	shalt  }
0x55: {  	_ =	shalt  }
0x56: {  	_ =	shalt  }
0x57: {  	_ =	shalt  }
0x58: {  	_ =	shalt  }
0x59: {  	_ =	shalt  }
0x5a: {  	_ =	shalt  }
0x5b: {  	_ =	shalt  }
0x5c: {  	_ =	shalt  }
0x5d: {  	_ =	shalt  }
0x5e: {  	_ =	shalt  }
0x5f: {  	_ =	shalt  }
0x60: {  	_ =	shalt  }
0x61: {  	_ =	shalt  }
0x62: {  	_ =	shalt  }
0x63: {  	_ =	shalt  }
0x64: {  	_ =	shalt  }
0x65: {  	_ =	shalt  }
0x66: {  	_ =	shalt  }
0x67: {  	_ =	shalt  }
0x68: {  	_ =	shalt  }
0x69: {  	_ =	shalt  }
0x6a: {  	_ =	shalt  }
0x6b: {  	_ =	shalt  }
0x6c: {  	_ =	shalt  }
0x6d: {  	_ =	shalt  }
0x6e: {  	_ =	shalt  }
0x6f: {  	_ =	shalt  }
0x70: {  	_ =	shalt  }
0x71: {  	_ =	shalt  }
0x72: {  	_ =	shalt  }
0x73: {  	_ =	shalt  }
0x74: {  	_ =	shalt  }
0x75: {  	_ =	shalt  }
0x76: {  	_ =	shalt  }
0x77: {  	_ =	shalt  }
0x78: {  	_ =	shalt  }
0x79: {  	_ =	shalt  }
0x7a: {  	_ =	shalt  }
0x7b: {  	_ =	shalt  }
0x7c: {  	_ =	shalt  }
0x7d: {  	_ =	shalt  }
0x7e: {  	_ =	shalt  }
0x7f: {  	_ =	shalt  }
0x80: {  	_ =	shalt  }
0x81: {  	_ =	shalt  }
0x82: {  	_ =	shalt  }
0x83: {  	_ =	shalt  }
0x84: {  	_ =	shalt  }
0x85: {  	_ =	shalt  }
0x86: {  	_ =	shalt  }
0x87: {  	_ =	shalt  }
.Lfunc_end0:
.L_simem_size_0:
called_computation.1_lowered:
.L_overlay_start_0:
0x88: {  	s2 =	sld [smem:$0x3FD9]  }
0x89: {  	s3 =	sld [smem:$0x3FFE];
	_ =	sdelay $0x1  }
0x8a: {  	s1 =	srdreg.scid  }
0x8b: {  	s0 =	sand.u32 $0x1, s1  }
0x8c: {  	s16 =	sshll.u32 s0, $0xA;
	s2 =	sadd.s32 s3, s2  }
0x8d: {  	s2 =	sadd.s32 s2, s16  }
0x8e: {  	[smem:$0x3FC1] =	sst s2  }
0x8f: {  	_ = 	snop  }
0x90: {  	(tm) =	ssettm $0x1  }
0x91: {  	s17 =	sld [smem:$0x3FFB];
	_ =	sdelay $0x3  }
0x92: {  	_ =	strace s17  }
0x93: {  	s2 =	sld [smem:$0x3FFC];
	_ =	sdelay $0x3  }
0x94: {  	_ =	strace s2  }
0x95: {  	s2 =	sld [smem:$0x3FFD];
	_ =	sdelay $0x3  }
0x96: {  	_ =	strace s2  }
0x97: {  	_ =	strace $0x8FFFFFFF  }
0x98: {  	s18 =	sld [smem:$0x3FDB];
	_ =	sdelay $0x1  }
0x99: {  	s19 =	simm.s32 $_scs_section_size  }
0x9a: {  	s4 =	simm.s32 $_size__tile_overlayer_lowered;
	s5 =	simm.s32 $_tile_overlayer_lowered  }
0x9b: {  	s22 =	simm.s32 $0x1BFF;
	s21 =	sshll.u32 s5, $0x1;
	s2 =	sadd.s32 s19, s18  }
0x9c: {  	s6 =	simm.s32 $0x0;
	s20 =	sshll.u32 s4, $0x1;
	s4 =	sadd.s32 s21, s2  }
0x9d: {  	[timem:s6], [sflag:s22] =	dma.local [hbm:s4], s20  }
0x9e: {  	_ =	swait.ge [sflag:s22], s20  }
0x9f: {  	s3 =	ssub.s32 $0x0, s20;
	[sflag:s22] =	ssyncset.done $0x0  }
0xa0: {  	[sflag:s22] =	ssyncadd.s32 s3;
	_ =	sdelay $0x1  }
0xa1: {  	s23 =	simm.s32 $0x1B8B  }
0xa2: {  	_ =	swait.ge [sflag:s23], $0x1  }
0xa3: {  	[sflag:s23] =	ssyncset.done $0x0  }
0xa4: {  	s25 =	simm.s32 $0x1B8E;
	s24 =	sld [smem:$0x3FFE];
	[sflag:s23] =	ssyncadd.s32 $0xFFFFFFFF  }
0xa5: {  	s26 =	simm.s32 $execute0_lowered;
	[smem:$0x3FD2] =	sst s25  }
0xa6: {  	s4 =	sshll.u32 s26, $0x1;
	_ =	strace $0x80000049;
	[dreg:$0x1] =	wrdreg $0xFFFFFFFF  }
0xa7: {  	s28 =	simm.s32 $_size_execute0_lowered;
	s2 =	sadd.s32 s2, s4;
	[dreg:$0x0] =	wrdreg $0x0  }
0xa8: {  	s4 =	sshll.u32 s28, $0x1;
	[dreg:$0x2] =	wrdreg s2  }
0xa9: {  	[dreg:$0x3] =	wrdreg s4  }
0xaa: {  	[dreg:$0x4] =	wrdreg $0xC0  }
0xab: {  	_ =	task [dreg:s6], $0x5FFFF  }
0xac: {  	[dreg:$0x1] =	wrdreg $0xFFFFFFFF  }
0xad: {  	[dreg:$0x0] =	wrdreg $0x60  }
0xae: {  	[dreg:$0x2] =	wrdreg s24  }
0xaf: {  	[dreg:$0x3] =	wrdreg $0x0  }
0xb0: {  	[dreg:$0x4] =	wrdreg $0x9  }
0xb1: {  	_ =	task.clear_ibuf [dreg:s6], $0x5FFFF;
	_ =	strace $0x90000049  }
0xb2: {  	s29 =	simm.s32 $0x9;
	_ =	strace $0x8000004B  }
0xb3: {  	_ =	swait.ge [sflag:s29], $0x1  }
0xb4: {  	[sflag:s29] =	ssyncadd.s32 $0xFFFFFFFF  }
0xb5: {  	_ =	strace $0x9000004B  }
0xb6: {  	_ =	sfence  }
0xb7: {  	s30 =	sld [smem:$0x0];
	_ =	sdelay $0x2  }
0xb8: {  	s31 =	sshll.u32 s1, $0xD;
	s1 =	sshrl.u32 s1, $0x2  }
0xb9: {  	s3 =	sand.u32 $0x4000, s31;
	s1 =	sadd.s32 s1, s30  }
0xba: {  	s0 =	sor.u32 s3, s0;
	s1 =	sshll.u32 s1, $0x11  }
0xbb: {  	s0 =	sor.u32 s1, s0  }
0xbc: {  	s0 =	sadd.s32 $0x8F2B, s0  }
0xbd: {  	[sflag:s0] =	ssyncadd.remote.s32 $0x1  }
0xbe: {  	_ =	sfence.sel $0xFFFF  }
0xbf: {  	[dreg:$0x0] =	wrdreg $0xFFFFFFFF;
	(pc) =	sbr.abs _section_cstart, $3  }
0xc0: {  	[dreg:$0x1] =	wrdreg $0xFFFFFFFF  }
0xc1: {  	_ =	task.clear_ibuf [dreg:s6], $0x2FFFF;
	_ =	strace $0x9FFFFFFF  }
0xc2: {  	(tm) =	ssettm $0x7FFFFFFF  }
0xc3: {  	_ =	shalt  }
tec
execute0_lowered:
.L_overlay_start_1:
0x0: {  	(tag) =	ssettag $0x1  }
0x1: {  	s0 =	rddreg [dreg:$0x0];
	s1 =	srdreg.scid  }
0x2: {  	s11 =	stileid.u32;
	s2 =	rddreg [dreg:$0x1];
	s3 =	simm.s32 $0x0  }
0x3: {  	s15 =	simm.s32 $0x18800;
	s16 =	simm.s32 $0x18900;
	s28 =	simm.s32 $0x3  }
0x4: {  	s29 =	simm.s32 $0x1CB00;
	s30 =	simm.s32 $0x7;
	s6 =	smul.u32 $0x620, s11  }
0x5: {  	s31 =	simm.s32 $0x5;
	s1 =	sand.u32 $0x1, s1;
	s9 =	smul.u32 $0x18900, s11  }
0x6: {  	[smem:$0x7FF] =	sst s3;
	s4 =	sadd.s32 $0x1B0600, s0;
	s18 =	smul.u32 $0x62000, s11  }
0x7: {  	s5 =	sadd.s32 $0x14E200, s0;
	s19 =	sshll.u32 s11, $0x6;
	s7 =	smul.u32 $0x6200, s1  }
0x8: {  	s11 =	simm.s32 $0x0;
	s8 =	smul.u32 $0x189000, s1;
	_ =	strace $0x8000004A  }
0x9: {  	s1 =	ssub.s32 $0x2, s1;
	s14 =	sor.u32 $0x1C0A, s19;
	s19 =	simm.s32 $0x1  }
0xa: {  	s10 =	sshrl.u32 s1, $0x1;
	s6 =	sadd.s32 s6, s7;
	s17 =	sadd.s32 s9, s8  }
0xb: {  	s8 =	sshrl.u32 s18, $0x2;
	s1 =	ssub.s32 s1, s10;
	s18 =	simm.s32 $0xA  }
0xc: {  	s7 =	simm.s32 $0x6;
	s10 =	simm.s32 $0x9;
	s6 =	sshll.u32 s6, $0x3  }
0xd: {  	s9 =	sshrl.u32 s17, $0x3;
	s8 =	sadd.s32 s8, s2;
	s20 =	sadd.s32 $0x500, s17  }
0xe: {  	s24 =	sadd.s32 $0x400, s17;
	s1 =	smax.u32 s1, $0x1;
	s26 =	sadd.s32 $0x300, s17  }
0xf: {  	s0 =	sadd.s32 s6, s0;
	s12 =	sadd.s32 s5, s9;
	[dreg:$0x9] =	wrdreg s1  }
0x10: {  	s6 =	sadd.s32 s4, s6;
	s22 =	sshrl.u32 s20, $0x3;
	[dreg:$0xa] =	wrdreg s26  }
0x11: {  	s25 =	sshrl.u32 s24, $0x3;
	s20 =	simm.s32 $0x80;
	[dreg:$0x6] =	wrdreg s6  }
0x12: {  	s24 =	simm.s32 $0x18A00;
	s9 =	sadd.s32 $0x20, s12;
	[dreg:$0x4] =	wrdreg s12  }
0x13: {  	s26 =	simm.s32 $0x18880;
	s21 =	sadd.s32 $0x40, s12;
	[dreg:$0x5] =	wrdreg s9  }
0x14: {  	s1 =	simm.s32 $0x18980;
	s0 =	sadd.s32 $0x212600, s0;
	[dreg:$0x7] =	wrdreg s21  }
0x15: {  	s23 =	sadd.s32 s22, s5;
	s13 =	sadd.s32 s25, s5;
	[dreg:$0x8] =	wrdreg s0  }
0x16: {  	s22 =	simm.s32 $0x2;
	s25 =	simm.s32 $0x4;
	[dreg:$0x3] =	wrdreg s23  }
0x17: {  	s9 =	sshrl.u32 s8, $0x3;
	s21 =	simm.s32 $0x18B00;
	s23 =	simm.s32 $0x1AB00  }
0x18: {  	s0 =	simm.s32 $0x8;
	s8 =	simm.s32 $0x18A80;
	[dreg:$0xb] =	wrdreg s9  }
.LBB2_1:
0x19: {  	s6 =	rddreg [dreg:$0x4]  }
0x1a: {  	s17 =	rddreg [dreg:$0x5]  }
0x1b: {  	[tilespmem:s15], [sflag:$0x1] =	stream.linear.gather [hbm4b:s6+s3], $0x100, $0x38;
	[tilespmem:$0x1EB00] =	vst v63  }
0x1c: {  	s12 =	rddreg [dreg:$0x6]  }
0x1d: {  	[tilespmem:s16], [sflag:$0x2] =	stream.linear.gather [hbm4b:s17+s3], $0x100, $0x38;
	[tilespmem:$0x1EB00] =	vst v63  }
0x1e: {  	[spmem:s9], [sflag:s14] =	dma.local [hbm:s12], $0x3100  }
0x1f: {  	_ =	swait.ge [sflag:s18], $0x3100  }
0x20: {  	[sflag:s18] =	ssyncset.done $0x0  }
0x21: {  	[sflag:s18] =	ssyncadd.s32 $0xFFFFCF00  }
0x22: {  	[bflag:$0x0] =	sbarrier.arrive $0xFFFF  }
0x23: {  	_ =	swait.ge [sflag:s19], $0x100  }
0x24: {  	[sflag:s19] =	ssyncset.done $0x0  }
0x25: {  	[sflag:s19] =	ssyncadd.s32 $0xFFFFFF00  }
0x26: {  	[tilespmem:s21], [sflag:$0x4] =	stream.indirect.gather [hbm4b:s4+s20], $0x40, s15, s20, $0xb8;
	[tilespmem:$0x1EB00] =	vst v63  }
0x27: {  	_ =	swait.ge [sflag:s22], $0x100  }
0x28: {  	[sflag:s22] =	ssyncset.done $0x0  }
0x29: {  	[sflag:s22] =	ssyncadd.s32 $0xFFFFFF00  }
0x2a: {  	[tilespmem:s23], [sflag:$0x5] =	stream.indirect.gather [hbm4b:s4+s20], $0x40, s16, s20, $0xb8;
	[tilespmem:$0x1EB00] =	vst v63  }
0x2b: {  	s12 =	rddreg [dreg:$0x7]  }
0x2c: {  	[tilespmem:s24], [sflag:$0x3] =	stream.linear.gather [hbm4b:s12+s3], $0x100, $0x38;
	[tilespmem:$0x1EB00] =	vst v63  }
0x2d: {  	_ =	swait.ge [sflag:s25], $0x2000  }
0x2e: {  	[sflag:s25] =	ssyncset.done $0x0  }
0x2f: {  	[sflag:s25] =	ssyncadd.s32 $0xFFFFE000  }
0x30: {  	[spmem:s2] =	stream.indirect.scatter.add.f32 [tilespmem:s21], [sflag:$0x7], $0x40, s26, s20, $0xb8;
	[tilespmem:$0x1EB00] =	vst v63  }
0x31: {  	_ =	swait.ge [sflag:s28], $0x100  }
0x32: {  	[sflag:s28] =	ssyncset.done $0x0  }
0x33: {  	[sflag:s28] =	ssyncadd.s32 $0xFFFFFF00  }
0x34: {  	[tilespmem:s29], [sflag:$0x6] =	stream.indirect.gather [hbm4b:s4+s20], $0x40, s24, s20, $0xb8;
	[tilespmem:$0x1EB00] =	vst v63  }
0x35: {  	_ =	swait.ge [sflag:s30], $0x2000  }
0x36: {  	s9 =	rddreg [dreg:$0xa]  }
0x37: {  	s17 =	smov.u32 s14;
	[sflag:s30] =	ssyncset.done $0x0;
	s14 =	sshrl.u32 s9, $0x3  }
0x38: {  	[sflag:s30] =	ssyncadd.s32 $0xFFFFE000;
	s6 =	sadd.s32 s5, s14  }
0x39: {  	[tilespmem:s15], [sflag:$0x1] =	stream.linear.gather [hbm4b:s6+s3], $0x100, $0x38;
	[tilespmem:$0x1EB00] =	vst v63  }
0x3a: {  	_ =	swait.ge [sflag:s31], $0x2000  }
0x3b: {  	[sflag:s31] =	ssyncset.done $0x0  }
0x3c: {  	[sflag:s31] =	ssyncadd.s32 $0xFFFFE000  }
0x3d: {  	[spmem:s2] =	stream.indirect.scatter.add.f32 [tilespmem:s23], [sflag:$0x8], $0x40, s1, s20, $0xb8;
	[tilespmem:$0x1EB00] =	vst v63  }
0x3e: {  	_ =	swait.ge [sflag:s19], $0x100  }
0x3f: {  	[sflag:s19] =	ssyncset.done $0x0  }
0x40: {  	[sflag:s19] =	ssyncadd.s32 $0xFFFFFF00  }
0x41: {  	[tilespmem:s21], [sflag:$0x4] =	stream.indirect.gather [hbm4b:s4+s20], $0x40, s15, s20, $0xb8;
	[tilespmem:$0x1EB00] =	vst v63  }
0x42: {  	_ =	swait.ge [sflag:s0], $0x2000  }
0x43: {  	[sflag:s0] =	ssyncset.done $0x0  }
0x44: {  	s12 =	sadd.s32 $0x0, s13;
	[sflag:s0] =	ssyncadd.s32 $0xFFFFE000  }
0x45: {  	[tilespmem:s16], [sflag:$0x2] =	stream.linear.gather [hbm4b:s12+s3], $0x100, $0x38;
	[tilespmem:$0x1EB00] =	vst v63  }
0x46: {  	_ =	swait.ge [sflag:s7], $0x2000  }
0x47: {  	[sflag:s7] =	ssyncset.done $0x0  }
0x48: {  	[sflag:s7] =	ssyncadd.s32 $0xFFFFE000  }
0x49: {  	[spmem:s2] =	stream.indirect.scatter.add.f32 [tilespmem:s29], [sflag:$0x9], $0x40, s8, s20, $0xb8;
	[tilespmem:$0x1EB00] =	vst v63  }
0x4a: {  	_ =	swait.ge [sflag:s22], $0x100  }
0x4b: {  	[sflag:s22] =	ssyncset.done $0x0  }
0x4c: {  	[sflag:s22] =	ssyncadd.s32 $0xFFFFFF00  }
0x4d: {  	[tilespmem:s23], [sflag:$0x5] =	stream.indirect.gather [hbm4b:s4+s20], $0x40, s16, s20, $0xb8;
	[tilespmem:$0x1EB00] =	vst v63  }
0x4e: {  	_ =	swait.ge [sflag:s10], $0x2000  }
0x4f: {  	s14 =	rddreg [dreg:$0x3];
	[sflag:s10] =	ssyncset.done $0x0  }
0x50: {  	[sflag:s10] =	ssyncadd.s32 $0xFFFFE000;
	s6 =	sadd.s32 $0x0, s14  }
0x51: {  	[tilespmem:s24], [sflag:$0x3] =	stream.linear.gather [hbm4b:s6+s3], $0x100, $0x38;
	[tilespmem:$0x1EB00] =	vst v63  }
0x52: {  	_ =	swait.ge [sflag:s25], $0x2000  }
0x53: {  	[sflag:s25] =	ssyncset.done $0x0  }
0x54: {  	s12 =	simm.s32 $0x60;
	s6 =	sadd.s32 $0x300, s9;
	[sflag:s25] =	ssyncadd.s32 $0xFFFFE000  }
.LBB2_2:
0x55: {  	[spmem:s2] =	stream.indirect.scatter.add.f32 [tilespmem:s21], [sflag:$0x7], $0x40, s26, s20, $0xb8;
	[tilespmem:$0x1EB00] =	vst v63  }
0x56: {  	_ =	swait.ge [sflag:s28], $0x100  }
0x57: {  	[sflag:s28] =	ssyncset.done $0x0  }
0x58: {  	[sflag:s28] =	ssyncadd.s32 $0xFFFFFF00  }
0x59: {  	[tilespmem:s29], [sflag:$0x6] =	stream.indirect.gather [hbm4b:s4+s20], $0x40, s24, s20, $0xb8;
	[tilespmem:$0x1EB00] =	vst v63  }
0x5a: {  	_ =	swait.ge [sflag:s30], $0x2000  }
0x5b: {  	s14 =	sshrl.u32 s6, $0x3;
	[sflag:s30] =	ssyncset.done $0x0  }
0x5c: {  	s14 =	sadd.s32 s5, s14;
	[sflag:s30] =	ssyncadd.s32 $0xFFFFE000  }
0x5d: {  	[tilespmem:s15], [sflag:$0x1] =	stream.linear.gather [hbm4b:s14+s3], $0x100, $0x38;
	[tilespmem:$0x1EB00] =	vst v63  }
0x5e: {  	_ =	swait.ge [sflag:s31], $0x2000  }
0x5f: {  	[sflag:s31] =	ssyncset.done $0x0  }
0x60: {  	[sflag:s31] =	ssyncadd.s32 $0xFFFFE000  }
0x61: {  	[spmem:s2] =	stream.indirect.scatter.add.f32 [tilespmem:s23], [sflag:$0x8], $0x40, s1, s20, $0xb8;
	[tilespmem:$0x1EB00] =	vst v63  }
0x62: {  	_ =	swait.ge [sflag:s19], $0x100  }
0x63: {  	[sflag:s19] =	ssyncset.done $0x0  }
0x64: {  	[sflag:s19] =	ssyncadd.s32 $0xFFFFFF00  }
0x65: {  	[tilespmem:s21], [sflag:$0x4] =	stream.indirect.gather [hbm4b:s4+s20], $0x40, s15, s20, $0xb8;
	[tilespmem:$0x1EB00] =	vst v63  }
0x66: {  	_ =	swait.ge [sflag:s0], $0x2000  }
0x67: {  	s9 =	smov.u32 s12;
	[sflag:s0] =	ssyncset.done $0x0  }
0x68: {  	s14 =	sadd.s32 s9, s13;
	[sflag:s0] =	ssyncadd.s32 $0xFFFFE000  }
0x69: {  	[tilespmem:s16], [sflag:$0x2] =	stream.linear.gather [hbm4b:s14+s3], $0x100, $0x38;
	[tilespmem:$0x1EB00] =	vst v63  }
0x6a: {  	_ =	swait.ge [sflag:s7], $0x2000  }
0x6b: {  	[sflag:s7] =	ssyncset.done $0x0  }
0x6c: {  	[sflag:s7] =	ssyncadd.s32 $0xFFFFE000  }
0x6d: {  	[spmem:s2] =	stream.indirect.scatter.add.f32 [tilespmem:s29], [sflag:$0x9], $0x40, s8, s20, $0xb8;
	[tilespmem:$0x1EB00] =	vst v63  }
0x6e: {  	_ =	swait.ge [sflag:s22], $0x100  }
0x6f: {  	[sflag:s22] =	ssyncset.done $0x0  }
0x70: {  	[sflag:s22] =	ssyncadd.s32 $0xFFFFFF00  }
0x71: {  	[tilespmem:s23], [sflag:$0x5] =	stream.indirect.gather [hbm4b:s4+s20], $0x40, s16, s20, $0xb8;
	[tilespmem:$0x1EB00] =	vst v63  }
0x72: {  	_ =	swait.ge [sflag:s10], $0x2000  }
0x73: {  	p0 =	sne.s32 s12, $0x3060;
	s14 =	rddreg [dreg:$0x3];
	[sflag:s10] =	ssyncset.done $0x0  }
.Ltmp0:
0x74: {  	[sflag:s10] =	ssyncadd.s32 $0xFFFFE000;
	s9 =	sadd.s32 s9, s14;
	(pc) =	sbr.rel @p0 .LBB2_2-.Ltmp0, $4  }
0x75: {  	[tilespmem:s24], [sflag:$0x3] =	stream.linear.gather [hbm4b:s9+s3], $0x100, $0x38;
	[tilespmem:$0x1EB00] =	vst v63  }
0x76: {  	_ =	swait.ge [sflag:s25], $0x2000  }
0x77: {  	[sflag:s25] =	ssyncset.done $0x0  }
0x78: {  	s12 =	sadd.s32 $0x60, s12;
	s6 =	sadd.s32 $0x300, s6;
	[sflag:s25] =	ssyncadd.s32 $0xFFFFE000  }
0x79: {  	[spmem:s2] =	stream.indirect.scatter.add.f32 [tilespmem:s21], [sflag:$0x7], $0x40, s26, s20, $0xb8;
	[tilespmem:$0x1EB00] =	vst v63  }
0x7a: {  	_ =	swait.ge [sflag:s28], $0x100  }
0x7b: {  	[sflag:s28] =	ssyncset.done $0x0  }
0x7c: {  	[sflag:s28] =	ssyncadd.s32 $0xFFFFFF00  }
0x7d: {  	[tilespmem:s29], [sflag:$0x6] =	stream.indirect.gather [hbm4b:s4+s20], $0x40, s24, s20, $0xb8;
	[tilespmem:$0x1EB00] =	vst v63  }
0x7e: {  	_ =	swait.ge [sflag:s30], $0x2000  }
0x7f: {  	[sflag:s30] =	ssyncset.done $0x0  }
0x80: {  	[sflag:s30] =	ssyncadd.s32 $0xFFFFE000  }
0x81: {  	_ =	swait.ge [sflag:s31], $0x2000  }
0x82: {  	[sflag:s31] =	ssyncset.done $0x0  }
0x83: {  	[sflag:s31] =	ssyncadd.s32 $0xFFFFE000  }
0x84: {  	[spmem:s2] =	stream.indirect.scatter.add.f32 [tilespmem:s23], [sflag:$0x8], $0x40, s1, s20, $0xb8;
	[tilespmem:$0x1EB00] =	vst v63  }
0x85: {  	_ =	swait.ge [sflag:s0], $0x2000  }
0x86: {  	[sflag:s0] =	ssyncset.done $0x0  }
0x87: {  	[sflag:s0] =	ssyncadd.s32 $0xFFFFE000  }
0x88: {  	_ =	swait.ge [sflag:s7], $0x2000  }
0x89: {  	[sflag:s7] =	ssyncset.done $0x0  }
0x8a: {  	[sflag:s7] =	ssyncadd.s32 $0xFFFFE000  }
0x8b: {  	[spmem:s2] =	stream.indirect.scatter.add.f32 [tilespmem:s29], [sflag:$0x9], $0x40, s8, s20, $0xb8;
	[tilespmem:$0x1EB00] =	vst v63  }
0x8c: {  	_ =	swait.ge [sflag:s10], $0x2000  }
0x8d: {  	[sflag:s10] =	ssyncset.done $0x0  }
0x8e: {  	[sflag:s10] =	ssyncadd.s32 $0xFFFFE000  }
0x8f: {  	[bflag:$0x0] =	sbarrier.arrive $0xFFFF  }
0x90: {  	s6 =	rddreg [dreg:$0x8]  }
0x91: {  	s9 =	rddreg [dreg:$0xb]  }
0x92: {  	[hbm:s6], [sflag:s17] =	dma.local [spmem:s9], $0x3100  }
0x93: {  	_ =	swait.ge [sflag:s18], $0x3100  }
0x94: {  	s14 =	smov.u32 s17;
	s11 =	sadd.s32 $0x1, s11;
	s17 =	rddreg [dreg:$0x9]  }
0x95: {  	p0 =	sne.s32 s11, s17  }
.Ltmp1:
0x96: {  	_ = 	snop;
	(pc) =	sbr.rel @p0 .LBB2_1-.Ltmp1, $3  }
0x97: {  	_ =	sdelay $0x1  }
0x98: {  	[sflag:s18] =	ssyncset.done $0x0  }
0x99: {  	[sflag:s18] =	ssyncadd.s32 $0xFFFFCF00  }
0x9a: {  	_ =	sfence.sel $0x180000  }
0x9b: {  	[bflag:$0x0] =	sbarrier.arrive $0xFFFF  }
0x9c: {  	_ =	strace $0x9000004A  }
0x9d: {  	s0 =	stileid.u32;
	[bflag:$0x2] =	sbarrier.arrive $0xFFFF  }
0x9e: {  	p0 =	sne.s32 s0, $0x0;
	s0 =	rddreg [dreg:$0x2]  }
0x9f: {  	s0 =	sadd.s32 @!p0 $0x100000, s0  }
0xa0: {  	[sflag:s0] =	ssyncadd.tile.s32 @!p0 $0x1;
	_ =	shalt  }
.Lfunc_end2:
_tile_overlayer_lowered:
.L_overlay_start_2:
0xa1: {  	(tag) =	ssettag $0x2  }
0xa2: {  	s0 =	rddreg [dreg:$0x0];
	s2 =	stileid.u32  }
0xa3: {  	s1 =	rddreg [dreg:$0x1];
	p0 =	sne.s32 s2, $0x0  }
0xa4: {  	s3 =	rddreg [dreg:$0x2];
	[bflag:$0x3] =	sbarrier.arrive $0xFFFF;
	s2 =	simm.s32 @!p0 $0x1C0A  }
0xa5: {  	[timem:s3], [sflag:s2] =	dma.local @!p0 [hbm:s0], s1  }
0xa6: {  	s0 =	simm.s32 @!p0 $0xA  }
0xa7: {  	_ =	swait.ge @!p0 [sflag:s0], s1  }
0xa8: {  	s1 =	ssub.s32 @!p0 $0x0, s1;
	[sflag:s0] =	ssyncset.done @!p0 $0x0  }
0xa9: {  	[sflag:s0] =	ssyncadd.s32 @!p0 s1  }
0xaa: {  	[bflag:$0x3] =	sbarrier.arrive $0xFFFF  }
0xab: {  	_ =	shalt  }

// kernel: kernel.16.cloned.1.call-start
scs
__scs_entry_jumppad:
0x0: {  	(pc) =	sbr.rel $0x88, $3  }
0x1: {  	(tag) =	ssettag $0x0;
	lr =	simm.s32 $0x1  }
0x2: {  	[smem:$0x3F9A] =	sst lr;
	_ =	strace $0xD0000000  }
0x3: {  	_ = 	snop  }
0x4: {  	_ = 	snop  }
0x5: {  	_ = 	snop  }
0x6: {  	_ = 	snop  }
0x7: {  	_ = 	snop  }
__scs_overlays_trampoline_lowered:
0x8: {  	[smem:$0x3FA9] =	sst s0  }
0x9: {  	[smem:$0x3FAA] =	sst s1  }
0xa: {  	[smem:$0x3FAB] =	sst s2  }
0xb: {  	[smem:$0x3FAC] =	sst s3  }
0xc: {  	[smem:$0x3FAD] =	sst s4  }
0xd: {  	[smem:$0x3FAE] =	sst s5  }
0xe: {  	[smem:$0x3FAF] =	sst s6  }
0xf: {  	[smem:$0x3FB0] =	sst s7  }
0x10: {  	[smem:$0x3FB1] =	sst s8  }
0x11: {  	[smem:$0x3FB2] =	sst s9;
	s0 =	simm.s32 @!p0 $0x0  }
0x12: {  	s1 =	sld [smem:$0x3F98];
	s0 =	simm.s32 @p0 $0x1  }
0x13: {  	[smem:$0x3FB3] =	sst s0;
	s0 =	simm.s32 @!p1 $0x0  }
0x14: {  	s2 =	sld [smem:$0x3F97];
	s0 =	simm.s32 @p1 $0x1  }
0x15: {  	[smem:$0x3FB4] =	sst s0;
	s0 =	simm.s32 @!p2 $0x0  }
0x16: {  	s3 =	sld [smem:$0x3FDB];
	s0 =	simm.s32 @p2 $0x1  }
0x17: {  	s4 =	simm.s32 $0x1BF5;
	[smem:$0x3FB6] =	sst s0  }
0x18: {  	s0 =	sld [smem:$0x3F99];
	_ =	swait.ge [sflag:s4], $0x0  }
0x19: {  	s7 =	sld [smem:$0x3F9A]  }
0x1a: {  	s8 =	sadd.s32 $0xFFFFE003, lr  }
0x1b: {  	s9 =	sadd.s32 $0xFFFFFEF7, lr;
	s5 =	simm.s32 $0xFFFFFFFF;
	p2 =	slt.u32 s8, $0xFFFFF086  }
0x1c: {  	p1 =	slt.u32 s9, $0xF7A;
	s5 =	simm.s32 @!p2 $0x0  }
0x1d: {  	s5 =	simm.s32 @p1 $0x1;
	p0 =	seq.s32 s7, s2  }
0x1e: {  	s7 =	smul.u32 @!p0 $0xF7A, s2;
	p2 =	seq.s32 @!p0 s5, $0x0  }
0x1f: {  	s9 =	smul.u32 $0xF7A, s1;
	s8 =	simm.s32 @!p0 $0x1BF5;
	p2 =	por !p2, p0  }
0x20: {  	[sflag:s8] =	ssyncset.s32 @!p0 $0xFFFFF086;
	s6 =	sadd.s32 @!p0 s3, s7;
	s7 =	simm.s32 @!p0 $0x108  }
0x21: {  	s3 =	sadd.s32 s3, s9;
	s6 =	sadd.s32 @!p0 $0x88, s6;
	s7 =	simm.s32 @p2 $0x1082  }
0x22: {  	[simem:s7], [sflag:s8] =	dma.local @!p0 [hbm:s6], $0xF7A  }
0x23: {  	s9 =	sor.u32 $0xD0000000, s2;
	s6 =	simm.s32 $0x108;
	_ =	swait.ge @!p0 [sflag:s8], $0x0  }
0x24: {  	s3 =	sadd.s32 $0x88, s3;
	s6 =	simm.s32 @!p1 $0x1082;
	[sflag:s4] =	ssyncset.s32 $0xFFFFF086  }
0x25: {  	[simem:s6], [sflag:s4] =	dma.local [hbm:s3], $0xF7A  }
0x26: {  	[smem:$0x3F9A] =	sst s1;
	(tag) =	ssettag s2;
	_ =	strace s9  }
0x27: {  	s1 =	sld [smem:$0x3FAA]  }
0x28: {  	s2 =	sld [smem:$0x3FAB]  }
0x29: {  	s4 =	sld [smem:$0x3FAD]  }
0x2a: {  	p0 =	seq.s32 s5, $0x0;
	s5 =	sld [smem:$0x3FAE]  }
0x2b: {  	s6 =	sld [smem:$0x3FAF]  }
0x2c: {  	s7 =	sld [smem:$0x3FB0]  }
0x2d: {  	s3 =	simm.s32 $0x108;
	s8 =	sld [smem:$0x3FB1]  }
0x2e: {  	s3 =	simm.s32 @!p0 $0x1082;
	s9 =	sld [smem:$0x3FB2]  }
0x2f: {  	lr =	sadd.s32 s0, s3;
	s0 =	sld [smem:$0x3FA9]  }
0x30: {  	s3 =	sld [smem:$0x3FAC]  }
0x31: {  	[smem:$0x3FB5] =	sst s10  }
0x32: {  	s10 =	sld [smem:$0x3FB3];
	_ =	sdelay $0x3  }
0x33: {  	p0 =	seq.s32 s10, $0x1;
	s10 =	sld [smem:$0x3FB5];
	_ =	sdelay $0x3  }
0x34: {  	[smem:$0x3FB5] =	sst s10  }
0x35: {  	s10 =	sld [smem:$0x3FB4];
	_ =	sdelay $0x3  }
0x36: {  	p1 =	seq.s32 s10, $0x1;
	s10 =	sld [smem:$0x3FB5];
	_ =	sdelay $0x3  }
0x37: {  	[smem:$0x3FB5] =	sst s10  }
0x38: {  	s10 =	sld [smem:$0x3FB6]  }
0x39: {  	_ = 	snop;
	(pc) =	sbr.ind lr, $3  }
0x3a: {  	_ = 	snop  }
0x3b: {  	_ = 	snop  }
0x3c: {  	p2 =	seq.s32 s10, $0x1;
	s10 =	sld [smem:$0x3FB5]  }
0x3d: {  	_ =	shalt  }
0x3e: {  	_ =	shalt  }
0x3f: {  	_ =	shalt  }
0x40: {  	_ =	shalt  }
0x41: {  	_ =	shalt  }
0x42: {  	_ =	shalt  }
0x43: {  	_ =	shalt  }
0x44: {  	_ =	shalt  }
0x45: {  	_ =	shalt  }
0x46: {  	_ =	shalt  }
0x47: {  	_ =	shalt  }
0x48: {  	_ =	shalt  }
0x49: {  	_ =	shalt  }
0x4a: {  	_ =	shalt  }
0x4b: {  	_ =	shalt  }
0x4c: {  	_ =	shalt  }
0x4d: {  	_ =	shalt  }
0x4e: {  	_ =	shalt  }
0x4f: {  	_ =	shalt  }
0x50: {  	_ =	shalt  }
0x51: {  	_ =	shalt  }
0x52: {  	_ =	shalt  }
0x53: {  	_ =	shalt  }
0x54: {  	_ =	shalt  }
0x55: {  	_ =	shalt  }
0x56: {  	_ =	shalt  }
0x57: {  	_ =	shalt  }
0x58: {  	_ =	shalt  }
0x59: {  	_ =	shalt  }
0x5a: {  	_ =	shalt  }
0x5b: {  	_ =	shalt  }
0x5c: {  	_ =	shalt  }
0x5d: {  	_ =	shalt  }
0x5e: {  	_ =	shalt  }
0x5f: {  	_ =	shalt  }
0x60: {  	_ =	shalt  }
0x61: {  	_ =	shalt  }
0x62: {  	_ =	shalt  }
0x63: {  	_ =	shalt  }
0x64: {  	_ =	shalt  }
0x65: {  	_ =	shalt  }
0x66: {  	_ =	shalt  }
0x67: {  	_ =	shalt  }
0x68: {  	_ =	shalt  }
0x69: {  	_ =	shalt  }
0x6a: {  	_ =	shalt  }
0x6b: {  	_ =	shalt  }
0x6c: {  	_ =	shalt  }
0x6d: {  	_ =	shalt  }
0x6e: {  	_ =	shalt  }
0x6f: {  	_ =	shalt  }
0x70: {  	_ =	shalt  }
0x71: {  	_ =	shalt  }
0x72: {  	_ =	shalt  }
0x73: {  	_ =	shalt  }
0x74: {  	_ =	shalt  }
0x75: {  	_ =	shalt  }
0x76: {  	_ =	shalt  }
0x77: {  	_ =	shalt  }
0x78: {  	_ =	shalt  }
0x79: {  	_ =	shalt  }
0x7a: {  	_ =	shalt  }
0x7b: {  	_ =	shalt  }
0x7c: {  	_ =	shalt  }
0x7d: {  	_ =	shalt  }
0x7e: {  	_ =	shalt  }
0x7f: {  	_ =	shalt  }
0x80: {  	_ =	shalt  }
0x81: {  	_ =	shalt  }
0x82: {  	_ =	shalt  }
0x83: {  	_ =	shalt  }
0x84: {  	_ =	shalt  }
0x85: {  	_ =	shalt  }
0x86: {  	_ =	shalt  }
0x87: {  	_ =	shalt  }
.Lfunc_end0:
.L_simem_size_0:
called_computation.2_lowered:
.L_overlay_start_0:
0x88: {  	s2 =	sld [smem:$0x3FD9]  }
0x89: {  	s3 =	sld [smem:$0x3FFE];
	_ =	sdelay $0x1  }
0x8a: {  	s1 =	srdreg.scid  }
0x8b: {  	s0 =	sand.u32 $0x1, s1  }
0x8c: {  	s16 =	sshll.u32 s0, $0xA;
	s2 =	sadd.s32 s3, s2  }
0x8d: {  	s2 =	sadd.s32 s2, s16  }
0x8e: {  	[smem:$0x3FC1] =	sst s2  }
0x8f: {  	_ = 	snop  }
0x90: {  	(tm) =	ssettm $0x1  }
0x91: {  	s17 =	sld [smem:$0x3FFB];
	_ =	sdelay $0x3  }
0x92: {  	_ =	strace s17  }
0x93: {  	s2 =	sld [smem:$0x3FFC];
	_ =	sdelay $0x3  }
0x94: {  	_ =	strace s2  }
0x95: {  	s2 =	sld [smem:$0x3FFD];
	_ =	sdelay $0x3  }
0x96: {  	_ =	strace s2  }
0x97: {  	_ =	strace $0x8FFFFFFF  }
0x98: {  	s18 =	sld [smem:$0x3FDB];
	_ =	sdelay $0x1  }
0x99: {  	s19 =	simm.s32 $_scs_section_size  }
0x9a: {  	s4 =	simm.s32 $_size__tile_overlayer_lowered;
	s5 =	simm.s32 $_tile_overlayer_lowered  }
0x9b: {  	s22 =	simm.s32 $0x1BFF;
	s21 =	sshll.u32 s5, $0x1;
	s2 =	sadd.s32 s19, s18  }
0x9c: {  	s6 =	simm.s32 $0x0;
	s20 =	sshll.u32 s4, $0x1;
	s4 =	sadd.s32 s21, s2  }
0x9d: {  	[timem:s6], [sflag:s22] =	dma.local [hbm:s4], s20  }
0x9e: {  	_ =	swait.ge [sflag:s22], s20  }
0x9f: {  	s3 =	ssub.s32 $0x0, s20;
	[sflag:s22] =	ssyncset.done $0x0  }
0xa0: {  	[sflag:s22] =	ssyncadd.s32 s3;
	_ =	sdelay $0x1  }
0xa1: {  	s23 =	simm.s32 $0x1B8B  }
0xa2: {  	_ =	swait.ge [sflag:s23], $0x1  }
0xa3: {  	[sflag:s23] =	ssyncset.done $0x0  }
0xa4: {  	s25 =	simm.s32 $0x1B8E;
	s24 =	sld [smem:$0x3FFE];
	[sflag:s23] =	ssyncadd.s32 $0xFFFFFFFF  }
0xa5: {  	s26 =	simm.s32 $execute0_lowered;
	[smem:$0x3FD2] =	sst s25  }
0xa6: {  	s4 =	sshll.u32 s26, $0x1;
	_ =	strace $0x8000004C;
	[dreg:$0x1] =	wrdreg $0xFFFFFFFF  }
0xa7: {  	s28 =	simm.s32 $_size_execute0_lowered;
	s2 =	sadd.s32 s2, s4;
	[dreg:$0x0] =	wrdreg $0x0  }
0xa8: {  	s4 =	sshll.u32 s28, $0x1;
	[dreg:$0x2] =	wrdreg s2  }
0xa9: {  	[dreg:$0x3] =	wrdreg s4  }
0xaa: {  	[dreg:$0x4] =	wrdreg $0xC0  }
0xab: {  	_ =	task [dreg:s6], $0x5FFFF  }
0xac: {  	[dreg:$0x1] =	wrdreg $0xFFFFFFFF  }
0xad: {  	[dreg:$0x0] =	wrdreg $0x60  }
0xae: {  	[dreg:$0x2] =	wrdreg s24  }
0xaf: {  	[dreg:$0x3] =	wrdreg $0x0  }
0xb0: {  	[dreg:$0x4] =	wrdreg $0x9  }
0xb1: {  	_ =	task.clear_ibuf [dreg:s6], $0x5FFFF;
	_ =	strace $0x9000004C  }
0xb2: {  	s29 =	simm.s32 $0x9;
	_ =	strace $0x8000004E  }
0xb3: {  	_ =	swait.ge [sflag:s29], $0x1  }
0xb4: {  	[sflag:s29] =	ssyncadd.s32 $0xFFFFFFFF  }
0xb5: {  	_ =	strace $0x9000004E  }
0xb6: {  	_ =	sfence  }
0xb7: {  	s30 =	sld [smem:$0x0];
	_ =	sdelay $0x2  }
0xb8: {  	s31 =	sshll.u32 s1, $0xD;
	s1 =	sshrl.u32 s1, $0x2  }
0xb9: {  	s3 =	sand.u32 $0x4000, s31;
	s1 =	sadd.s32 s1, s30  }
0xba: {  	s0 =	sor.u32 s3, s0;
	s1 =	sshll.u32 s1, $0x11  }
0xbb: {  	s0 =	sor.u32 s1, s0  }
0xbc: {  	s0 =	sadd.s32 $0x8F2B, s0  }
0xbd: {  	[sflag:s0] =	ssyncadd.remote.s32 $0x1  }
0xbe: {  	_ =	sfence.sel $0xFFFF  }
0xbf: {  	[dreg:$0x0] =	wrdreg $0xFFFFFFFF;
	(pc) =	sbr.abs _section_cstart, $3  }
0xc0: {  	[dreg:$0x1] =	wrdreg $0xFFFFFFFF  }
0xc1: {  	_ =	task.clear_ibuf [dreg:s6], $0x2FFFF;
	_ =	strace $0x9FFFFFFF  }
0xc2: {  	(tm) =	ssettm $0x7FFFFFFF  }
0xc3: {  	_ =	shalt  }
tec
execute0_lowered:
.L_overlay_start_1:
0x0: {  	(tag) =	ssettag $0x1  }
0x1: {  	s0 =	rddreg [dreg:$0x0];
	s1 =	srdreg.scid  }
0x2: {  	s11 =	stileid.u32;
	s2 =	rddreg [dreg:$0x1];
	s3 =	simm.s32 $0x0  }
0x3: {  	s15 =	simm.s32 $0x18800;
	s16 =	simm.s32 $0x18900;
	s28 =	simm.s32 $0x3  }
0x4: {  	s29 =	simm.s32 $0x1CB00;
	s30 =	simm.s32 $0x7;
	s6 =	smul.u32 $0x620, s11  }
0x5: {  	s31 =	simm.s32 $0x5;
	s1 =	sand.u32 $0x1, s1;
	s9 =	smul.u32 $0x18900, s11  }
0x6: {  	[smem:$0x7FF] =	sst s3;
	s4 =	sadd.s32 $0x274600, s0;
	s18 =	smul.u32 $0x62000, s11  }
0x7: {  	s5 =	sadd.s32 $0x14E200, s0;
	s19 =	sshll.u32 s11, $0x6;
	s7 =	smul.u32 $0x6200, s1  }
0x8: {  	s11 =	simm.s32 $0x0;
	s8 =	smul.u32 $0x189000, s1;
	_ =	strace $0x8000004D  }
0x9: {  	s1 =	ssub.s32 $0x2, s1;
	s14 =	sor.u32 $0x1C0A, s19;
	s19 =	simm.s32 $0x1  }
0xa: {  	s10 =	sshrl.u32 s1, $0x1;
	s6 =	sadd.s32 s6, s7;
	s17 =	sadd.s32 s9, s8  }
0xb: {  	s8 =	sshrl.u32 s18, $0x2;
	s1 =	ssub.s32 s1, s10;
	s18 =	simm.s32 $0xA  }
0xc: {  	s7 =	simm.s32 $0x6;
	s10 =	simm.s32 $0x9;
	s6 =	sshll.u32 s6, $0x3  }
0xd: {  	s9 =	sshrl.u32 s17, $0x3;
	s8 =	sadd.s32 s8, s2;
	s20 =	sadd.s32 $0x500, s17  }
0xe: {  	s24 =	sadd.s32 $0x400, s17;
	s1 =	smax.u32 s1, $0x1;
	s26 =	sadd.s32 $0x300, s17  }
0xf: {  	s0 =	sadd.s32 s6, s0;
	s12 =	sadd.s32 s5, s9;
	[dreg:$0x9] =	wrdreg s1  }
0x10: {  	s6 =	sadd.s32 s4, s6;
	s22 =	sshrl.u32 s20, $0x3;
	[dreg:$0xa] =	wrdreg s26  }
0x11: {  	s25 =	sshrl.u32 s24, $0x3;
	s20 =	simm.s32 $0x80;
	[dreg:$0x6] =	wrdreg s6  }
0x12: {  	s24 =	simm.s32 $0x18A00;
	s9 =	sadd.s32 $0x20, s12;
	[dreg:$0x4] =	wrdreg s12  }
0x13: {  	s26 =	simm.s32 $0x18880;
	s21 =	sadd.s32 $0x40, s12;
	[dreg:$0x5] =	wrdreg s9  }
0x14: {  	s1 =	simm.s32 $0x18980;
	s0 =	sadd.s32 $0x2D6600, s0;
	[dreg:$0x7] =	wrdreg s21  }
0x15: {  	s23 =	sadd.s32 s22, s5;
	s13 =	sadd.s32 s25, s5;
	[dreg:$0x8] =	wrdreg s0  }
0x16: {  	s22 =	simm.s32 $0x2;
	s25 =	simm.s32 $0x4;
	[dreg:$0x3] =	wrdreg s23  }
0x17: {  	s9 =	sshrl.u32 s8, $0x3;
	s21 =	simm.s32 $0x18B00;
	s23 =	simm.s32 $0x1AB00  }
0x18: {  	s0 =	simm.s32 $0x8;
	s8 =	simm.s32 $0x18A80;
	[dreg:$0xb] =	wrdreg s9  }
.LBB2_1:
0x19: {  	s6 =	rddreg [dreg:$0x4]  }
0x1a: {  	s17 =	rddreg [dreg:$0x5]  }
0x1b: {  	[tilespmem:s15], [sflag:$0x1] =	stream.linear.gather [hbm4b:s6+s3], $0x100, $0x38;
	[tilespmem:$0x1EB00] =	vst v63  }
0x1c: {  	s12 =	rddreg [dreg:$0x6]  }
0x1d: {  	[tilespmem:s16], [sflag:$0x2] =	stream.linear.gather [hbm4b:s17+s3], $0x100, $0x38;
	[tilespmem:$0x1EB00] =	vst v63  }
0x1e: {  	[spmem:s9], [sflag:s14] =	dma.local [hbm:s12], $0x3100  }
0x1f: {  	_ =	swait.ge [sflag:s18], $0x3100  }
0x20: {  	[sflag:s18] =	ssyncset.done $0x0  }
0x21: {  	[sflag:s18] =	ssyncadd.s32 $0xFFFFCF00  }
0x22: {  	[bflag:$0x0] =	sbarrier.arrive $0xFFFF  }
0x23: {  	_ =	swait.ge [sflag:s19], $0x100  }
0x24: {  	[sflag:s19] =	ssyncset.done $0x0  }
0x25: {  	[sflag:s19] =	ssyncadd.s32 $0xFFFFFF00  }
0x26: {  	[tilespmem:s21], [sflag:$0x4] =	stream.indirect.gather [hbm4b:s4+s20], $0x40, s15, s20, $0xb8;
	[tilespmem:$0x1EB00] =	vst v63  }
0x27: {  	_ =	swait.ge [sflag:s22], $0x100  }
0x28: {  	[sflag:s22] =	ssyncset.done $0x0  }
0x29: {  	[sflag:s22] =	ssyncadd.s32 $0xFFFFFF00  }
0x2a: {  	[tilespmem:s23], [sflag:$0x5] =	stream.indirect.gather [hbm4b:s4+s20], $0x40, s16, s20, $0xb8;
	[tilespmem:$0x1EB00] =	vst v63  }
0x2b: {  	s12 =	rddreg [dreg:$0x7]  }
0x2c: {  	[tilespmem:s24], [sflag:$0x3] =	stream.linear.gather [hbm4b:s12+s3], $0x100, $0x38;
	[tilespmem:$0x1EB00] =	vst v63  }
0x2d: {  	_ =	swait.ge [sflag:s25], $0x2000  }
0x2e: {  	[sflag:s25] =	ssyncset.done $0x0  }
0x2f: {  	[sflag:s25] =	ssyncadd.s32 $0xFFFFE000  }
0x30: {  	[spmem:s2] =	stream.indirect.scatter.add.f32 [tilespmem:s21], [sflag:$0x7], $0x40, s26, s20, $0xb8;
	[tilespmem:$0x1EB00] =	vst v63  }
0x31: {  	_ =	swait.ge [sflag:s28], $0x100  }
0x32: {  	[sflag:s28] =	ssyncset.done $0x0  }
0x33: {  	[sflag:s28] =	ssyncadd.s32 $0xFFFFFF00  }
0x34: {  	[tilespmem:s29], [sflag:$0x6] =	stream.indirect.gather [hbm4b:s4+s20], $0x40, s24, s20, $0xb8;
	[tilespmem:$0x1EB00] =	vst v63  }
0x35: {  	_ =	swait.ge [sflag:s30], $0x2000  }
0x36: {  	s9 =	rddreg [dreg:$0xa]  }
0x37: {  	s17 =	smov.u32 s14;
	[sflag:s30] =	ssyncset.done $0x0;
	s14 =	sshrl.u32 s9, $0x3  }
0x38: {  	[sflag:s30] =	ssyncadd.s32 $0xFFFFE000;
	s6 =	sadd.s32 s5, s14  }
0x39: {  	[tilespmem:s15], [sflag:$0x1] =	stream.linear.gather [hbm4b:s6+s3], $0x100, $0x38;
	[tilespmem:$0x1EB00] =	vst v63  }
0x3a: {  	_ =	swait.ge [sflag:s31], $0x2000  }
0x3b: {  	[sflag:s31] =	ssyncset.done $0x0  }
0x3c: {  	[sflag:s31] =	ssyncadd.s32 $0xFFFFE000  }
0x3d: {  	[spmem:s2] =	stream.indirect.scatter.add.f32 [tilespmem:s23], [sflag:$0x8], $0x40, s1, s20, $0xb8;
	[tilespmem:$0x1EB00] =	vst v63  }
0x3e: {  	_ =	swait.ge [sflag:s19], $0x100  }
0x3f: {  	[sflag:s19] =	ssyncset.done $0x0  }
0x40: {  	[sflag:s19] =	ssyncadd.s32 $0xFFFFFF00  }
0x41: {  	[tilespmem:s21], [sflag:$0x4] =	stream.indirect.gather [hbm4b:s4+s20], $0x40, s15, s20, $0xb8;
	[tilespmem:$0x1EB00] =	vst v63  }
0x42: {  	_ =	swait.ge [sflag:s0], $0x2000  }
0x43: {  	[sflag:s0] =	ssyncset.done $0x0  }
0x44: {  	s12 =	sadd.s32 $0x0, s13;
	[sflag:s0] =	ssyncadd.s32 $0xFFFFE000  }
0x45: {  	[tilespmem:s16], [sflag:$0x2] =	stream.linear.gather [hbm4b:s12+s3], $0x100, $0x38;
	[tilespmem:$0x1EB00] =	vst v63  }
0x46: {  	_ =	swait.ge [sflag:s7], $0x2000  }
0x47: {  	[sflag:s7] =	ssyncset.done $0x0  }
0x48: {  	[sflag:s7] =	ssyncadd.s32 $0xFFFFE000  }
0x49: {  	[spmem:s2] =	stream.indirect.scatter.add.f32 [tilespmem:s29], [sflag:$0x9], $0x40, s8, s20, $0xb8;
	[tilespmem:$0x1EB00] =	vst v63  }
0x4a: {  	_ =	swait.ge [sflag:s22], $0x100  }
0x4b: {  	[sflag:s22] =	ssyncset.done $0x0  }
0x4c: {  	[sflag:s22] =	ssyncadd.s32 $0xFFFFFF00  }
0x4d: {  	[tilespmem:s23], [sflag:$0x5] =	stream.indirect.gather [hbm4b:s4+s20], $0x40, s16, s20, $0xb8;
	[tilespmem:$0x1EB00] =	vst v63  }
0x4e: {  	_ =	swait.ge [sflag:s10], $0x2000  }
0x4f: {  	s14 =	rddreg [dreg:$0x3];
	[sflag:s10] =	ssyncset.done $0x0  }
0x50: {  	[sflag:s10] =	ssyncadd.s32 $0xFFFFE000;
	s6 =	sadd.s32 $0x0, s14  }
0x51: {  	[tilespmem:s24], [sflag:$0x3] =	stream.linear.gather [hbm4b:s6+s3], $0x100, $0x38;
	[tilespmem:$0x1EB00] =	vst v63  }
0x52: {  	_ =	swait.ge [sflag:s25], $0x2000  }
0x53: {  	[sflag:s25] =	ssyncset.done $0x0  }
0x54: {  	s12 =	simm.s32 $0x60;
	s6 =	sadd.s32 $0x300, s9;
	[sflag:s25] =	ssyncadd.s32 $0xFFFFE000  }
.LBB2_2:
0x55: {  	[spmem:s2] =	stream.indirect.scatter.add.f32 [tilespmem:s21], [sflag:$0x7], $0x40, s26, s20, $0xb8;
	[tilespmem:$0x1EB00] =	vst v63  }
0x56: {  	_ =	swait.ge [sflag:s28], $0x100  }
0x57: {  	[sflag:s28] =	ssyncset.done $0x0  }
0x58: {  	[sflag:s28] =	ssyncadd.s32 $0xFFFFFF00  }
0x59: {  	[tilespmem:s29], [sflag:$0x6] =	stream.indirect.gather [hbm4b:s4+s20], $0x40, s24, s20, $0xb8;
	[tilespmem:$0x1EB00] =	vst v63  }
0x5a: {  	_ =	swait.ge [sflag:s30], $0x2000  }
0x5b: {  	s14 =	sshrl.u32 s6, $0x3;
	[sflag:s30] =	ssyncset.done $0x0  }
0x5c: {  	s14 =	sadd.s32 s5, s14;
	[sflag:s30] =	ssyncadd.s32 $0xFFFFE000  }
0x5d: {  	[tilespmem:s15], [sflag:$0x1] =	stream.linear.gather [hbm4b:s14+s3], $0x100, $0x38;
	[tilespmem:$0x1EB00] =	vst v63  }
0x5e: {  	_ =	swait.ge [sflag:s31], $0x2000  }
0x5f: {  	[sflag:s31] =	ssyncset.done $0x0  }
0x60: {  	[sflag:s31] =	ssyncadd.s32 $0xFFFFE000  }
0x61: {  	[spmem:s2] =	stream.indirect.scatter.add.f32 [tilespmem:s23], [sflag:$0x8], $0x40, s1, s20, $0xb8;
	[tilespmem:$0x1EB00] =	vst v63  }
0x62: {  	_ =	swait.ge [sflag:s19], $0x100  }
0x63: {  	[sflag:s19] =	ssyncset.done $0x0  }
0x64: {  	[sflag:s19] =	ssyncadd.s32 $0xFFFFFF00  }
0x65: {  	[tilespmem:s21], [sflag:$0x4] =	stream.indirect.gather [hbm4b:s4+s20], $0x40, s15, s20, $0xb8;
	[tilespmem:$0x1EB00] =	vst v63  }
0x66: {  	_ =	swait.ge [sflag:s0], $0x2000  }
0x67: {  	s9 =	smov.u32 s12;
	[sflag:s0] =	ssyncset.done $0x0  }
0x68: {  	s14 =	sadd.s32 s9, s13;
	[sflag:s0] =	ssyncadd.s32 $0xFFFFE000  }
0x69: {  	[tilespmem:s16], [sflag:$0x2] =	stream.linear.gather [hbm4b:s14+s3], $0x100, $0x38;
	[tilespmem:$0x1EB00] =	vst v63  }
0x6a: {  	_ =	swait.ge [sflag:s7], $0x2000  }
0x6b: {  	[sflag:s7] =	ssyncset.done $0x0  }
0x6c: {  	[sflag:s7] =	ssyncadd.s32 $0xFFFFE000  }
0x6d: {  	[spmem:s2] =	stream.indirect.scatter.add.f32 [tilespmem:s29], [sflag:$0x9], $0x40, s8, s20, $0xb8;
	[tilespmem:$0x1EB00] =	vst v63  }
0x6e: {  	_ =	swait.ge [sflag:s22], $0x100  }
0x6f: {  	[sflag:s22] =	ssyncset.done $0x0  }
0x70: {  	[sflag:s22] =	ssyncadd.s32 $0xFFFFFF00  }
0x71: {  	[tilespmem:s23], [sflag:$0x5] =	stream.indirect.gather [hbm4b:s4+s20], $0x40, s16, s20, $0xb8;
	[tilespmem:$0x1EB00] =	vst v63  }
0x72: {  	_ =	swait.ge [sflag:s10], $0x2000  }
0x73: {  	p0 =	sne.s32 s12, $0x3060;
	s14 =	rddreg [dreg:$0x3];
	[sflag:s10] =	ssyncset.done $0x0  }
.Ltmp0:
0x74: {  	[sflag:s10] =	ssyncadd.s32 $0xFFFFE000;
	s9 =	sadd.s32 s9, s14;
	(pc) =	sbr.rel @p0 .LBB2_2-.Ltmp0, $4  }
0x75: {  	[tilespmem:s24], [sflag:$0x3] =	stream.linear.gather [hbm4b:s9+s3], $0x100, $0x38;
	[tilespmem:$0x1EB00] =	vst v63  }
0x76: {  	_ =	swait.ge [sflag:s25], $0x2000  }
0x77: {  	[sflag:s25] =	ssyncset.done $0x0  }
0x78: {  	s12 =	sadd.s32 $0x60, s12;
	s6 =	sadd.s32 $0x300, s6;
	[sflag:s25] =	ssyncadd.s32 $0xFFFFE000  }
0x79: {  	[spmem:s2] =	stream.indirect.scatter.add.f32 [tilespmem:s21], [sflag:$0x7], $0x40, s26, s20, $0xb8;
	[tilespmem:$0x1EB00] =	vst v63  }
0x7a: {  	_ =	swait.ge [sflag:s28], $0x100  }
0x7b: {  	[sflag:s28] =	ssyncset.done $0x0  }
0x7c: {  	[sflag:s28] =	ssyncadd.s32 $0xFFFFFF00  }
0x7d: {  	[tilespmem:s29], [sflag:$0x6] =	stream.indirect.gather [hbm4b:s4+s20], $0x40, s24, s20, $0xb8;
	[tilespmem:$0x1EB00] =	vst v63  }
0x7e: {  	_ =	swait.ge [sflag:s30], $0x2000  }
0x7f: {  	[sflag:s30] =	ssyncset.done $0x0  }
0x80: {  	[sflag:s30] =	ssyncadd.s32 $0xFFFFE000  }
0x81: {  	_ =	swait.ge [sflag:s31], $0x2000  }
0x82: {  	[sflag:s31] =	ssyncset.done $0x0  }
0x83: {  	[sflag:s31] =	ssyncadd.s32 $0xFFFFE000  }
0x84: {  	[spmem:s2] =	stream.indirect.scatter.add.f32 [tilespmem:s23], [sflag:$0x8], $0x40, s1, s20, $0xb8;
	[tilespmem:$0x1EB00] =	vst v63  }
0x85: {  	_ =	swait.ge [sflag:s0], $0x2000  }
0x86: {  	[sflag:s0] =	ssyncset.done $0x0  }
0x87: {  	[sflag:s0] =	ssyncadd.s32 $0xFFFFE000  }
0x88: {  	_ =	swait.ge [sflag:s7], $0x2000  }
0x89: {  	[sflag:s7] =	ssyncset.done $0x0  }
0x8a: {  	[sflag:s7] =	ssyncadd.s32 $0xFFFFE000  }
0x8b: {  	[spmem:s2] =	stream.indirect.scatter.add.f32 [tilespmem:s29], [sflag:$0x9], $0x40, s8, s20, $0xb8;
	[tilespmem:$0x1EB00] =	vst v63  }
0x8c: {  	_ =	swait.ge [sflag:s10], $0x2000  }
0x8d: {  	[sflag:s10] =	ssyncset.done $0x0  }
0x8e: {  	[sflag:s10] =	ssyncadd.s32 $0xFFFFE000  }
0x8f: {  	[bflag:$0x0] =	sbarrier.arrive $0xFFFF  }
0x90: {  	s6 =	rddreg [dreg:$0x8]  }
0x91: {  	s9 =	rddreg [dreg:$0xb]  }
0x92: {  	[hbm:s6], [sflag:s17] =	dma.local [spmem:s9], $0x3100  }
0x93: {  	_ =	swait.ge [sflag:s18], $0x3100  }
0x94: {  	s14 =	smov.u32 s17;
	s11 =	sadd.s32 $0x1, s11;
	s17 =	rddreg [dreg:$0x9]  }
0x95: {  	p0 =	sne.s32 s11, s17  }
.Ltmp1:
0x96: {  	_ = 	snop;
	(pc) =	sbr.rel @p0 .LBB2_1-.Ltmp1, $3  }
0x97: {  	_ =	sdelay $0x1  }
0x98: {  	[sflag:s18] =	ssyncset.done $0x0  }
0x99: {  	[sflag:s18] =	ssyncadd.s32 $0xFFFFCF00  }
0x9a: {  	_ =	sfence.sel $0x180000  }
0x9b: {  	[bflag:$0x0] =	sbarrier.arrive $0xFFFF  }
0x9c: {  	_ =	strace $0x9000004D  }
0x9d: {  	s0 =	stileid.u32;
	[bflag:$0x2] =	sbarrier.arrive $0xFFFF  }
0x9e: {  	p0 =	sne.s32 s0, $0x0;
	s0 =	rddreg [dreg:$0x2]  }
0x9f: {  	s0 =	sadd.s32 @!p0 $0x100000, s0  }
0xa0: {  	[sflag:s0] =	ssyncadd.tile.s32 @!p0 $0x1;
	_ =	shalt  }
.Lfunc_end2:
_tile_overlayer_lowered:
.L_overlay_start_2:
0xa1: {  	(tag) =	ssettag $0x2  }
0xa2: {  	s0 =	rddreg [dreg:$0x0];
	s2 =	stileid.u32  }
0xa3: {  	s1 =	rddreg [dreg:$0x1];
	p0 =	sne.s32 s2, $0x0  }
0xa4: {  	s3 =	rddreg [dreg:$0x2];
	[bflag:$0x3] =	sbarrier.arrive $0xFFFF;
	s2 =	simm.s32 @!p0 $0x1C0A  }
0xa5: {  	[timem:s3], [sflag:s2] =	dma.local @!p0 [hbm:s0], s1  }
0xa6: {  	s0 =	simm.s32 @!p0 $0xA  }
0xa7: {  	_ =	swait.ge @!p0 [sflag:s0], s1  }
0xa8: {  	s1 =	ssub.s32 @!p0 $0x0, s1;
	[sflag:s0] =	ssyncset.done @!p0 $0x0  }
0xa9: {  	[sflag:s0] =	ssyncadd.s32 @!p0 s1  }
0xaa: {  	[bflag:$0x3] =	sbarrier.arrive $0xFFFF  }
0xab: {  	_ =	shalt  }

// kernel: kernel.19.cloned.1.call-start
scs
__scs_entry_jumppad:
0x0: {  	(pc) =	sbr.rel $0x88, $3  }
0x1: {  	(tag) =	ssettag $0x0;
	lr =	simm.s32 $0x1  }
0x2: {  	[smem:$0x3F9A] =	sst lr;
	_ =	strace $0xD0000000  }
0x3: {  	_ = 	snop  }
0x4: {  	_ = 	snop  }
0x5: {  	_ = 	snop  }
0x6: {  	_ = 	snop  }
0x7: {  	_ = 	snop  }
__scs_overlays_trampoline_lowered:
0x8: {  	[smem:$0x3FA9] =	sst s0  }
0x9: {  	[smem:$0x3FAA] =	sst s1  }
0xa: {  	[smem:$0x3FAB] =	sst s2  }
0xb: {  	[smem:$0x3FAC] =	sst s3  }
0xc: {  	[smem:$0x3FAD] =	sst s4  }
0xd: {  	[smem:$0x3FAE] =	sst s5  }
0xe: {  	[smem:$0x3FAF] =	sst s6  }
0xf: {  	[smem:$0x3FB0] =	sst s7  }
0x10: {  	[smem:$0x3FB1] =	sst s8  }
0x11: {  	[smem:$0x3FB2] =	sst s9;
	s0 =	simm.s32 @!p0 $0x0  }
0x12: {  	s1 =	sld [smem:$0x3F98];
	s0 =	simm.s32 @p0 $0x1  }
0x13: {  	[smem:$0x3FB3] =	sst s0;
	s0 =	simm.s32 @!p1 $0x0  }
0x14: {  	s2 =	sld [smem:$0x3F97];
	s0 =	simm.s32 @p1 $0x1  }
0x15: {  	[smem:$0x3FB4] =	sst s0;
	s0 =	simm.s32 @!p2 $0x0  }
0x16: {  	s3 =	sld [smem:$0x3FDB];
	s0 =	simm.s32 @p2 $0x1  }
0x17: {  	s4 =	simm.s32 $0x1BF5;
	[smem:$0x3FB6] =	sst s0  }
0x18: {  	s0 =	sld [smem:$0x3F99];
	_ =	swait.ge [sflag:s4], $0x0  }
0x19: {  	s7 =	sld [smem:$0x3F9A]  }
0x1a: {  	s8 =	sadd.s32 $0xFFFFE003, lr  }
0x1b: {  	s9 =	sadd.s32 $0xFFFFFEF7, lr;
	s5 =	simm.s32 $0xFFFFFFFF;
	p2 =	slt.u32 s8, $0xFFFFF086  }
0x1c: {  	p1 =	slt.u32 s9, $0xF7A;
	s5 =	simm.s32 @!p2 $0x0  }
0x1d: {  	s5 =	simm.s32 @p1 $0x1;
	p0 =	seq.s32 s7, s2  }
0x1e: {  	s7 =	smul.u32 @!p0 $0xF7A, s2;
	p2 =	seq.s32 @!p0 s5, $0x0  }
0x1f: {  	s9 =	smul.u32 $0xF7A, s1;
	s8 =	simm.s32 @!p0 $0x1BF5;
	p2 =	por !p2, p0  }
0x20: {  	[sflag:s8] =	ssyncset.s32 @!p0 $0xFFFFF086;
	s6 =	sadd.s32 @!p0 s3, s7;
	s7 =	simm.s32 @!p0 $0x108  }
0x21: {  	s3 =	sadd.s32 s3, s9;
	s6 =	sadd.s32 @!p0 $0x88, s6;
	s7 =	simm.s32 @p2 $0x1082  }
0x22: {  	[simem:s7], [sflag:s8] =	dma.local @!p0 [hbm:s6], $0xF7A  }
0x23: {  	s9 =	sor.u32 $0xD0000000, s2;
	s6 =	simm.s32 $0x108;
	_ =	swait.ge @!p0 [sflag:s8], $0x0  }
0x24: {  	s3 =	sadd.s32 $0x88, s3;
	s6 =	simm.s32 @!p1 $0x1082;
	[sflag:s4] =	ssyncset.s32 $0xFFFFF086  }
0x25: {  	[simem:s6], [sflag:s4] =	dma.local [hbm:s3], $0xF7A  }
0x26: {  	[smem:$0x3F9A] =	sst s1;
	(tag) =	ssettag s2;
	_ =	strace s9  }
0x27: {  	s1 =	sld [smem:$0x3FAA]  }
0x28: {  	s2 =	sld [smem:$0x3FAB]  }
0x29: {  	s4 =	sld [smem:$0x3FAD]  }
0x2a: {  	p0 =	seq.s32 s5, $0x0;
	s5 =	sld [smem:$0x3FAE]  }
0x2b: {  	s6 =	sld [smem:$0x3FAF]  }
0x2c: {  	s7 =	sld [smem:$0x3FB0]  }
0x2d: {  	s3 =	simm.s32 $0x108;
	s8 =	sld [smem:$0x3FB1]  }
0x2e: {  	s3 =	simm.s32 @!p0 $0x1082;
	s9 =	sld [smem:$0x3FB2]  }
0x2f: {  	lr =	sadd.s32 s0, s3;
	s0 =	sld [smem:$0x3FA9]  }
0x30: {  	s3 =	sld [smem:$0x3FAC]  }
0x31: {  	[smem:$0x3FB5] =	sst s10  }
0x32: {  	s10 =	sld [smem:$0x3FB3];
	_ =	sdelay $0x3  }
0x33: {  	p0 =	seq.s32 s10, $0x1;
	s10 =	sld [smem:$0x3FB5];
	_ =	sdelay $0x3  }
0x34: {  	[smem:$0x3FB5] =	sst s10  }
0x35: {  	s10 =	sld [smem:$0x3FB4];
	_ =	sdelay $0x3  }
0x36: {  	p1 =	seq.s32 s10, $0x1;
	s10 =	sld [smem:$0x3FB5];
	_ =	sdelay $0x3  }
0x37: {  	[smem:$0x3FB5] =	sst s10  }
0x38: {  	s10 =	sld [smem:$0x3FB6]  }
0x39: {  	_ = 	snop;
	(pc) =	sbr.ind lr, $3  }
0x3a: {  	_ = 	snop  }
0x3b: {  	_ = 	snop  }
0x3c: {  	p2 =	seq.s32 s10, $0x1;
	s10 =	sld [smem:$0x3FB5]  }
0x3d: {  	_ =	shalt  }
0x3e: {  	_ =	shalt  }
0x3f: {  	_ =	shalt  }
0x40: {  	_ =	shalt  }
0x41: {  	_ =	shalt  }
0x42: {  	_ =	shalt  }
0x43: {  	_ =	shalt  }
0x44: {  	_ =	shalt  }
0x45: {  	_ =	shalt  }
0x46: {  	_ =	shalt  }
0x47: {  	_ =	shalt  }
0x48: {  	_ =	shalt  }
0x49: {  	_ =	shalt  }
0x4a: {  	_ =	shalt  }
0x4b: {  	_ =	shalt  }
0x4c: {  	_ =	shalt  }
0x4d: {  	_ =	shalt  }
0x4e: {  	_ =	shalt  }
0x4f: {  	_ =	shalt  }
0x50: {  	_ =	shalt  }
0x51: {  	_ =	shalt  }
0x52: {  	_ =	shalt  }
0x53: {  	_ =	shalt  }
0x54: {  	_ =	shalt  }
0x55: {  	_ =	shalt  }
0x56: {  	_ =	shalt  }
0x57: {  	_ =	shalt  }
0x58: {  	_ =	shalt  }
0x59: {  	_ =	shalt  }
0x5a: {  	_ =	shalt  }
0x5b: {  	_ =	shalt  }
0x5c: {  	_ =	shalt  }
0x5d: {  	_ =	shalt  }
0x5e: {  	_ =	shalt  }
0x5f: {  	_ =	shalt  }
0x60: {  	_ =	shalt  }
0x61: {  	_ =	shalt  }
0x62: {  	_ =	shalt  }
0x63: {  	_ =	shalt  }
0x64: {  	_ =	shalt  }
0x65: {  	_ =	shalt  }
0x66: {  	_ =	shalt  }
0x67: {  	_ =	shalt  }
0x68: {  	_ =	shalt  }
0x69: {  	_ =	shalt  }
0x6a: {  	_ =	shalt  }
0x6b: {  	_ =	shalt  }
0x6c: {  	_ =	shalt  }
0x6d: {  	_ =	shalt  }
0x6e: {  	_ =	shalt  }
0x6f: {  	_ =	shalt  }
0x70: {  	_ =	shalt  }
0x71: {  	_ =	shalt  }
0x72: {  	_ =	shalt  }
0x73: {  	_ =	shalt  }
0x74: {  	_ =	shalt  }
0x75: {  	_ =	shalt  }
0x76: {  	_ =	shalt  }
0x77: {  	_ =	shalt  }
0x78: {  	_ =	shalt  }
0x79: {  	_ =	shalt  }
0x7a: {  	_ =	shalt  }
0x7b: {  	_ =	shalt  }
0x7c: {  	_ =	shalt  }
0x7d: {  	_ =	shalt  }
0x7e: {  	_ =	shalt  }
0x7f: {  	_ =	shalt  }
0x80: {  	_ =	shalt  }
0x81: {  	_ =	shalt  }
0x82: {  	_ =	shalt  }
0x83: {  	_ =	shalt  }
0x84: {  	_ =	shalt  }
0x85: {  	_ =	shalt  }
0x86: {  	_ =	shalt  }
0x87: {  	_ =	shalt  }
.Lfunc_end0:
.L_simem_size_0:
called_computation.3_lowered:
.L_overlay_start_0:
0x88: {  	s2 =	sld [smem:$0x3FD9]  }
0x89: {  	s3 =	sld [smem:$0x3FFE];
	_ =	sdelay $0x1  }
0x8a: {  	s1 =	srdreg.scid  }
0x8b: {  	s0 =	sand.u32 $0x1, s1  }
0x8c: {  	s16 =	sshll.u32 s0, $0xA;
	s2 =	sadd.s32 s3, s2  }
0x8d: {  	s2 =	sadd.s32 s2, s16  }
0x8e: {  	[smem:$0x3FC1] =	sst s2  }
0x8f: {  	_ = 	snop  }
0x90: {  	(tm) =	ssettm $0x1  }
0x91: {  	s17 =	sld [smem:$0x3FFB];
	_ =	sdelay $0x3  }
0x92: {  	_ =	strace s17  }
0x93: {  	s2 =	sld [smem:$0x3FFC];
	_ =	sdelay $0x3  }
0x94: {  	_ =	strace s2  }
0x95: {  	s2 =	sld [smem:$0x3FFD];
	_ =	sdelay $0x3  }
0x96: {  	_ =	strace s2  }
0x97: {  	_ =	strace $0x8FFFFFFF  }
0x98: {  	s18 =	sld [smem:$0x3FDB];
	_ =	sdelay $0x1  }
0x99: {  	s19 =	simm.s32 $_scs_section_size  }
0x9a: {  	s4 =	simm.s32 $_size__tile_overlayer_lowered;
	s5 =	simm.s32 $_tile_overlayer_lowered  }
0x9b: {  	s22 =	simm.s32 $0x1BFF;
	s21 =	sshll.u32 s5, $0x1;
	s2 =	sadd.s32 s19, s18  }
0x9c: {  	s6 =	simm.s32 $0x0;
	s20 =	sshll.u32 s4, $0x1;
	s4 =	sadd.s32 s21, s2  }
0x9d: {  	[timem:s6], [sflag:s22] =	dma.local [hbm:s4], s20  }
0x9e: {  	_ =	swait.ge [sflag:s22], s20  }
0x9f: {  	s3 =	ssub.s32 $0x0, s20;
	[sflag:s22] =	ssyncset.done $0x0  }
0xa0: {  	[sflag:s22] =	ssyncadd.s32 s3;
	_ =	sdelay $0x1  }
0xa1: {  	s23 =	simm.s32 $0x1B8B  }
0xa2: {  	_ =	swait.ge [sflag:s23], $0x1  }
0xa3: {  	[sflag:s23] =	ssyncset.done $0x0  }
0xa4: {  	s25 =	simm.s32 $0x1B8E;
	s24 =	sld [smem:$0x3FFE];
	[sflag:s23] =	ssyncadd.s32 $0xFFFFFFFF  }
0xa5: {  	s26 =	simm.s32 $execute0_lowered;
	[smem:$0x3FD2] =	sst s25  }
0xa6: {  	s4 =	sshll.u32 s26, $0x1;
	_ =	strace $0x8000004F;
	[dreg:$0x1] =	wrdreg $0xFFFFFFFF  }
0xa7: {  	s28 =	simm.s32 $_size_execute0_lowered;
	s2 =	sadd.s32 s2, s4;
	[dreg:$0x0] =	wrdreg $0x0  }
0xa8: {  	s4 =	sshll.u32 s28, $0x1;
	[dreg:$0x2] =	wrdreg s2  }
0xa9: {  	[dreg:$0x3] =	wrdreg s4  }
0xaa: {  	[dreg:$0x4] =	wrdreg $0xC0  }
0xab: {  	_ =	task [dreg:s6], $0x5FFFF  }
0xac: {  	[dreg:$0x1] =	wrdreg $0xFFFFFFFF  }
0xad: {  	[dreg:$0x0] =	wrdreg $0x60  }
0xae: {  	[dreg:$0x2] =	wrdreg s24  }
0xaf: {  	[dreg:$0x3] =	wrdreg $0x0  }
0xb0: {  	[dreg:$0x4] =	wrdreg $0x9  }
0xb1: {  	_ =	task.clear_ibuf [dreg:s6], $0x5FFFF;
	_ =	strace $0x9000004F  }
0xb2: {  	s29 =	simm.s32 $0x9;
	_ =	strace $0x80000051  }
0xb3: {  	_ =	swait.ge [sflag:s29], $0x1  }
0xb4: {  	[sflag:s29] =	ssyncadd.s32 $0xFFFFFFFF  }
0xb5: {  	_ =	strace $0x90000051  }
0xb6: {  	_ =	sfence  }
0xb7: {  	s30 =	sld [smem:$0x0];
	_ =	sdelay $0x2  }
0xb8: {  	s31 =	sshll.u32 s1, $0xD;
	s1 =	sshrl.u32 s1, $0x2  }
0xb9: {  	s3 =	sand.u32 $0x4000, s31;
	s1 =	sadd.s32 s1, s30  }
0xba: {  	s0 =	sor.u32 s3, s0;
	s1 =	sshll.u32 s1, $0x11  }
0xbb: {  	s0 =	sor.u32 s1, s0  }
0xbc: {  	s0 =	sadd.s32 $0x8F2B, s0  }
0xbd: {  	[sflag:s0] =	ssyncadd.remote.s32 $0x1  }
0xbe: {  	_ =	sfence.sel $0xFFFF  }
0xbf: {  	[dreg:$0x0] =	wrdreg $0xFFFFFFFF;
	(pc) =	sbr.abs _section_cstart, $3  }
0xc0: {  	[dreg:$0x1] =	wrdreg $0xFFFFFFFF  }
0xc1: {  	_ =	task.clear_ibuf [dreg:s6], $0x2FFFF;
	_ =	strace $0x9FFFFFFF  }
0xc2: {  	(tm) =	ssettm $0x7FFFFFFF  }
0xc3: {  	_ =	shalt  }
tec
execute0_lowered:
.L_overlay_start_1:
0x0: {  	(tag) =	ssettag $0x1  }
0x1: {  	s0 =	rddreg [dreg:$0x0];
	s1 =	srdreg.scid  }
0x2: {  	s11 =	stileid.u32;
	s2 =	rddreg [dreg:$0x1];
	s3 =	simm.s32 $0x0  }
0x3: {  	s15 =	simm.s32 $0x18800;
	s16 =	simm.s32 $0x18900;
	s28 =	simm.s32 $0x3  }
0x4: {  	s29 =	simm.s32 $0x1CB00;
	s30 =	simm.s32 $0x7;
	s6 =	smul.u32 $0x620, s11  }
0x5: {  	s31 =	simm.s32 $0x5;
	s1 =	sand.u32 $0x1, s1;
	s9 =	smul.u32 $0x18900, s11  }
0x6: {  	[smem:$0x7FF] =	sst s3;
	s4 =	sadd.s32 $0x3800, s0;
	s18 =	smul.u32 $0x62000, s11  }
0x7: {  	s5 =	sadd.s32 $0x14E200, s0;
	s19 =	sshll.u32 s11, $0x6;
	s7 =	smul.u32 $0x6200, s1  }
0x8: {  	s11 =	simm.s32 $0x0;
	s8 =	smul.u32 $0x189000, s1;
	_ =	strace $0x80000050  }
0x9: {  	s1 =	ssub.s32 $0x2, s1;
	s14 =	sor.u32 $0x1C0A, s19;
	s19 =	simm.s32 $0x1  }
0xa: {  	s10 =	sshrl.u32 s1, $0x1;
	s6 =	sadd.s32 s6, s7;
	s17 =	sadd.s32 s9, s8  }
0xb: {  	s8 =	sshrl.u32 s18, $0x2;
	s1 =	ssub.s32 s1, s10;
	s18 =	simm.s32 $0xA  }
0xc: {  	s7 =	simm.s32 $0x6;
	s10 =	simm.s32 $0x9;
	s6 =	sshll.u32 s6, $0x3  }
0xd: {  	s9 =	sshrl.u32 s17, $0x3;
	s8 =	sadd.s32 s8, s2;
	s20 =	sadd.s32 $0x500, s17  }
0xe: {  	s24 =	sadd.s32 $0x400, s17;
	s1 =	smax.u32 s1, $0x1;
	s26 =	sadd.s32 $0x300, s17  }
0xf: {  	s0 =	sadd.s32 s6, s0;
	s12 =	sadd.s32 s5, s9;
	[dreg:$0x9] =	wrdreg s1  }
0x10: {  	s6 =	sadd.s32 s4, s6;
	s22 =	sshrl.u32 s20, $0x3;
	[dreg:$0xa] =	wrdreg s26  }
0x11: {  	s25 =	sshrl.u32 s24, $0x3;
	s20 =	simm.s32 $0x80;
	[dreg:$0x6] =	wrdreg s6  }
0x12: {  	s24 =	simm.s32 $0x18A00;
	s9 =	sadd.s32 $0x20, s12;
	[dreg:$0x4] =	wrdreg s12  }
0x13: {  	s26 =	simm.s32 $0x18880;
	s21 =	sadd.s32 $0x40, s12;
	[dreg:$0x5] =	wrdreg s9  }
0x14: {  	s1 =	simm.s32 $0x18980;
	s0 =	sadd.s32 $0x65800, s0;
	[dreg:$0x7] =	wrdreg s21  }
0x15: {  	s23 =	sadd.s32 s22, s5;
	s13 =	sadd.s32 s25, s5;
	[dreg:$0x8] =	wrdreg s0  }
0x16: {  	s22 =	simm.s32 $0x2;
	s25 =	simm.s32 $0x4;
	[dreg:$0x3] =	wrdreg s23  }
0x17: {  	s9 =	sshrl.u32 s8, $0x3;
	s21 =	simm.s32 $0x18B00;
	s23 =	simm.s32 $0x1AB00  }
0x18: {  	s0 =	simm.s32 $0x8;
	s8 =	simm.s32 $0x18A80;
	[dreg:$0xb] =	wrdreg s9  }
.LBB2_1:
0x19: {  	s6 =	rddreg [dreg:$0x4]  }
0x1a: {  	s17 =	rddreg [dreg:$0x5]  }
0x1b: {  	[tilespmem:s15], [sflag:$0x1] =	stream.linear.gather [hbm4b:s6+s3], $0x100, $0x38;
	[tilespmem:$0x1EB00] =	vst v63  }
0x1c: {  	s12 =	rddreg [dreg:$0x6]  }
0x1d: {  	[tilespmem:s16], [sflag:$0x2] =	stream.linear.gather [hbm4b:s17+s3], $0x100, $0x38;
	[tilespmem:$0x1EB00] =	vst v63  }
0x1e: {  	[spmem:s9], [sflag:s14] =	dma.local [hbm:s12], $0x3100  }
0x1f: {  	_ =	swait.ge [sflag:s18], $0x3100  }
0x20: {  	[sflag:s18] =	ssyncset.done $0x0  }
0x21: {  	[sflag:s18] =	ssyncadd.s32 $0xFFFFCF00  }
0x22: {  	[bflag:$0x0] =	sbarrier.arrive $0xFFFF  }
0x23: {  	_ =	swait.ge [sflag:s19], $0x100  }
0x24: {  	[sflag:s19] =	ssyncset.done $0x0  }
0x25: {  	[sflag:s19] =	ssyncadd.s32 $0xFFFFFF00  }
0x26: {  	[tilespmem:s21], [sflag:$0x4] =	stream.indirect.gather [hbm4b:s4+s20], $0x40, s15, s20, $0xb8;
	[tilespmem:$0x1EB00] =	vst v63  }
0x27: {  	_ =	swait.ge [sflag:s22], $0x100  }
0x28: {  	[sflag:s22] =	ssyncset.done $0x0  }
0x29: {  	[sflag:s22] =	ssyncadd.s32 $0xFFFFFF00  }
0x2a: {  	[tilespmem:s23], [sflag:$0x5] =	stream.indirect.gather [hbm4b:s4+s20], $0x40, s16, s20, $0xb8;
	[tilespmem:$0x1EB00] =	vst v63  }
0x2b: {  	s12 =	rddreg [dreg:$0x7]  }
0x2c: {  	[tilespmem:s24], [sflag:$0x3] =	stream.linear.gather [hbm4b:s12+s3], $0x100, $0x38;
	[tilespmem:$0x1EB00] =	vst v63  }
0x2d: {  	_ =	swait.ge [sflag:s25], $0x2000  }
0x2e: {  	[sflag:s25] =	ssyncset.done $0x0  }
0x2f: {  	[sflag:s25] =	ssyncadd.s32 $0xFFFFE000  }
0x30: {  	[spmem:s2] =	stream.indirect.scatter.add.f32 [tilespmem:s21], [sflag:$0x7], $0x40, s26, s20, $0xb8;
	[tilespmem:$0x1EB00] =	vst v63  }
0x31: {  	_ =	swait.ge [sflag:s28], $0x100  }
0x32: {  	[sflag:s28] =	ssyncset.done $0x0  }
0x33: {  	[sflag:s28] =	ssyncadd.s32 $0xFFFFFF00  }
0x34: {  	[tilespmem:s29], [sflag:$0x6] =	stream.indirect.gather [hbm4b:s4+s20], $0x40, s24, s20, $0xb8;
	[tilespmem:$0x1EB00] =	vst v63  }
0x35: {  	_ =	swait.ge [sflag:s30], $0x2000  }
0x36: {  	s9 =	rddreg [dreg:$0xa]  }
0x37: {  	s17 =	smov.u32 s14;
	[sflag:s30] =	ssyncset.done $0x0;
	s14 =	sshrl.u32 s9, $0x3  }
0x38: {  	[sflag:s30] =	ssyncadd.s32 $0xFFFFE000;
	s6 =	sadd.s32 s5, s14  }
0x39: {  	[tilespmem:s15], [sflag:$0x1] =	stream.linear.gather [hbm4b:s6+s3], $0x100, $0x38;
	[tilespmem:$0x1EB00] =	vst v63  }
0x3a: {  	_ =	swait.ge [sflag:s31], $0x2000  }
0x3b: {  	[sflag:s31] =	ssyncset.done $0x0  }
0x3c: {  	[sflag:s31] =	ssyncadd.s32 $0xFFFFE000  }
0x3d: {  	[spmem:s2] =	stream.indirect.scatter.add.f32 [tilespmem:s23], [sflag:$0x8], $0x40, s1, s20, $0xb8;
	[tilespmem:$0x1EB00] =	vst v63  }
0x3e: {  	_ =	swait.ge [sflag:s19], $0x100  }
0x3f: {  	[sflag:s19] =	ssyncset.done $0x0  }
0x40: {  	[sflag:s19] =	ssyncadd.s32 $0xFFFFFF00  }
0x41: {  	[tilespmem:s21], [sflag:$0x4] =	stream.indirect.gather [hbm4b:s4+s20], $0x40, s15, s20, $0xb8;
	[tilespmem:$0x1EB00] =	vst v63  }
0x42: {  	_ =	swait.ge [sflag:s0], $0x2000  }
0x43: {  	[sflag:s0] =	ssyncset.done $0x0  }
0x44: {  	s12 =	sadd.s32 $0x0, s13;
	[sflag:s0] =	ssyncadd.s32 $0xFFFFE000  }
0x45: {  	[tilespmem:s16], [sflag:$0x2] =	stream.linear.gather [hbm4b:s12+s3], $0x100, $0x38;
	[tilespmem:$0x1EB00] =	vst v63  }
0x46: {  	_ =	swait.ge [sflag:s7], $0x2000  }
0x47: {  	[sflag:s7] =	ssyncset.done $0x0  }
0x48: {  	[sflag:s7] =	ssyncadd.s32 $0xFFFFE000  }
0x49: {  	[spmem:s2] =	stream.indirect.scatter.add.f32 [tilespmem:s29], [sflag:$0x9], $0x40, s8, s20, $0xb8;
	[tilespmem:$0x1EB00] =	vst v63  }
0x4a: {  	_ =	swait.ge [sflag:s22], $0x100  }
0x4b: {  	[sflag:s22] =	ssyncset.done $0x0  }
0x4c: {  	[sflag:s22] =	ssyncadd.s32 $0xFFFFFF00  }
0x4d: {  	[tilespmem:s23], [sflag:$0x5] =	stream.indirect.gather [hbm4b:s4+s20], $0x40, s16, s20, $0xb8;
	[tilespmem:$0x1EB00] =	vst v63  }
0x4e: {  	_ =	swait.ge [sflag:s10], $0x2000  }
0x4f: {  	s14 =	rddreg [dreg:$0x3];
	[sflag:s10] =	ssyncset.done $0x0  }
0x50: {  	[sflag:s10] =	ssyncadd.s32 $0xFFFFE000;
	s6 =	sadd.s32 $0x0, s14  }
0x51: {  	[tilespmem:s24], [sflag:$0x3] =	stream.linear.gather [hbm4b:s6+s3], $0x100, $0x38;
	[tilespmem:$0x1EB00] =	vst v63  }
0x52: {  	_ =	swait.ge [sflag:s25], $0x2000  }
0x53: {  	[sflag:s25] =	ssyncset.done $0x0  }
0x54: {  	s12 =	simm.s32 $0x60;
	s6 =	sadd.s32 $0x300, s9;
	[sflag:s25] =	ssyncadd.s32 $0xFFFFE000  }
.LBB2_2:
0x55: {  	[spmem:s2] =	stream.indirect.scatter.add.f32 [tilespmem:s21], [sflag:$0x7], $0x40, s26, s20, $0xb8;
	[tilespmem:$0x1EB00] =	vst v63  }
0x56: {  	_ =	swait.ge [sflag:s28], $0x100  }
0x57: {  	[sflag:s28] =	ssyncset.done $0x0  }
0x58: {  	[sflag:s28] =	ssyncadd.s32 $0xFFFFFF00  }
0x59: {  	[tilespmem:s29], [sflag:$0x6] =	stream.indirect.gather [hbm4b:s4+s20], $0x40, s24, s20, $0xb8;
	[tilespmem:$0x1EB00] =	vst v63  }
0x5a: {  	_ =	swait.ge [sflag:s30], $0x2000  }
0x5b: {  	s14 =	sshrl.u32 s6, $0x3;
	[sflag:s30] =	ssyncset.done $0x0  }
0x5c: {  	s14 =	sadd.s32 s5, s14;
	[sflag:s30] =	ssyncadd.s32 $0xFFFFE000  }
0x5d: {  	[tilespmem:s15], [sflag:$0x1] =	stream.linear.gather [hbm4b:s14+s3], $0x100, $0x38;
	[tilespmem:$0x1EB00] =	vst v63  }
0x5e: {  	_ =	swait.ge [sflag:s31], $0x2000  }
0x5f: {  	[sflag:s31] =	ssyncset.done $0x0  }
0x60: {  	[sflag:s31] =	ssyncadd.s32 $0xFFFFE000  }
0x61: {  	[spmem:s2] =	stream.indirect.scatter.add.f32 [tilespmem:s23], [sflag:$0x8], $0x40, s1, s20, $0xb8;
	[tilespmem:$0x1EB00] =	vst v63  }
0x62: {  	_ =	swait.ge [sflag:s19], $0x100  }
0x63: {  	[sflag:s19] =	ssyncset.done $0x0  }
0x64: {  	[sflag:s19] =	ssyncadd.s32 $0xFFFFFF00  }
0x65: {  	[tilespmem:s21], [sflag:$0x4] =	stream.indirect.gather [hbm4b:s4+s20], $0x40, s15, s20, $0xb8;
	[tilespmem:$0x1EB00] =	vst v63  }
0x66: {  	_ =	swait.ge [sflag:s0], $0x2000  }
0x67: {  	s9 =	smov.u32 s12;
	[sflag:s0] =	ssyncset.done $0x0  }
0x68: {  	s14 =	sadd.s32 s9, s13;
	[sflag:s0] =	ssyncadd.s32 $0xFFFFE000  }
0x69: {  	[tilespmem:s16], [sflag:$0x2] =	stream.linear.gather [hbm4b:s14+s3], $0x100, $0x38;
	[tilespmem:$0x1EB00] =	vst v63  }
0x6a: {  	_ =	swait.ge [sflag:s7], $0x2000  }
0x6b: {  	[sflag:s7] =	ssyncset.done $0x0  }
0x6c: {  	[sflag:s7] =	ssyncadd.s32 $0xFFFFE000  }
0x6d: {  	[spmem:s2] =	stream.indirect.scatter.add.f32 [tilespmem:s29], [sflag:$0x9], $0x40, s8, s20, $0xb8;
	[tilespmem:$0x1EB00] =	vst v63  }
0x6e: {  	_ =	swait.ge [sflag:s22], $0x100  }
0x6f: {  	[sflag:s22] =	ssyncset.done $0x0  }
0x70: {  	[sflag:s22] =	ssyncadd.s32 $0xFFFFFF00  }
0x71: {  	[tilespmem:s23], [sflag:$0x5] =	stream.indirect.gather [hbm4b:s4+s20], $0x40, s16, s20, $0xb8;
	[tilespmem:$0x1EB00] =	vst v63  }
0x72: {  	_ =	swait.ge [sflag:s10], $0x2000  }
0x73: {  	p0 =	sne.s32 s12, $0x3060;
	s14 =	rddreg [dreg:$0x3];
	[sflag:s10] =	ssyncset.done $0x0  }
.Ltmp0:
0x74: {  	[sflag:s10] =	ssyncadd.s32 $0xFFFFE000;
	s9 =	sadd.s32 s9, s14;
	(pc) =	sbr.rel @p0 .LBB2_2-.Ltmp0, $4  }
0x75: {  	[tilespmem:s24], [sflag:$0x3] =	stream.linear.gather [hbm4b:s9+s3], $0x100, $0x38;
	[tilespmem:$0x1EB00] =	vst v63  }
0x76: {  	_ =	swait.ge [sflag:s25], $0x2000  }
0x77: {  	[sflag:s25] =	ssyncset.done $0x0  }
0x78: {  	s12 =	sadd.s32 $0x60, s12;
	s6 =	sadd.s32 $0x300, s6;
	[sflag:s25] =	ssyncadd.s32 $0xFFFFE000  }
0x79: {  	[spmem:s2] =	stream.indirect.scatter.add.f32 [tilespmem:s21], [sflag:$0x7], $0x40, s26, s20, $0xb8;
	[tilespmem:$0x1EB00] =	vst v63  }
0x7a: {  	_ =	swait.ge [sflag:s28], $0x100  }
0x7b: {  	[sflag:s28] =	ssyncset.done $0x0  }
0x7c: {  	[sflag:s28] =	ssyncadd.s32 $0xFFFFFF00  }
0x7d: {  	[tilespmem:s29], [sflag:$0x6] =	stream.indirect.gather [hbm4b:s4+s20], $0x40, s24, s20, $0xb8;
	[tilespmem:$0x1EB00] =	vst v63  }
0x7e: {  	_ =	swait.ge [sflag:s30], $0x2000  }
0x7f: {  	[sflag:s30] =	ssyncset.done $0x0  }
0x80: {  	[sflag:s30] =	ssyncadd.s32 $0xFFFFE000  }
0x81: {  	_ =	swait.ge [sflag:s31], $0x2000  }
0x82: {  	[sflag:s31] =	ssyncset.done $0x0  }
0x83: {  	[sflag:s31] =	ssyncadd.s32 $0xFFFFE000  }
0x84: {  	[spmem:s2] =	stream.indirect.scatter.add.f32 [tilespmem:s23], [sflag:$0x8], $0x40, s1, s20, $0xb8;
	[tilespmem:$0x1EB00] =	vst v63  }
0x85: {  	_ =	swait.ge [sflag:s0], $0x2000  }
0x86: {  	[sflag:s0] =	ssyncset.done $0x0  }
0x87: {  	[sflag:s0] =	ssyncadd.s32 $0xFFFFE000  }
0x88: {  	_ =	swait.ge [sflag:s7], $0x2000  }
0x89: {  	[sflag:s7] =	ssyncset.done $0x0  }
0x8a: {  	[sflag:s7] =	ssyncadd.s32 $0xFFFFE000  }
0x8b: {  	[spmem:s2] =	stream.indirect.scatter.add.f32 [tilespmem:s29], [sflag:$0x9], $0x40, s8, s20, $0xb8;
	[tilespmem:$0x1EB00] =	vst v63  }
0x8c: {  	_ =	swait.ge [sflag:s10], $0x2000  }
0x8d: {  	[sflag:s10] =	ssyncset.done $0x0  }
0x8e: {  	[sflag:s10] =	ssyncadd.s32 $0xFFFFE000  }
0x8f: {  	[bflag:$0x0] =	sbarrier.arrive $0xFFFF  }
0x90: {  	s6 =	rddreg [dreg:$0x8]  }
0x91: {  	s9 =	rddreg [dreg:$0xb]  }
0x92: {  	[hbm:s6], [sflag:s17] =	dma.local [spmem:s9], $0x3100  }
0x93: {  	_ =	swait.ge [sflag:s18], $0x3100  }
0x94: {  	s14 =	smov.u32 s17;
	s11 =	sadd.s32 $0x1, s11;
	s17 =	rddreg [dreg:$0x9]  }
0x95: {  	p0 =	sne.s32 s11, s17  }
.Ltmp1:
0x96: {  	_ = 	snop;
	(pc) =	sbr.rel @p0 .LBB2_1-.Ltmp1, $3  }
0x97: {  	_ =	sdelay $0x1  }
0x98: {  	[sflag:s18] =	ssyncset.done $0x0  }
0x99: {  	[sflag:s18] =	ssyncadd.s32 $0xFFFFCF00  }
0x9a: {  	_ =	sfence.sel $0x180000  }
0x9b: {  	[bflag:$0x0] =	sbarrier.arrive $0xFFFF  }
0x9c: {  	_ =	strace $0x90000050  }
0x9d: {  	s0 =	stileid.u32;
	[bflag:$0x2] =	sbarrier.arrive $0xFFFF  }
0x9e: {  	p0 =	sne.s32 s0, $0x0;
	s0 =	rddreg [dreg:$0x2]  }
0x9f: {  	s0 =	sadd.s32 @!p0 $0x100000, s0  }
0xa0: {  	[sflag:s0] =	ssyncadd.tile.s32 @!p0 $0x1;
	_ =	shalt  }
.Lfunc_end2:
_tile_overlayer_lowered:
.L_overlay_start_2:
0xa1: {  	(tag) =	ssettag $0x2  }
0xa2: {  	s0 =	rddreg [dreg:$0x0];
	s2 =	stileid.u32  }
0xa3: {  	s1 =	rddreg [dreg:$0x1];
	p0 =	sne.s32 s2, $0x0  }
0xa4: {  	s3 =	rddreg [dreg:$0x2];
	[bflag:$0x3] =	sbarrier.arrive $0xFFFF;
	s2 =	simm.s32 @!p0 $0x1C0A  }
0xa5: {  	[timem:s3], [sflag:s2] =	dma.local @!p0 [hbm:s0], s1  }
0xa6: {  	s0 =	simm.s32 @!p0 $0xA  }
0xa7: {  	_ =	swait.ge @!p0 [sflag:s0], s1  }
0xa8: {  	s1 =	ssub.s32 @!p0 $0x0, s1;
	[sflag:s0] =	ssyncset.done @!p0 $0x0  }
0xa9: {  	[sflag:s0] =	ssyncadd.s32 @!p0 s1  }
0xaa: {  	[bflag:$0x3] =	sbarrier.arrive $0xFFFF  }
0xab: {  	_ =	shalt  }

</sc_bundles>
